<compile_context>
chip_gen: v7x
topology: tpu7x:2x2x1
jax: 0.10.2.dev20260603
libtpu: 0.0.44.dev20260713+nightly
codegen_flags: <defaults>
</compile_context>

<pallas_src>
import functools

import jax
import jax.numpy as jnp
from jax import lax
from jax.experimental import pallas as pl
from jax.experimental.pallas import tpu as pltpu
from jax.experimental.pallas import tpu_sc as plsc

N = 10000
E = 320000
D = 128
T = 2

NC = 2
NS = 16
LANES = 128
G = 80
KSEG = 8
NBUF = 4
SEG_C0 = 30
SEG_C1 = 2
TOT_SEG = NS * (SEG_C0 + SEG_C1)
EPT = 16 * KSEG * G
NVEC = EPT // 16
E_PAD = TOT_SEG * KSEG * G
N_PAD = 10240
ROWS_PER_SUB = N_PAD // NS
HR = N_PAD // 128
BN = 2000
GRID = N // BN



def _deg_body(dst_hbm, zeros_hbm, iota_hbm, deg_out,
              idx_v, hist, col_v, i80_v, acc):
    cid = lax.axis_index("c")
    sid = lax.axis_index("s")
    pltpu.sync_copy(zeros_hbm, hist)

    @pl.when(sid == 0)
    def _():
        pltpu.sync_copy(hist, acc)

    plsc.subcore_barrier()
    pltpu.sync_copy(dst_hbm.at[cid, sid], idx_v)
    pltpu.sync_copy(iota_hbm, i80_v)

    @pl.loop(0, NVEC)
    def _(j):
        d = idx_v[j]
        cnt, last = plsc.scan_count(d)
        r = lax.shift_right_logical(d, 7)
        c = lax.bitwise_and(d, 127)
        plsc.addupdate_scatter(hist, [r, c], cnt.astype(jnp.float32),
                               mask=last)

    pltpu.sync_copy(hist, acc.at[i80_v], add=True)
    plsc.subcore_barrier()
    pltpu.sync_copy(acc.at[pl.ds(sid * 5, 5)], hist.at[pl.ds(0, 5)])
    for kk in range(ROWS_PER_SUB // 16):
        col_v[pl.ds(kk * 16, 16)] = hist[kk // 8, pl.ds((kk % 8) * 16, 16)]
    pltpu.sync_copy(col_v, deg_out.at[cid, pl.ds(sid * ROWS_PER_SUB,
                                                 ROWS_PER_SUB)])



def _agg_body(y_hbm, eidx_hbm, zeros_hbm, agg_out,
              idx_v, bufs, gsems, ssems, acc):
    cid = lax.axis_index("c")
    sid = lax.axis_index("s")

    pltpu.sync_copy(zeros_hbm, bufs[0])
    for t in range(ROWS_PER_SUB // G):
        pltpu.sync_copy(
            bufs[0], acc.at[pl.ds(sid * ROWS_PER_SUB + t * G, G)])
    plsc.subcore_barrier()

    base = jnp.where(cid == 0, sid * SEG_C0, NS * SEG_C0 + sid * SEG_C1)
    nseg = jnp.where(cid == 0, SEG_C0, SEG_C1)

    @pl.loop(0, nseg)
    def _(seg):
        pltpu.sync_copy(eidx_hbm.at[base + seg], idx_v)
        hg = [None] * NBUF
        hs = [None] * NBUF

        def gather(j):
            b = j % NBUF
            if hs[b] is not None:
                hs[b].wait()
            hg[b] = pltpu.async_copy(
                y_hbm.at[idx_v.at[0, j]], bufs[b], gsems[b])

        def scat(j):
            b = j % NBUF
            hg[b].wait()
            hs[b] = pltpu.async_copy(
                bufs[b], acc.at[idx_v.at[1, j]], ssems[b], add=True)

        for j in range(KSEG):
            gather(j)
            jj = j - (NBUF - 1)
            if jj >= 0:
                scat(jj)
        for jj in range(KSEG - NBUF + 1, KSEG):
            scat(jj)
        for b in range(NBUF):
            hs[b].wait()

    plsc.subcore_barrier()
    for t in range(ROWS_PER_SUB // G):
        base = sid * ROWS_PER_SUB + t * G
        pltpu.sync_copy(acc.at[pl.ds(base, G)], bufs[0])
        pltpu.sync_copy(bufs[0], agg_out.at[cid, pl.ds(base, G)])


@functools.cache
def _sc_kernels():
    mesh = plsc.VectorSubcoreMesh(core_axis_name="c", subcore_axis_name="s")
    deg_kernel = pl.kernel(
        _deg_body,
        out_type=jax.ShapeDtypeStruct((NC, N_PAD), jnp.float32),
        mesh=mesh,
        compiler_params=pltpu.CompilerParams(needs_layout_passes=False),
        scratch_types=[
            pltpu.VMEM((NVEC, 16), jnp.int32),
            pltpu.VMEM((HR, 128), jnp.float32),
            pltpu.VMEM((ROWS_PER_SUB,), jnp.float32),
            pltpu.VMEM((HR,), jnp.int32),
            pltpu.VMEM_SHARED((HR, 128), jnp.float32),
        ],
    )
    agg_kernel = pl.kernel(
        _agg_body,
        out_type=jax.ShapeDtypeStruct((NC, N_PAD, D), jnp.float32),
        mesh=mesh,
        scratch_types=[
            pltpu.VMEM((2, KSEG, G), jnp.int32),
            [pltpu.VMEM((G, D), jnp.float32) for _ in range(NBUF)],
            [pltpu.SemaphoreType.DMA for _ in range(NBUF)],
            [pltpu.SemaphoreType.DMA for _ in range(NBUF)],
            pltpu.VMEM_SHARED((N_PAD, D), jnp.float32),
        ],
    )
    return deg_kernel, agg_kernel



def _y_body(x_ref, w_ref, degp_ref, y_ref):
    deg = degp_ref[0] + degp_ref[1] + 1.0
    dis = lax.rsqrt(deg)
    xw = jnp.dot(x_ref[...], w_ref[...], preferred_element_type=jnp.float32)
    y_ref[...] = xw * dis



def _fin_body(aggp_ref, y_ref, degp_ref, wout_ref, bout_ref, out_ref, h_ref):
    deg = degp_ref[0] + degp_ref[1] + 1.0
    dis = lax.rsqrt(deg)
    s = aggp_ref[0] + aggp_ref[1] + y_ref[...]
    h = jnp.maximum(dis * s, 0.0)
    h_ref[...] = h
    out_ref[...] = (
        jnp.dot(h, wout_ref[...], preferred_element_type=jnp.float32)
        + bout_ref[...])


def kernel(x, edge_index, mask, W, W_out, b_out):
    del mask
    src = edge_index[0]
    dst = edge_index[1]
    pad = E_PAD - E
    src_p = jnp.concatenate(
        [src, jnp.zeros((pad,), jnp.int32)]).reshape(TOT_SEG, KSEG, G)
    dst_flat = jnp.concatenate([dst, jnp.full((pad,), N, jnp.int32)])
    dst_p = dst_flat.reshape(TOT_SEG, KSEG, G)
    eidx_p = jnp.stack([src_p, dst_p], axis=1)
    dst_p16 = dst_flat.reshape(NC, NS, NVEC, 16)

    zerosH = jnp.zeros((HR, 128), jnp.float32)
    zerosD = jnp.zeros((G, D), jnp.float32)
    iotaH = jnp.arange(HR, dtype=jnp.int32)

    deg_kernel, agg_kernel = _sc_kernels()
    degp = deg_kernel(dst_p16, zerosH, iotaH)
    degp3 = degp.reshape(NC, N_PAD, 1)

    y = pl.pallas_call(
        _y_body,
        grid=(GRID,),
        in_specs=[
            pl.BlockSpec((BN, D), lambda i: (i, 0)),
            pl.BlockSpec((D, D), lambda i: (0, 0)),
            pl.BlockSpec((NC, BN, 1), lambda i: (0, i, 0)),
        ],
        out_specs=pl.BlockSpec((BN, D), lambda i: (i, 0)),
        out_shape=jax.ShapeDtypeStruct((N, D), jnp.float32),
    )(x, W, degp3)

    aggp = agg_kernel(y, eidx_p, zerosD)

    out, h = pl.pallas_call(
        _fin_body,
        grid=(GRID,),
        in_specs=[
            pl.BlockSpec((NC, BN, D), lambda i: (0, i, 0)),
            pl.BlockSpec((BN, D), lambda i: (i, 0)),
            pl.BlockSpec((NC, BN, 1), lambda i: (0, i, 0)),
            pl.BlockSpec((D, T), lambda i: (0, 0)),
            pl.BlockSpec((1, T), lambda i: (0, 0)),
        ],
        out_specs=[
            pl.BlockSpec((BN, T), lambda i: (i, 0)),
            pl.BlockSpec((BN, D), lambda i: (i, 0)),
        ],
        out_shape=[
            jax.ShapeDtypeStruct((N, T), jnp.float32),
            jax.ShapeDtypeStruct((N, D), jnp.float32),
        ],
    )(aggp, y, degp3, W_out, b_out.reshape(1, T))

    return (out, h)

# --- scband reference (transcript-rebuilt; emitter-appended) ---
"""Pipeline reference for scband-evolve-gcnmodel-46858093199618 (READ-ONLY COPY).

The authoritative reference and input builder live on the scoring server;
editing this copy changes nothing except your own understanding.
"""

import jax, jax.numpy as jnp
import numpy as np

N = 10000
E = 320000
D = 128
T = 2

def setup_inputs(seed: int = 0) -> dict:
    key = jax.random.key(seed)
    k1, k2, k3, k4 = jax.random.split(key, 4)
    x = jax.random.normal(k1, (N, D), dtype=jnp.float32)
    edge_index = jax.random.randint(k2, (2, E), 0, N, dtype=jnp.int32)
    mask = jnp.ones((N,), dtype=bool)
    # GCN layer weight (self.model ~ single GCNConv with evolving weight) and linear readout predictor
    W = jax.random.normal(k3, (D, D), dtype=jnp.float32) * 0.05
    W_out = jax.random.normal(k4, (D, T), dtype=jnp.float32) * 0.05
    b_out = jnp.zeros((T,), dtype=jnp.float32)
    return {"x": x, "edge_index": edge_index, "mask": mask, "W": W, "W_out": W_out, "b_out": b_out}

def reference(x, edge_index, mask, W, W_out, b_out):
    # h = self.model(x, edge_index): GCN conv with symmetric normalization + self-loops
    src = edge_index[0]
    dst = edge_index[1]
    ones = jnp.ones((E,), dtype=jnp.float32)
    deg = jax.ops.segment_sum(ones, dst, num_segments=N) + 1.0  # +1 for self-loop
    deg_inv_sqrt = 1.0 / jnp.sqrt(deg)
    xw = x @ W
    norm = deg_inv_sqrt[src] * deg_inv_sqrt[dst]
    msgs = xw[src] * norm[:, None]
    agg = jax.ops.segment_sum(msgs, dst, num_segments=N)
    h = agg + xw * (deg_inv_sqrt * deg_inv_sqrt)[:, None]  # self-loop term
    # h = torch.relu(h)
    h = jax.nn.relu(h)
    # no link_pred_ids in snapshot -> h_cat = h
    h_cat = h
    # out, _ = self.predictor(h_cat, None): linear readout to dim_target
    out = h_cat @ W_out + b_out
    # node_mask is None -> no masking
    return (out, h)

if __name__ == "__main__":
    import jax
    _d = setup_inputs()
    print(jax.jit(kernel)(*tuple(_d.values())))

</pallas_src>

<mosaic_0001>
#map = affine_map<(d0, d1) -> (0, 0, 0, 0)>
#map1 = affine_map<(d0, d1) -> (0, 0)>
#map2 = affine_map<(d0, d1) -> (0)>
module attributes {stable_mosaic.version = 14 : i64} {
  func.func @_deg_body(%arg0: i32, %arg1: i32, %arg2: memref<2x16x640x16xi32, #tpu.memory_space<hbm>>, %arg3: memref<80x128xf32, #tpu.memory_space<hbm>>, %arg4: memref<80xi32, #tpu.memory_space<hbm>>, %arg5: memref<2x10240xf32, #tpu.memory_space<hbm>>, %arg6: memref<640x16xi32, #tpu.memory_space<vmem>>, %arg7: memref<80x128xf32, #tpu.memory_space<vmem>>, %arg8: memref<640xf32, #tpu.memory_space<vmem>>, %arg9: memref<80xi32, #tpu.memory_space<vmem>>, %arg10: memref<80x128xf32, #tpu.memory_space<vmem_shared>>) attributes {dimension_semantics = [#tpu.dimension_semantics<core_parallel>, #tpu.dimension_semantics<subcore_parallel>], iteration_bounds = array<i64: 2, 16>, scalar_prefetch = 0 : i64, scratch_operands = 5 : i64, tpu.core_type = #tpu.core_type<sc_vector_subcore>, window_params = [{transform_indices = #map}, {transform_indices = #map1}, {transform_indices = #map2}, {transform_indices = #map1}]} {
    "tpu.region"() ({
      %run_scoped3A = tpu.sem_alloc : memref<!tpu.dma_semaphore, #tpu.memory_space<semaphore_mem>>
      tpu.enqueue_dma source(%arg3 : memref<80x128xf32, #tpu.memory_space<hbm>>) target(%arg7 : memref<80x128xf32, #tpu.memory_space<vmem>>) target_semaphore(%run_scoped3A : memref<!tpu.dma_semaphore, #tpu.memory_space<semaphore_mem>>)
      tpu.wait_dma2 semaphore(%run_scoped3A : memref<!tpu.dma_semaphore, #tpu.memory_space<semaphore_mem>>) src(%arg3 : memref<80x128xf32, #tpu.memory_space<hbm>>) dst(%arg7 : memref<80x128xf32, #tpu.memory_space<vmem>>)
      tpu.yield
    }) : () -> ()
    %eq3A = arith.constant 0 : i32
    %eq3A_0 = arith.cmpi eq, %arg1, %eq3A : i32
    %convert_element_type3A = arith.extui %eq3A_0 : i1 to i32
    %cond3A = arith.constant 0 : i32
    %cond3A_1 = arith.cmpi ne, %convert_element_type3A, %cond3A : i32
    scf.if %cond3A_1 {
      "tpu.region"() ({
        %run_scoped3A = tpu.sem_alloc : memref<!tpu.dma_semaphore, #tpu.memory_space<semaphore_mem>>
        tpu.enqueue_dma source(%arg7 : memref<80x128xf32, #tpu.memory_space<vmem>>) target(%arg10 : memref<80x128xf32, #tpu.memory_space<vmem_shared>>) target_semaphore(%run_scoped3A : memref<!tpu.dma_semaphore, #tpu.memory_space<semaphore_mem>>)
        tpu.wait_dma2 semaphore(%run_scoped3A : memref<!tpu.dma_semaphore, #tpu.memory_space<semaphore_mem>>) src(%arg7 : memref<80x128xf32, #tpu.memory_space<vmem>>) dst(%arg10 : memref<80x128xf32, #tpu.memory_space<vmem_shared>>)
        tpu.yield
      }) : () -> ()
    } else {
    }
    %barrier3A = arith.constant 0 : index
    tpu.barrier barrier_id(%barrier3A)
    "tpu.region"() ({
      %run_scoped3A = tpu.sem_alloc : memref<!tpu.dma_semaphore, #tpu.memory_space<semaphore_mem>>
      %dma_start3A = arith.constant 0 : i32
      %dma_start3A_248 = arith.constant 0 : i32
      %dma_start3A_249 = tpu.memref_slice %arg2[%arg0, %arg1, %dma_start3A, %dma_start3A_248] : memref<2x16x640x16xi32, #tpu.memory_space<hbm>> -> memref<1x1x640x16xi32, #tpu.memory_space<hbm>>
      %dma_start3A_250 = tpu.memref_squeeze %dma_start3A_249 : memref<1x1x640x16xi32, #tpu.memory_space<hbm>> -> memref<640x16xi32, #tpu.memory_space<hbm>>
      %dma_start3A_251 = arith.constant 0 : i32
      %dma_start3A_252 = arith.constant 0 : i32
      %dma_start3A_253 = tpu.memref_slice %arg2[%arg0, %arg1, %dma_start3A_251, %dma_start3A_252] : memref<2x16x640x16xi32, #tpu.memory_space<hbm>> -> memref<1x1x640x16xi32, #tpu.memory_space<hbm>>
      %dma_start3A_254 = tpu.memref_squeeze %dma_start3A_253 : memref<1x1x640x16xi32, #tpu.memory_space<hbm>> -> memref<640x16xi32, #tpu.memory_space<hbm>>
      tpu.enqueue_dma source(%dma_start3A_254 : memref<640x16xi32, #tpu.memory_space<hbm>>) target(%arg6 : memref<640x16xi32, #tpu.memory_space<vmem>>) target_semaphore(%run_scoped3A : memref<!tpu.dma_semaphore, #tpu.memory_space<semaphore_mem>>)
      %dma_wait3A = arith.constant 0 : i32
      %dma_wait3A_255 = arith.constant 0 : i32
      %dma_wait3A_256 = tpu.memref_slice %arg2[%arg0, %arg1, %dma_wait3A, %dma_wait3A_255] : memref<2x16x640x16xi32, #tpu.memory_space<hbm>> -> memref<1x1x640x16xi32, #tpu.memory_space<hbm>>
      %dma_wait3A_257 = tpu.memref_squeeze %dma_wait3A_256 : memref<1x1x640x16xi32, #tpu.memory_space<hbm>> -> memref<640x16xi32, #tpu.memory_space<hbm>>
      %dma_wait3A_258 = arith.constant 0 : i32
      %dma_wait3A_259 = arith.constant 0 : i32
      %dma_wait3A_260 = tpu.memref_slice %arg2[%arg0, %arg1, %dma_wait3A_258, %dma_wait3A_259] : memref<2x16x640x16xi32, #tpu.memory_space<hbm>> -> memref<1x1x640x16xi32, #tpu.memory_space<hbm>>
      %dma_wait3A_261 = tpu.memref_squeeze %dma_wait3A_260 : memref<1x1x640x16xi32, #tpu.memory_space<hbm>> -> memref<640x16xi32, #tpu.memory_space<hbm>>
      tpu.wait_dma2 semaphore(%run_scoped3A : memref<!tpu.dma_semaphore, #tpu.memory_space<semaphore_mem>>) src(%dma_wait3A_261 : memref<640x16xi32, #tpu.memory_space<hbm>>) dst(%arg6 : memref<640x16xi32, #tpu.memory_space<vmem>>)
      tpu.yield
    }) : () -> ()
    "tpu.region"() ({
      %run_scoped3A = tpu.sem_alloc : memref<!tpu.dma_semaphore, #tpu.memory_space<semaphore_mem>>
      tpu.enqueue_dma source(%arg4 : memref<80xi32, #tpu.memory_space<hbm>>) target(%arg9 : memref<80xi32, #tpu.memory_space<vmem>>) target_semaphore(%run_scoped3A : memref<!tpu.dma_semaphore, #tpu.memory_space<semaphore_mem>>)
      tpu.wait_dma2 semaphore(%run_scoped3A : memref<!tpu.dma_semaphore, #tpu.memory_space<semaphore_mem>>) src(%arg4 : memref<80xi32, #tpu.memory_space<hbm>>) dst(%arg9 : memref<80xi32, #tpu.memory_space<vmem>>)
      tpu.yield
    }) : () -> ()
    %scan3A = arith.constant 0 : i32
    %scan3A_2 = arith.constant 640 : i32
    %scan3A_3 = arith.addi %scan3A, %scan3A_2 : i32
    %scan3A_4 = arith.constant 1 : i32
    scf.for %scan3A_248 = %scan3A to %scan3A_3 step %scan3A_4  : i32 {
      %mul3A_249 = arith.constant 1 : i32
      %mul3A_250 = arith.muli %scan3A_248, %mul3A_249 : i32
      %add3A = arith.constant 0 : i32
      %add3A_251 = arith.addi %add3A, %mul3A_250 : i32
      %get3A_252 = arith.index_cast %add3A_251 : i32 to index
      %get3A_253 = arith.constant 0 : index
      %get3A_254 = tpu.vector_load %arg6[%get3A_252, %get3A_253] {strides = array<i32>} : memref<640x16xi32, #tpu.memory_space<vmem>>, vector<16xi32>,
      %broadcast_in_dim3A = arith.constant true
      %broadcast_in_dim3A_255 = vector.broadcast %broadcast_in_dim3A : i1 to vector<16xi1>
      %unique3A, %unique3A_256 = tpu.scan_count mask(%broadcast_in_dim3A_255 : vector<16xi1>) value(%get3A_254 : vector<16xi32>) : vector<16xi1>, vector<16xi32>
      %shift_right_logical3A = arith.constant 7 : i32
      %shift_right_logical3A_257 = vector.broadcast %shift_right_logical3A : i32 to vector<16xi32>
      %shift_right_logical3A_258 = arith.shrui %get3A_254, %shift_right_logical3A_257 : vector<16xi32>
      %and3A = arith.constant 127 : i32
      %and3A_259 = vector.broadcast %and3A : i32 to vector<16xi32>
      %and3A_260 = arith.andi %get3A_254, %and3A_259 : vector<16xi32>
      %convert_element_type3A_261 = arith.sitofp %unique3A_256 : vector<16xi32> to vector<16xf32>
      tpu.vector_store_idx %arg7[%shift_right_logical3A_258, %and3A_260], %convert_element_type3A_261 masked %unique3A {add = true} : memref<80x128xf32, #tpu.memory_space<vmem>>[vector<16xi32>, vector<16xi32>], vector<16xf32>, vector<16xi1>
    }
    %scan3A_5 = arith.constant 640 : i32
    "tpu.region"() ({
      %run_scoped3A = tpu.sem_alloc : memref<!tpu.dma_semaphore, #tpu.memory_space<semaphore_mem>>
      %dma_start3A = arith.constant 0 : i32
      %dma_start3A_248 = arith.constant 0 : i32
      %dma_start3A_249 = tpu.memref_slice %arg10[%dma_start3A, %dma_start3A_248] : memref<80x128xf32, #tpu.memory_space<vmem_shared>> -> memref<80x128xf32, #tpu.memory_space<vmem_shared>>
      tpu.enqueue_indirect_dma source(%arg7 : memref<80x128xf32, #tpu.memory_space<vmem>>) target(%dma_start3A_249 : memref<80x128xf32, #tpu.memory_space<vmem_shared>>) offsets(%arg9 : memref<80xi32, #tpu.memory_space<vmem>>) semaphore(%run_scoped3A : memref<!tpu.dma_semaphore, #tpu.memory_space<semaphore_mem>>) {add = true}
      %dma_wait3A = arith.constant 0 : i32
      %dma_wait3A_250 = arith.constant 0 : i32
      %dma_wait3A_251 = tpu.memref_slice %arg10[%dma_wait3A, %dma_wait3A_250] : memref<80x128xf32, #tpu.memory_space<vmem_shared>> -> memref<80x128xf32, #tpu.memory_space<vmem_shared>>
      tpu.wait_indirect_dma semaphore(%run_scoped3A : memref<!tpu.dma_semaphore, #tpu.memory_space<semaphore_mem>>) src(%arg7 : memref<80x128xf32, #tpu.memory_space<vmem>>) dst(%dma_wait3A_251 : memref<80x128xf32, #tpu.memory_space<vmem_shared>>)
      tpu.yield
    }) : () -> ()
    %barrier3A_6 = arith.constant 0 : index
    tpu.barrier barrier_id(%barrier3A_6)
    %mul3A = arith.constant 5 : i32
    %mul3A_7 = arith.muli %arg1, %mul3A : i32
    "tpu.region"() ({
      %run_scoped3A = tpu.sem_alloc : memref<!tpu.dma_semaphore, #tpu.memory_space<semaphore_mem>>
      %dma_start3A = arith.constant 0 : i32
      %dma_start3A_248 = arith.constant 0 : i32
      %dma_start3A_249 = tpu.memref_slice %arg7[%dma_start3A, %dma_start3A_248] : memref<80x128xf32, #tpu.memory_space<vmem>> -> memref<5x128xf32, #tpu.memory_space<vmem>>
      %dma_start3A_250 = arith.constant 0 : i32
      %dma_start3A_251 = tpu.memref_slice %arg10[%mul3A_7, %dma_start3A_250] : memref<80x128xf32, #tpu.memory_space<vmem_shared>> -> memref<5x128xf32, #tpu.memory_space<vmem_shared>>
      %dma_start3A_252 = arith.constant 0 : i32
      %dma_start3A_253 = arith.constant 0 : i32
      %dma_start3A_254 = tpu.memref_slice %arg7[%dma_start3A_252, %dma_start3A_253] : memref<80x128xf32, #tpu.memory_space<vmem>> -> memref<5x128xf32, #tpu.memory_space<vmem>>
      %dma_start3A_255 = arith.constant 0 : i32
      %dma_start3A_256 = tpu.memref_slice %arg10[%mul3A_7, %dma_start3A_255] : memref<80x128xf32, #tpu.memory_space<vmem_shared>> -> memref<5x128xf32, #tpu.memory_space<vmem_shared>>
      tpu.enqueue_dma source(%dma_start3A_256 : memref<5x128xf32, #tpu.memory_space<vmem_shared>>) target(%dma_start3A_254 : memref<5x128xf32, #tpu.memory_space<vmem>>) target_semaphore(%run_scoped3A : memref<!tpu.dma_semaphore, #tpu.memory_space<semaphore_mem>>)
      %dma_wait3A = arith.constant 0 : i32
      %dma_wait3A_257 = arith.constant 0 : i32
      %dma_wait3A_258 = tpu.memref_slice %arg7[%dma_wait3A, %dma_wait3A_257] : memref<80x128xf32, #tpu.memory_space<vmem>> -> memref<5x128xf32, #tpu.memory_space<vmem>>
      %dma_wait3A_259 = arith.constant 0 : i32
      %dma_wait3A_260 = tpu.memref_slice %arg10[%mul3A_7, %dma_wait3A_259] : memref<80x128xf32, #tpu.memory_space<vmem_shared>> -> memref<5x128xf32, #tpu.memory_space<vmem_shared>>
      %dma_wait3A_261 = arith.constant 0 : i32
      %dma_wait3A_262 = arith.constant 0 : i32
      %dma_wait3A_263 = tpu.memref_slice %arg7[%dma_wait3A_261, %dma_wait3A_262] : memref<80x128xf32, #tpu.memory_space<vmem>> -> memref<5x128xf32, #tpu.memory_space<vmem>>
      %dma_wait3A_264 = arith.constant 0 : i32
      %dma_wait3A_265 = tpu.memref_slice %arg10[%mul3A_7, %dma_wait3A_264] : memref<80x128xf32, #tpu.memory_space<vmem_shared>> -> memref<5x128xf32, #tpu.memory_space<vmem_shared>>
      tpu.wait_dma2 semaphore(%run_scoped3A : memref<!tpu.dma_semaphore, #tpu.memory_space<semaphore_mem>>) src(%dma_wait3A_265 : memref<5x128xf32, #tpu.memory_space<vmem_shared>>) dst(%dma_wait3A_263 : memref<5x128xf32, #tpu.memory_space<vmem>>)
      tpu.yield
    }) : () -> ()
    %get3A = arith.constant 0 : i32
    %get3A_8 = arith.index_cast %get3A : i32 to index
    %get3A_9 = arith.constant 0 : index
    %get3A_10 = tpu.vector_load %arg7[%get3A_8, %get3A_9] {strides = array<i32>} : memref<80x128xf32, #tpu.memory_space<vmem>>, vector<16xf32>,
    %swap3A = arith.constant 0 : index
    %swap3A_11 = tpu.vector_load %arg8[%swap3A] {strides = array<i32>} : memref<640xf32, #tpu.memory_space<vmem>>, vector<16xf32>,
    tpu.vector_store %arg8[%swap3A], %get3A_10 {strides = array<i32>} : memref<640xf32, #tpu.memory_space<vmem>>, vector<16xf32>,
    %get3A_12 = arith.constant 0 : i32
    %get3A_13 = arith.index_cast %get3A_12 : i32 to index
    %get3A_14 = arith.constant 16 : index
    %get3A_15 = tpu.vector_load %arg7[%get3A_13, %get3A_14] {strides = array<i32>} : memref<80x128xf32, #tpu.memory_space<vmem>>, vector<16xf32>,
    %swap3A_16 = arith.constant 16 : index
    %swap3A_17 = tpu.vector_load %arg8[%swap3A_16] {strides = array<i32>} : memref<640xf32, #tpu.memory_space<vmem>>, vector<16xf32>,
    tpu.vector_store %arg8[%swap3A_16], %get3A_15 {strides = array<i32>} : memref<640xf32, #tpu.memory_space<vmem>>, vector<16xf32>,
    %get3A_18 = arith.constant 0 : i32
    %get3A_19 = arith.index_cast %get3A_18 : i32 to index
    %get3A_20 = arith.constant 32 : index
    %get3A_21 = tpu.vector_load %arg7[%get3A_19, %get3A_20] {strides = array<i32>} : memref<80x128xf32, #tpu.memory_space<vmem>>, vector<16xf32>,
    %swap3A_22 = arith.constant 32 : index
    %swap3A_23 = tpu.vector_load %arg8[%swap3A_22] {strides = array<i32>} : memref<640xf32, #tpu.memory_space<vmem>>, vector<16xf32>,
    tpu.vector_store %arg8[%swap3A_22], %get3A_21 {strides = array<i32>} : memref<640xf32, #tpu.memory_space<vmem>>, vector<16xf32>,
    %get3A_24 = arith.constant 0 : i32
    %get3A_25 = arith.index_cast %get3A_24 : i32 to index
    %get3A_26 = arith.constant 48 : index
    %get3A_27 = tpu.vector_load %arg7[%get3A_25, %get3A_26] {strides = array<i32>} : memref<80x128xf32, #tpu.memory_space<vmem>>, vector<16xf32>,
    %swap3A_28 = arith.constant 48 : index
    %swap3A_29 = tpu.vector_load %arg8[%swap3A_28] {strides = array<i32>} : memref<640xf32, #tpu.memory_space<vmem>>, vector<16xf32>,
    tpu.vector_store %arg8[%swap3A_28], %get3A_27 {strides = array<i32>} : memref<640xf32, #tpu.memory_space<vmem>>, vector<16xf32>,
    %get3A_30 = arith.constant 0 : i32
    %get3A_31 = arith.index_cast %get3A_30 : i32 to index
    %get3A_32 = arith.constant 64 : index
    %get3A_33 = tpu.vector_load %arg7[%get3A_31, %get3A_32] {strides = array<i32>} : memref<80x128xf32, #tpu.memory_space<vmem>>, vector<16xf32>,
    %swap3A_34 = arith.constant 64 : index
    %swap3A_35 = tpu.vector_load %arg8[%swap3A_34] {strides = array<i32>} : memref<640xf32, #tpu.memory_space<vmem>>, vector<16xf32>,
    tpu.vector_store %arg8[%swap3A_34], %get3A_33 {strides = array<i32>} : memref<640xf32, #tpu.memory_space<vmem>>, vector<16xf32>,
    %get3A_36 = arith.constant 0 : i32
    %get3A_37 = arith.index_cast %get3A_36 : i32 to index
    %get3A_38 = arith.constant 80 : index
    %get3A_39 = tpu.vector_load %arg7[%get3A_37, %get3A_38] {strides = array<i32>} : memref<80x128xf32, #tpu.memory_space<vmem>>, vector<16xf32>,
    %swap3A_40 = arith.constant 80 : index
    %swap3A_41 = tpu.vector_load %arg8[%swap3A_40] {strides = array<i32>} : memref<640xf32, #tpu.memory_space<vmem>>, vector<16xf32>,
    tpu.vector_store %arg8[%swap3A_40], %get3A_39 {strides = array<i32>} : memref<640xf32, #tpu.memory_space<vmem>>, vector<16xf32>,
    %get3A_42 = arith.constant 0 : i32
    %get3A_43 = arith.index_cast %get3A_42 : i32 to index
    %get3A_44 = arith.constant 96 : index
    %get3A_45 = tpu.vector_load %arg7[%get3A_43, %get3A_44] {strides = array<i32>} : memref<80x128xf32, #tpu.memory_space<vmem>>, vector<16xf32>,
    %swap3A_46 = arith.constant 96 : index
    %swap3A_47 = tpu.vector_load %arg8[%swap3A_46] {strides = array<i32>} : memref<640xf32, #tpu.memory_space<vmem>>, vector<16xf32>,
    tpu.vector_store %arg8[%swap3A_46], %get3A_45 {strides = array<i32>} : memref<640xf32, #tpu.memory_space<vmem>>, vector<16xf32>,
    %get3A_48 = arith.constant 0 : i32
    %get3A_49 = arith.index_cast %get3A_48 : i32 to index
    %get3A_50 = arith.constant 112 : index
    %get3A_51 = tpu.vector_load %arg7[%get3A_49, %get3A_50] {strides = array<i32>} : memref<80x128xf32, #tpu.memory_space<vmem>>, vector<16xf32>,
    %swap3A_52 = arith.constant 112 : index
    %swap3A_53 = tpu.vector_load %arg8[%swap3A_52] {strides = array<i32>} : memref<640xf32, #tpu.memory_space<vmem>>, vector<16xf32>,
    tpu.vector_store %arg8[%swap3A_52], %get3A_51 {strides = array<i32>} : memref<640xf32, #tpu.memory_space<vmem>>, vector<16xf32>,
    %get3A_54 = arith.constant 1 : i32
    %get3A_55 = arith.index_cast %get3A_54 : i32 to index
    %get3A_56 = arith.constant 0 : index
    %get3A_57 = tpu.vector_load %arg7[%get3A_55, %get3A_56] {strides = array<i32>} : memref<80x128xf32, #tpu.memory_space<vmem>>, vector<16xf32>,
    %swap3A_58 = arith.constant 128 : index
    %swap3A_59 = tpu.vector_load %arg8[%swap3A_58] {strides = array<i32>} : memref<640xf32, #tpu.memory_space<vmem>>, vector<16xf32>,
    tpu.vector_store %arg8[%swap3A_58], %get3A_57 {strides = array<i32>} : memref<640xf32, #tpu.memory_space<vmem>>, vector<16xf32>,
    %get3A_60 = arith.constant 1 : i32
    %get3A_61 = arith.index_cast %get3A_60 : i32 to index
    %get3A_62 = arith.constant 16 : index
    %get3A_63 = tpu.vector_load %arg7[%get3A_61, %get3A_62] {strides = array<i32>} : memref<80x128xf32, #tpu.memory_space<vmem>>, vector<16xf32>,
    %swap3A_64 = arith.constant 144 : index
    %swap3A_65 = tpu.vector_load %arg8[%swap3A_64] {strides = array<i32>} : memref<640xf32, #tpu.memory_space<vmem>>, vector<16xf32>,
    tpu.vector_store %arg8[%swap3A_64], %get3A_63 {strides = array<i32>} : memref<640xf32, #tpu.memory_space<vmem>>, vector<16xf32>,
    %get3A_66 = arith.constant 1 : i32
    %get3A_67 = arith.index_cast %get3A_66 : i32 to index
    %get3A_68 = arith.constant 32 : index
    %get3A_69 = tpu.vector_load %arg7[%get3A_67, %get3A_68] {strides = array<i32>} : memref<80x128xf32, #tpu.memory_space<vmem>>, vector<16xf32>,
    %swap3A_70 = arith.constant 160 : index
    %swap3A_71 = tpu.vector_load %arg8[%swap3A_70] {strides = array<i32>} : memref<640xf32, #tpu.memory_space<vmem>>, vector<16xf32>,
    tpu.vector_store %arg8[%swap3A_70], %get3A_69 {strides = array<i32>} : memref<640xf32, #tpu.memory_space<vmem>>, vector<16xf32>,
    %get3A_72 = arith.constant 1 : i32
    %get3A_73 = arith.index_cast %get3A_72 : i32 to index
    %get3A_74 = arith.constant 48 : index
    %get3A_75 = tpu.vector_load %arg7[%get3A_73, %get3A_74] {strides = array<i32>} : memref<80x128xf32, #tpu.memory_space<vmem>>, vector<16xf32>,
    %swap3A_76 = arith.constant 176 : index
    %swap3A_77 = tpu.vector_load %arg8[%swap3A_76] {strides = array<i32>} : memref<640xf32, #tpu.memory_space<vmem>>, vector<16xf32>,
    tpu.vector_store %arg8[%swap3A_76], %get3A_75 {strides = array<i32>} : memref<640xf32, #tpu.memory_space<vmem>>, vector<16xf32>,
    %get3A_78 = arith.constant 1 : i32
    %get3A_79 = arith.index_cast %get3A_78 : i32 to index
    %get3A_80 = arith.constant 64 : index
    %get3A_81 = tpu.vector_load %arg7[%get3A_79, %get3A_80] {strides = array<i32>} : memref<80x128xf32, #tpu.memory_space<vmem>>, vector<16xf32>,
    %swap3A_82 = arith.constant 192 : index
    %swap3A_83 = tpu.vector_load %arg8[%swap3A_82] {strides = array<i32>} : memref<640xf32, #tpu.memory_space<vmem>>, vector<16xf32>,
    tpu.vector_store %arg8[%swap3A_82], %get3A_81 {strides = array<i32>} : memref<640xf32, #tpu.memory_space<vmem>>, vector<16xf32>,
    %get3A_84 = arith.constant 1 : i32
    %get3A_85 = arith.index_cast %get3A_84 : i32 to index
    %get3A_86 = arith.constant 80 : index
    %get3A_87 = tpu.vector_load %arg7[%get3A_85, %get3A_86] {strides = array<i32>} : memref<80x128xf32, #tpu.memory_space<vmem>>, vector<16xf32>,
    %swap3A_88 = arith.constant 208 : index
    %swap3A_89 = tpu.vector_load %arg8[%swap3A_88] {strides = array<i32>} : memref<640xf32, #tpu.memory_space<vmem>>, vector<16xf32>,
    tpu.vector_store %arg8[%swap3A_88], %get3A_87 {strides = array<i32>} : memref<640xf32, #tpu.memory_space<vmem>>, vector<16xf32>,
    %get3A_90 = arith.constant 1 : i32
    %get3A_91 = arith.index_cast %get3A_90 : i32 to index
    %get3A_92 = arith.constant 96 : index
    %get3A_93 = tpu.vector_load %arg7[%get3A_91, %get3A_92] {strides = array<i32>} : memref<80x128xf32, #tpu.memory_space<vmem>>, vector<16xf32>,
    %swap3A_94 = arith.constant 224 : index
    %swap3A_95 = tpu.vector_load %arg8[%swap3A_94] {strides = array<i32>} : memref<640xf32, #tpu.memory_space<vmem>>, vector<16xf32>,
    tpu.vector_store %arg8[%swap3A_94], %get3A_93 {strides = array<i32>} : memref<640xf32, #tpu.memory_space<vmem>>, vector<16xf32>,
    %get3A_96 = arith.constant 1 : i32
    %get3A_97 = arith.index_cast %get3A_96 : i32 to index
    %get3A_98 = arith.constant 112 : index
    %get3A_99 = tpu.vector_load %arg7[%get3A_97, %get3A_98] {strides = array<i32>} : memref<80x128xf32, #tpu.memory_space<vmem>>, vector<16xf32>,
    %swap3A_100 = arith.constant 240 : index
    %swap3A_101 = tpu.vector_load %arg8[%swap3A_100] {strides = array<i32>} : memref<640xf32, #tpu.memory_space<vmem>>, vector<16xf32>,
    tpu.vector_store %arg8[%swap3A_100], %get3A_99 {strides = array<i32>} : memref<640xf32, #tpu.memory_space<vmem>>, vector<16xf32>,
    %get3A_102 = arith.constant 2 : i32
    %get3A_103 = arith.index_cast %get3A_102 : i32 to index
    %get3A_104 = arith.constant 0 : index
    %get3A_105 = tpu.vector_load %arg7[%get3A_103, %get3A_104] {strides = array<i32>} : memref<80x128xf32, #tpu.memory_space<vmem>>, vector<16xf32>,
    %swap3A_106 = arith.constant 256 : index
    %swap3A_107 = tpu.vector_load %arg8[%swap3A_106] {strides = array<i32>} : memref<640xf32, #tpu.memory_space<vmem>>, vector<16xf32>,
    tpu.vector_store %arg8[%swap3A_106], %get3A_105 {strides = array<i32>} : memref<640xf32, #tpu.memory_space<vmem>>, vector<16xf32>,
    %get3A_108 = arith.constant 2 : i32
    %get3A_109 = arith.index_cast %get3A_108 : i32 to index
    %get3A_110 = arith.constant 16 : index
    %get3A_111 = tpu.vector_load %arg7[%get3A_109, %get3A_110] {strides = array<i32>} : memref<80x128xf32, #tpu.memory_space<vmem>>, vector<16xf32>,
    %swap3A_112 = arith.constant 272 : index
    %swap3A_113 = tpu.vector_load %arg8[%swap3A_112] {strides = array<i32>} : memref<640xf32, #tpu.memory_space<vmem>>, vector<16xf32>,
    tpu.vector_store %arg8[%swap3A_112], %get3A_111 {strides = array<i32>} : memref<640xf32, #tpu.memory_space<vmem>>, vector<16xf32>,
    %get3A_114 = arith.constant 2 : i32
    %get3A_115 = arith.index_cast %get3A_114 : i32 to index
    %get3A_116 = arith.constant 32 : index
    %get3A_117 = tpu.vector_load %arg7[%get3A_115, %get3A_116] {strides = array<i32>} : memref<80x128xf32, #tpu.memory_space<vmem>>, vector<16xf32>,
    %swap3A_118 = arith.constant 288 : index
    %swap3A_119 = tpu.vector_load %arg8[%swap3A_118] {strides = array<i32>} : memref<640xf32, #tpu.memory_space<vmem>>, vector<16xf32>,
    tpu.vector_store %arg8[%swap3A_118], %get3A_117 {strides = array<i32>} : memref<640xf32, #tpu.memory_space<vmem>>, vector<16xf32>,
    %get3A_120 = arith.constant 2 : i32
    %get3A_121 = arith.index_cast %get3A_120 : i32 to index
    %get3A_122 = arith.constant 48 : index
    %get3A_123 = tpu.vector_load %arg7[%get3A_121, %get3A_122] {strides = array<i32>} : memref<80x128xf32, #tpu.memory_space<vmem>>, vector<16xf32>,
    %swap3A_124 = arith.constant 304 : index
    %swap3A_125 = tpu.vector_load %arg8[%swap3A_124] {strides = array<i32>} : memref<640xf32, #tpu.memory_space<vmem>>, vector<16xf32>,
    tpu.vector_store %arg8[%swap3A_124], %get3A_123 {strides = array<i32>} : memref<640xf32, #tpu.memory_space<vmem>>, vector<16xf32>,
    %get3A_126 = arith.constant 2 : i32
    %get3A_127 = arith.index_cast %get3A_126 : i32 to index
    %get3A_128 = arith.constant 64 : index
    %get3A_129 = tpu.vector_load %arg7[%get3A_127, %get3A_128] {strides = array<i32>} : memref<80x128xf32, #tpu.memory_space<vmem>>, vector<16xf32>,
    %swap3A_130 = arith.constant 320 : index
    %swap3A_131 = tpu.vector_load %arg8[%swap3A_130] {strides = array<i32>} : memref<640xf32, #tpu.memory_space<vmem>>, vector<16xf32>,
    tpu.vector_store %arg8[%swap3A_130], %get3A_129 {strides = array<i32>} : memref<640xf32, #tpu.memory_space<vmem>>, vector<16xf32>,
    %get3A_132 = arith.constant 2 : i32
    %get3A_133 = arith.index_cast %get3A_132 : i32 to index
    %get3A_134 = arith.constant 80 : index
    %get3A_135 = tpu.vector_load %arg7[%get3A_133, %get3A_134] {strides = array<i32>} : memref<80x128xf32, #tpu.memory_space<vmem>>, vector<16xf32>,
    %swap3A_136 = arith.constant 336 : index
    %swap3A_137 = tpu.vector_load %arg8[%swap3A_136] {strides = array<i32>} : memref<640xf32, #tpu.memory_space<vmem>>, vector<16xf32>,
    tpu.vector_store %arg8[%swap3A_136], %get3A_135 {strides = array<i32>} : memref<640xf32, #tpu.memory_space<vmem>>, vector<16xf32>,
    %get3A_138 = arith.constant 2 : i32
    %get3A_139 = arith.index_cast %get3A_138 : i32 to index
    %get3A_140 = arith.constant 96 : index
    %get3A_141 = tpu.vector_load %arg7[%get3A_139, %get3A_140] {strides = array<i32>} : memref<80x128xf32, #tpu.memory_space<vmem>>, vector<16xf32>,
    %swap3A_142 = arith.constant 352 : index
    %swap3A_143 = tpu.vector_load %arg8[%swap3A_142] {strides = array<i32>} : memref<640xf32, #tpu.memory_space<vmem>>, vector<16xf32>,
    tpu.vector_store %arg8[%swap3A_142], %get3A_141 {strides = array<i32>} : memref<640xf32, #tpu.memory_space<vmem>>, vector<16xf32>,
    %get3A_144 = arith.constant 2 : i32
    %get3A_145 = arith.index_cast %get3A_144 : i32 to index
    %get3A_146 = arith.constant 112 : index
    %get3A_147 = tpu.vector_load %arg7[%get3A_145, %get3A_146] {strides = array<i32>} : memref<80x128xf32, #tpu.memory_space<vmem>>, vector<16xf32>,
    %swap3A_148 = arith.constant 368 : index
    %swap3A_149 = tpu.vector_load %arg8[%swap3A_148] {strides = array<i32>} : memref<640xf32, #tpu.memory_space<vmem>>, vector<16xf32>,
    tpu.vector_store %arg8[%swap3A_148], %get3A_147 {strides = array<i32>} : memref<640xf32, #tpu.memory_space<vmem>>, vector<16xf32>,
    %get3A_150 = arith.constant 3 : i32
    %get3A_151 = arith.index_cast %get3A_150 : i32 to index
    %get3A_152 = arith.constant 0 : index
    %get3A_153 = tpu.vector_load %arg7[%get3A_151, %get3A_152] {strides = array<i32>} : memref<80x128xf32, #tpu.memory_space<vmem>>, vector<16xf32>,
    %swap3A_154 = arith.constant 384 : index
    %swap3A_155 = tpu.vector_load %arg8[%swap3A_154] {strides = array<i32>} : memref<640xf32, #tpu.memory_space<vmem>>, vector<16xf32>,
    tpu.vector_store %arg8[%swap3A_154], %get3A_153 {strides = array<i32>} : memref<640xf32, #tpu.memory_space<vmem>>, vector<16xf32>,
    %get3A_156 = arith.constant 3 : i32
    %get3A_157 = arith.index_cast %get3A_156 : i32 to index
    %get3A_158 = arith.constant 16 : index
    %get3A_159 = tpu.vector_load %arg7[%get3A_157, %get3A_158] {strides = array<i32>} : memref<80x128xf32, #tpu.memory_space<vmem>>, vector<16xf32>,
    %swap3A_160 = arith.constant 400 : index
    %swap3A_161 = tpu.vector_load %arg8[%swap3A_160] {strides = array<i32>} : memref<640xf32, #tpu.memory_space<vmem>>, vector<16xf32>,
    tpu.vector_store %arg8[%swap3A_160], %get3A_159 {strides = array<i32>} : memref<640xf32, #tpu.memory_space<vmem>>, vector<16xf32>,
    %get3A_162 = arith.constant 3 : i32
    %get3A_163 = arith.index_cast %get3A_162 : i32 to index
    %get3A_164 = arith.constant 32 : index
    %get3A_165 = tpu.vector_load %arg7[%get3A_163, %get3A_164] {strides = array<i32>} : memref<80x128xf32, #tpu.memory_space<vmem>>, vector<16xf32>,
    %swap3A_166 = arith.constant 416 : index
    %swap3A_167 = tpu.vector_load %arg8[%swap3A_166] {strides = array<i32>} : memref<640xf32, #tpu.memory_space<vmem>>, vector<16xf32>,
    tpu.vector_store %arg8[%swap3A_166], %get3A_165 {strides = array<i32>} : memref<640xf32, #tpu.memory_space<vmem>>, vector<16xf32>,
    %get3A_168 = arith.constant 3 : i32
    %get3A_169 = arith.index_cast %get3A_168 : i32 to index
    %get3A_170 = arith.constant 48 : index
    %get3A_171 = tpu.vector_load %arg7[%get3A_169, %get3A_170] {strides = array<i32>} : memref<80x128xf32, #tpu.memory_space<vmem>>, vector<16xf32>,
    %swap3A_172 = arith.constant 432 : index
    %swap3A_173 = tpu.vector_load %arg8[%swap3A_172] {strides = array<i32>} : memref<640xf32, #tpu.memory_space<vmem>>, vector<16xf32>,
    tpu.vector_store %arg8[%swap3A_172], %get3A_171 {strides = array<i32>} : memref<640xf32, #tpu.memory_space<vmem>>, vector<16xf32>,
    %get3A_174 = arith.constant 3 : i32
    %get3A_175 = arith.index_cast %get3A_174 : i32 to index
    %get3A_176 = arith.constant 64 : index
    %get3A_177 = tpu.vector_load %arg7[%get3A_175, %get3A_176] {strides = array<i32>} : memref<80x128xf32, #tpu.memory_space<vmem>>, vector<16xf32>,
    %swap3A_178 = arith.constant 448 : index
    %swap3A_179 = tpu.vector_load %arg8[%swap3A_178] {strides = array<i32>} : memref<640xf32, #tpu.memory_space<vmem>>, vector<16xf32>,
    tpu.vector_store %arg8[%swap3A_178], %get3A_177 {strides = array<i32>} : memref<640xf32, #tpu.memory_space<vmem>>, vector<16xf32>,
    %get3A_180 = arith.constant 3 : i32
    %get3A_181 = arith.index_cast %get3A_180 : i32 to index
    %get3A_182 = arith.constant 80 : index
    %get3A_183 = tpu.vector_load %arg7[%get3A_181, %get3A_182] {strides = array<i32>} : memref<80x128xf32, #tpu.memory_space<vmem>>, vector<16xf32>,
    %swap3A_184 = arith.constant 464 : index
    %swap3A_185 = tpu.vector_load %arg8[%swap3A_184] {strides = array<i32>} : memref<640xf32, #tpu.memory_space<vmem>>, vector<16xf32>,
    tpu.vector_store %arg8[%swap3A_184], %get3A_183 {strides = array<i32>} : memref<640xf32, #tpu.memory_space<vmem>>, vector<16xf32>,
    %get3A_186 = arith.constant 3 : i32
    %get3A_187 = arith.index_cast %get3A_186 : i32 to index
    %get3A_188 = arith.constant 96 : index
    %get3A_189 = tpu.vector_load %arg7[%get3A_187, %get3A_188] {strides = array<i32>} : memref<80x128xf32, #tpu.memory_space<vmem>>, vector<16xf32>,
    %swap3A_190 = arith.constant 480 : index
    %swap3A_191 = tpu.vector_load %arg8[%swap3A_190] {strides = array<i32>} : memref<640xf32, #tpu.memory_space<vmem>>, vector<16xf32>,
    tpu.vector_store %arg8[%swap3A_190], %get3A_189 {strides = array<i32>} : memref<640xf32, #tpu.memory_space<vmem>>, vector<16xf32>,
    %get3A_192 = arith.constant 3 : i32
    %get3A_193 = arith.index_cast %get3A_192 : i32 to index
    %get3A_194 = arith.constant 112 : index
    %get3A_195 = tpu.vector_load %arg7[%get3A_193, %get3A_194] {strides = array<i32>} : memref<80x128xf32, #tpu.memory_space<vmem>>, vector<16xf32>,
    %swap3A_196 = arith.constant 496 : index
    %swap3A_197 = tpu.vector_load %arg8[%swap3A_196] {strides = array<i32>} : memref<640xf32, #tpu.memory_space<vmem>>, vector<16xf32>,
    tpu.vector_store %arg8[%swap3A_196], %get3A_195 {strides = array<i32>} : memref<640xf32, #tpu.memory_space<vmem>>, vector<16xf32>,
    %get3A_198 = arith.constant 4 : i32
    %get3A_199 = arith.index_cast %get3A_198 : i32 to index
    %get3A_200 = arith.constant 0 : index
    %get3A_201 = tpu.vector_load %arg7[%get3A_199, %get3A_200] {strides = array<i32>} : memref<80x128xf32, #tpu.memory_space<vmem>>, vector<16xf32>,
    %swap3A_202 = arith.constant 512 : index
    %swap3A_203 = tpu.vector_load %arg8[%swap3A_202] {strides = array<i32>} : memref<640xf32, #tpu.memory_space<vmem>>, vector<16xf32>,
    tpu.vector_store %arg8[%swap3A_202], %get3A_201 {strides = array<i32>} : memref<640xf32, #tpu.memory_space<vmem>>, vector<16xf32>,
    %get3A_204 = arith.constant 4 : i32
    %get3A_205 = arith.index_cast %get3A_204 : i32 to index
    %get3A_206 = arith.constant 16 : index
    %get3A_207 = tpu.vector_load %arg7[%get3A_205, %get3A_206] {strides = array<i32>} : memref<80x128xf32, #tpu.memory_space<vmem>>, vector<16xf32>,
    %swap3A_208 = arith.constant 528 : index
    %swap3A_209 = tpu.vector_load %arg8[%swap3A_208] {strides = array<i32>} : memref<640xf32, #tpu.memory_space<vmem>>, vector<16xf32>,
    tpu.vector_store %arg8[%swap3A_208], %get3A_207 {strides = array<i32>} : memref<640xf32, #tpu.memory_space<vmem>>, vector<16xf32>,
    %get3A_210 = arith.constant 4 : i32
    %get3A_211 = arith.index_cast %get3A_210 : i32 to index
    %get3A_212 = arith.constant 32 : index
    %get3A_213 = tpu.vector_load %arg7[%get3A_211, %get3A_212] {strides = array<i32>} : memref<80x128xf32, #tpu.memory_space<vmem>>, vector<16xf32>,
    %swap3A_214 = arith.constant 544 : index
    %swap3A_215 = tpu.vector_load %arg8[%swap3A_214] {strides = array<i32>} : memref<640xf32, #tpu.memory_space<vmem>>, vector<16xf32>,
    tpu.vector_store %arg8[%swap3A_214], %get3A_213 {strides = array<i32>} : memref<640xf32, #tpu.memory_space<vmem>>, vector<16xf32>,
    %get3A_216 = arith.constant 4 : i32
    %get3A_217 = arith.index_cast %get3A_216 : i32 to index
    %get3A_218 = arith.constant 48 : index
    %get3A_219 = tpu.vector_load %arg7[%get3A_217, %get3A_218] {strides = array<i32>} : memref<80x128xf32, #tpu.memory_space<vmem>>, vector<16xf32>,
    %swap3A_220 = arith.constant 560 : index
    %swap3A_221 = tpu.vector_load %arg8[%swap3A_220] {strides = array<i32>} : memref<640xf32, #tpu.memory_space<vmem>>, vector<16xf32>,
    tpu.vector_store %arg8[%swap3A_220], %get3A_219 {strides = array<i32>} : memref<640xf32, #tpu.memory_space<vmem>>, vector<16xf32>,
    %get3A_222 = arith.constant 4 : i32
    %get3A_223 = arith.index_cast %get3A_222 : i32 to index
    %get3A_224 = arith.constant 64 : index
    %get3A_225 = tpu.vector_load %arg7[%get3A_223, %get3A_224] {strides = array<i32>} : memref<80x128xf32, #tpu.memory_space<vmem>>, vector<16xf32>,
    %swap3A_226 = arith.constant 576 : index
    %swap3A_227 = tpu.vector_load %arg8[%swap3A_226] {strides = array<i32>} : memref<640xf32, #tpu.memory_space<vmem>>, vector<16xf32>,
    tpu.vector_store %arg8[%swap3A_226], %get3A_225 {strides = array<i32>} : memref<640xf32, #tpu.memory_space<vmem>>, vector<16xf32>,
    %get3A_228 = arith.constant 4 : i32
    %get3A_229 = arith.index_cast %get3A_228 : i32 to index
    %get3A_230 = arith.constant 80 : index
    %get3A_231 = tpu.vector_load %arg7[%get3A_229, %get3A_230] {strides = array<i32>} : memref<80x128xf32, #tpu.memory_space<vmem>>, vector<16xf32>,
    %swap3A_232 = arith.constant 592 : index
    %swap3A_233 = tpu.vector_load %arg8[%swap3A_232] {strides = array<i32>} : memref<640xf32, #tpu.memory_space<vmem>>, vector<16xf32>,
    tpu.vector_store %arg8[%swap3A_232], %get3A_231 {strides = array<i32>} : memref<640xf32, #tpu.memory_space<vmem>>, vector<16xf32>,
    %get3A_234 = arith.constant 4 : i32
    %get3A_235 = arith.index_cast %get3A_234 : i32 to index
    %get3A_236 = arith.constant 96 : index
    %get3A_237 = tpu.vector_load %arg7[%get3A_235, %get3A_236] {strides = array<i32>} : memref<80x128xf32, #tpu.memory_space<vmem>>, vector<16xf32>,
    %swap3A_238 = arith.constant 608 : index
    %swap3A_239 = tpu.vector_load %arg8[%swap3A_238] {strides = array<i32>} : memref<640xf32, #tpu.memory_space<vmem>>, vector<16xf32>,
    tpu.vector_store %arg8[%swap3A_238], %get3A_237 {strides = array<i32>} : memref<640xf32, #tpu.memory_space<vmem>>, vector<16xf32>,
    %get3A_240 = arith.constant 4 : i32
    %get3A_241 = arith.index_cast %get3A_240 : i32 to index
    %get3A_242 = arith.constant 112 : index
    %get3A_243 = tpu.vector_load %arg7[%get3A_241, %get3A_242] {strides = array<i32>} : memref<80x128xf32, #tpu.memory_space<vmem>>, vector<16xf32>,
    %swap3A_244 = arith.constant 624 : index
    %swap3A_245 = tpu.vector_load %arg8[%swap3A_244] {strides = array<i32>} : memref<640xf32, #tpu.memory_space<vmem>>, vector<16xf32>,
    tpu.vector_store %arg8[%swap3A_244], %get3A_243 {strides = array<i32>} : memref<640xf32, #tpu.memory_space<vmem>>, vector<16xf32>,
    %mul3A_246 = arith.constant 640 : i32
    %mul3A_247 = arith.muli %arg1, %mul3A_246 : i32
    "tpu.region"() ({
      %run_scoped3A = tpu.sem_alloc : memref<!tpu.dma_semaphore, #tpu.memory_space<semaphore_mem>>
      %dma_start3A = tpu.memref_slice %arg5[%arg0, %mul3A_247] : memref<2x10240xf32, #tpu.memory_space<hbm>> -> memref<1x640xf32, #tpu.memory_space<hbm>>
      %dma_start3A_248 = tpu.memref_squeeze %dma_start3A : memref<1x640xf32, #tpu.memory_space<hbm>> -> memref<640xf32, #tpu.memory_space<hbm>>
      %dma_start3A_249 = tpu.memref_slice %arg5[%arg0, %mul3A_247] : memref<2x10240xf32, #tpu.memory_space<hbm>> -> memref<1x640xf32, #tpu.memory_space<hbm>>
      %dma_start3A_250 = tpu.memref_squeeze %dma_start3A_249 : memref<1x640xf32, #tpu.memory_space<hbm>> -> memref<640xf32, #tpu.memory_space<hbm>>
      tpu.enqueue_dma source(%arg8 : memref<640xf32, #tpu.memory_space<vmem>>) target(%dma_start3A_250 : memref<640xf32, #tpu.memory_space<hbm>>) target_semaphore(%run_scoped3A : memref<!tpu.dma_semaphore, #tpu.memory_space<semaphore_mem>>)
      %dma_wait3A = tpu.memref_slice %arg5[%arg0, %mul3A_247] : memref<2x10240xf32, #tpu.memory_space<hbm>> -> memref<1x640xf32, #tpu.memory_space<hbm>>
      %dma_wait3A_251 = tpu.memref_squeeze %dma_wait3A : memref<1x640xf32, #tpu.memory_space<hbm>> -> memref<640xf32, #tpu.memory_space<hbm>>
      %dma_wait3A_252 = tpu.memref_slice %arg5[%arg0, %mul3A_247] : memref<2x10240xf32, #tpu.memory_space<hbm>> -> memref<1x640xf32, #tpu.memory_space<hbm>>
      %dma_wait3A_253 = tpu.memref_squeeze %dma_wait3A_252 : memref<1x640xf32, #tpu.memory_space<hbm>> -> memref<640xf32, #tpu.memory_space<hbm>>
      tpu.wait_dma2 semaphore(%run_scoped3A : memref<!tpu.dma_semaphore, #tpu.memory_space<semaphore_mem>>) src(%arg8 : memref<640xf32, #tpu.memory_space<vmem>>) dst(%dma_wait3A_253 : memref<640xf32, #tpu.memory_space<hbm>>)
      tpu.yield
    }) : () -> ()
    return
  }
}

#map = affine_map<(d0, d1) -> (0, 0)>
#map1 = affine_map<(d0, d1) -> (0, 0, 0, 0)>
#map2 = affine_map<(d0, d1) -> (0, 0, 0)>
module attributes {stable_mosaic.version = 14 : i64} {
  func.func @_agg_body(%arg0: i32, %arg1: i32, %arg2: memref<10000x128xf32, #tpu.memory_space<hbm>>, %arg3: memref<512x2x8x80xi32, #tpu.memory_space<hbm>>, %arg4: memref<80x128xf32, #tpu.memory_space<hbm>>, %arg5: memref<2x10240x128xf32, #tpu.memory_space<hbm>>, %arg6: memref<2x8x80xi32, #tpu.memory_space<vmem>>, %arg7: memref<80x128xf32, #tpu.memory_space<vmem>>, %arg8: memref<80x128xf32, #tpu.memory_space<vmem>>, %arg9: memref<80x128xf32, #tpu.memory_space<vmem>>, %arg10: memref<80x128xf32, #tpu.memory_space<vmem>>, %arg11: memref<!tpu.dma_semaphore, #tpu.memory_space<semaphore_mem>>, %arg12: memref<!tpu.dma_semaphore, #tpu.memory_space<semaphore_mem>>, %arg13: memref<!tpu.dma_semaphore, #tpu.memory_space<semaphore_mem>>, %arg14: memref<!tpu.dma_semaphore, #tpu.memory_space<semaphore_mem>>, %arg15: memref<!tpu.dma_semaphore, #tpu.memory_space<semaphore_mem>>, %arg16: memref<!tpu.dma_semaphore, #tpu.memory_space<semaphore_mem>>, %arg17: memref<!tpu.dma_semaphore, #tpu.memory_space<semaphore_mem>>, %arg18: memref<!tpu.dma_semaphore, #tpu.memory_space<semaphore_mem>>, %arg19: memref<10240x128xf32, #tpu.memory_space<vmem_shared>>) attributes {dimension_semantics = [#tpu.dimension_semantics<core_parallel>, #tpu.dimension_semantics<subcore_parallel>], iteration_bounds = array<i64: 2, 16>, scalar_prefetch = 0 : i64, scratch_operands = 14 : i64, tpu.core_type = #tpu.core_type<sc_vector_subcore>, window_params = [{transform_indices = #map}, {transform_indices = #map1}, {transform_indices = #map}, {transform_indices = #map2}]} {
    "tpu.region"() ({
      %run_scoped3A = tpu.sem_alloc : memref<!tpu.dma_semaphore, #tpu.memory_space<semaphore_mem>>
      tpu.enqueue_dma source(%arg4 : memref<80x128xf32, #tpu.memory_space<hbm>>) target(%arg7 : memref<80x128xf32, #tpu.memory_space<vmem>>) target_semaphore(%run_scoped3A : memref<!tpu.dma_semaphore, #tpu.memory_space<semaphore_mem>>)
      tpu.wait_dma2 semaphore(%run_scoped3A : memref<!tpu.dma_semaphore, #tpu.memory_space<semaphore_mem>>) src(%arg4 : memref<80x128xf32, #tpu.memory_space<hbm>>) dst(%arg7 : memref<80x128xf32, #tpu.memory_space<vmem>>)
      tpu.yield
    }) : () -> ()
    %mul3A = arith.constant 640 : i32
    %mul3A_0 = arith.muli %arg1, %mul3A : i32
    %add3A = arith.constant 0 : i32
    %add3A_1 = arith.addi %mul3A_0, %add3A : i32
    "tpu.region"() ({
      %run_scoped3A = tpu.sem_alloc : memref<!tpu.dma_semaphore, #tpu.memory_space<semaphore_mem>>
      %dma_start3A = arith.constant 0 : i32
      %dma_start3A_90 = tpu.memref_slice %arg19[%add3A_1, %dma_start3A] : memref<10240x128xf32, #tpu.memory_space<vmem_shared>> -> memref<80x128xf32, #tpu.memory_space<vmem_shared>>
      %dma_start3A_91 = arith.constant 0 : i32
      %dma_start3A_92 = tpu.memref_slice %arg19[%add3A_1, %dma_start3A_91] : memref<10240x128xf32, #tpu.memory_space<vmem_shared>> -> memref<80x128xf32, #tpu.memory_space<vmem_shared>>
      tpu.enqueue_dma source(%arg7 : memref<80x128xf32, #tpu.memory_space<vmem>>) target(%dma_start3A_92 : memref<80x128xf32, #tpu.memory_space<vmem_shared>>) target_semaphore(%run_scoped3A : memref<!tpu.dma_semaphore, #tpu.memory_space<semaphore_mem>>)
      %dma_wait3A = arith.constant 0 : i32
      %dma_wait3A_93 = tpu.memref_slice %arg19[%add3A_1, %dma_wait3A] : memref<10240x128xf32, #tpu.memory_space<vmem_shared>> -> memref<80x128xf32, #tpu.memory_space<vmem_shared>>
      %dma_wait3A_94 = arith.constant 0 : i32
      %dma_wait3A_95 = tpu.memref_slice %arg19[%add3A_1, %dma_wait3A_94] : memref<10240x128xf32, #tpu.memory_space<vmem_shared>> -> memref<80x128xf32, #tpu.memory_space<vmem_shared>>
      tpu.wait_dma2 semaphore(%run_scoped3A : memref<!tpu.dma_semaphore, #tpu.memory_space<semaphore_mem>>) src(%arg7 : memref<80x128xf32, #tpu.memory_space<vmem>>) dst(%dma_wait3A_95 : memref<80x128xf32, #tpu.memory_space<vmem_shared>>)
      tpu.yield
    }) : () -> ()
    %mul3A_2 = arith.constant 640 : i32
    %mul3A_3 = arith.muli %arg1, %mul3A_2 : i32
    %add3A_4 = arith.constant 80 : i32
    %add3A_5 = arith.addi %mul3A_3, %add3A_4 : i32
    "tpu.region"() ({
      %run_scoped3A = tpu.sem_alloc : memref<!tpu.dma_semaphore, #tpu.memory_space<semaphore_mem>>
      %dma_start3A = arith.constant 0 : i32
      %dma_start3A_90 = tpu.memref_slice %arg19[%add3A_5, %dma_start3A] : memref<10240x128xf32, #tpu.memory_space<vmem_shared>> -> memref<80x128xf32, #tpu.memory_space<vmem_shared>>
      %dma_start3A_91 = arith.constant 0 : i32
      %dma_start3A_92 = tpu.memref_slice %arg19[%add3A_5, %dma_start3A_91] : memref<10240x128xf32, #tpu.memory_space<vmem_shared>> -> memref<80x128xf32, #tpu.memory_space<vmem_shared>>
      tpu.enqueue_dma source(%arg7 : memref<80x128xf32, #tpu.memory_space<vmem>>) target(%dma_start3A_92 : memref<80x128xf32, #tpu.memory_space<vmem_shared>>) target_semaphore(%run_scoped3A : memref<!tpu.dma_semaphore, #tpu.memory_space<semaphore_mem>>)
      %dma_wait3A = arith.constant 0 : i32
      %dma_wait3A_93 = tpu.memref_slice %arg19[%add3A_5, %dma_wait3A] : memref<10240x128xf32, #tpu.memory_space<vmem_shared>> -> memref<80x128xf32, #tpu.memory_space<vmem_shared>>
      %dma_wait3A_94 = arith.constant 0 : i32
      %dma_wait3A_95 = tpu.memref_slice %arg19[%add3A_5, %dma_wait3A_94] : memref<10240x128xf32, #tpu.memory_space<vmem_shared>> -> memref<80x128xf32, #tpu.memory_space<vmem_shared>>
      tpu.wait_dma2 semaphore(%run_scoped3A : memref<!tpu.dma_semaphore, #tpu.memory_space<semaphore_mem>>) src(%arg7 : memref<80x128xf32, #tpu.memory_space<vmem>>) dst(%dma_wait3A_95 : memref<80x128xf32, #tpu.memory_space<vmem_shared>>)
      tpu.yield
    }) : () -> ()
    %mul3A_6 = arith.constant 640 : i32
    %mul3A_7 = arith.muli %arg1, %mul3A_6 : i32
    %add3A_8 = arith.constant 160 : i32
    %add3A_9 = arith.addi %mul3A_7, %add3A_8 : i32
    "tpu.region"() ({
      %run_scoped3A = tpu.sem_alloc : memref<!tpu.dma_semaphore, #tpu.memory_space<semaphore_mem>>
      %dma_start3A = arith.constant 0 : i32
      %dma_start3A_90 = tpu.memref_slice %arg19[%add3A_9, %dma_start3A] : memref<10240x128xf32, #tpu.memory_space<vmem_shared>> -> memref<80x128xf32, #tpu.memory_space<vmem_shared>>
      %dma_start3A_91 = arith.constant 0 : i32
      %dma_start3A_92 = tpu.memref_slice %arg19[%add3A_9, %dma_start3A_91] : memref<10240x128xf32, #tpu.memory_space<vmem_shared>> -> memref<80x128xf32, #tpu.memory_space<vmem_shared>>
      tpu.enqueue_dma source(%arg7 : memref<80x128xf32, #tpu.memory_space<vmem>>) target(%dma_start3A_92 : memref<80x128xf32, #tpu.memory_space<vmem_shared>>) target_semaphore(%run_scoped3A : memref<!tpu.dma_semaphore, #tpu.memory_space<semaphore_mem>>)
      %dma_wait3A = arith.constant 0 : i32
      %dma_wait3A_93 = tpu.memref_slice %arg19[%add3A_9, %dma_wait3A] : memref<10240x128xf32, #tpu.memory_space<vmem_shared>> -> memref<80x128xf32, #tpu.memory_space<vmem_shared>>
      %dma_wait3A_94 = arith.constant 0 : i32
      %dma_wait3A_95 = tpu.memref_slice %arg19[%add3A_9, %dma_wait3A_94] : memref<10240x128xf32, #tpu.memory_space<vmem_shared>> -> memref<80x128xf32, #tpu.memory_space<vmem_shared>>
      tpu.wait_dma2 semaphore(%run_scoped3A : memref<!tpu.dma_semaphore, #tpu.memory_space<semaphore_mem>>) src(%arg7 : memref<80x128xf32, #tpu.memory_space<vmem>>) dst(%dma_wait3A_95 : memref<80x128xf32, #tpu.memory_space<vmem_shared>>)
      tpu.yield
    }) : () -> ()
    %mul3A_10 = arith.constant 640 : i32
    %mul3A_11 = arith.muli %arg1, %mul3A_10 : i32
    %add3A_12 = arith.constant 240 : i32
    %add3A_13 = arith.addi %mul3A_11, %add3A_12 : i32
    "tpu.region"() ({
      %run_scoped3A = tpu.sem_alloc : memref<!tpu.dma_semaphore, #tpu.memory_space<semaphore_mem>>
      %dma_start3A = arith.constant 0 : i32
      %dma_start3A_90 = tpu.memref_slice %arg19[%add3A_13, %dma_start3A] : memref<10240x128xf32, #tpu.memory_space<vmem_shared>> -> memref<80x128xf32, #tpu.memory_space<vmem_shared>>
      %dma_start3A_91 = arith.constant 0 : i32
      %dma_start3A_92 = tpu.memref_slice %arg19[%add3A_13, %dma_start3A_91] : memref<10240x128xf32, #tpu.memory_space<vmem_shared>> -> memref<80x128xf32, #tpu.memory_space<vmem_shared>>
      tpu.enqueue_dma source(%arg7 : memref<80x128xf32, #tpu.memory_space<vmem>>) target(%dma_start3A_92 : memref<80x128xf32, #tpu.memory_space<vmem_shared>>) target_semaphore(%run_scoped3A : memref<!tpu.dma_semaphore, #tpu.memory_space<semaphore_mem>>)
      %dma_wait3A = arith.constant 0 : i32
      %dma_wait3A_93 = tpu.memref_slice %arg19[%add3A_13, %dma_wait3A] : memref<10240x128xf32, #tpu.memory_space<vmem_shared>> -> memref<80x128xf32, #tpu.memory_space<vmem_shared>>
      %dma_wait3A_94 = arith.constant 0 : i32
      %dma_wait3A_95 = tpu.memref_slice %arg19[%add3A_13, %dma_wait3A_94] : memref<10240x128xf32, #tpu.memory_space<vmem_shared>> -> memref<80x128xf32, #tpu.memory_space<vmem_shared>>
      tpu.wait_dma2 semaphore(%run_scoped3A : memref<!tpu.dma_semaphore, #tpu.memory_space<semaphore_mem>>) src(%arg7 : memref<80x128xf32, #tpu.memory_space<vmem>>) dst(%dma_wait3A_95 : memref<80x128xf32, #tpu.memory_space<vmem_shared>>)
      tpu.yield
    }) : () -> ()
    %mul3A_14 = arith.constant 640 : i32
    %mul3A_15 = arith.muli %arg1, %mul3A_14 : i32
    %add3A_16 = arith.constant 320 : i32
    %add3A_17 = arith.addi %mul3A_15, %add3A_16 : i32
    "tpu.region"() ({
      %run_scoped3A = tpu.sem_alloc : memref<!tpu.dma_semaphore, #tpu.memory_space<semaphore_mem>>
      %dma_start3A = arith.constant 0 : i32
      %dma_start3A_90 = tpu.memref_slice %arg19[%add3A_17, %dma_start3A] : memref<10240x128xf32, #tpu.memory_space<vmem_shared>> -> memref<80x128xf32, #tpu.memory_space<vmem_shared>>
      %dma_start3A_91 = arith.constant 0 : i32
      %dma_start3A_92 = tpu.memref_slice %arg19[%add3A_17, %dma_start3A_91] : memref<10240x128xf32, #tpu.memory_space<vmem_shared>> -> memref<80x128xf32, #tpu.memory_space<vmem_shared>>
      tpu.enqueue_dma source(%arg7 : memref<80x128xf32, #tpu.memory_space<vmem>>) target(%dma_start3A_92 : memref<80x128xf32, #tpu.memory_space<vmem_shared>>) target_semaphore(%run_scoped3A : memref<!tpu.dma_semaphore, #tpu.memory_space<semaphore_mem>>)
      %dma_wait3A = arith.constant 0 : i32
      %dma_wait3A_93 = tpu.memref_slice %arg19[%add3A_17, %dma_wait3A] : memref<10240x128xf32, #tpu.memory_space<vmem_shared>> -> memref<80x128xf32, #tpu.memory_space<vmem_shared>>
      %dma_wait3A_94 = arith.constant 0 : i32
      %dma_wait3A_95 = tpu.memref_slice %arg19[%add3A_17, %dma_wait3A_94] : memref<10240x128xf32, #tpu.memory_space<vmem_shared>> -> memref<80x128xf32, #tpu.memory_space<vmem_shared>>
      tpu.wait_dma2 semaphore(%run_scoped3A : memref<!tpu.dma_semaphore, #tpu.memory_space<semaphore_mem>>) src(%arg7 : memref<80x128xf32, #tpu.memory_space<vmem>>) dst(%dma_wait3A_95 : memref<80x128xf32, #tpu.memory_space<vmem_shared>>)
      tpu.yield
    }) : () -> ()
    %mul3A_18 = arith.constant 640 : i32
    %mul3A_19 = arith.muli %arg1, %mul3A_18 : i32
    %add3A_20 = arith.constant 400 : i32
    %add3A_21 = arith.addi %mul3A_19, %add3A_20 : i32
    "tpu.region"() ({
      %run_scoped3A = tpu.sem_alloc : memref<!tpu.dma_semaphore, #tpu.memory_space<semaphore_mem>>
      %dma_start3A = arith.constant 0 : i32
      %dma_start3A_90 = tpu.memref_slice %arg19[%add3A_21, %dma_start3A] : memref<10240x128xf32, #tpu.memory_space<vmem_shared>> -> memref<80x128xf32, #tpu.memory_space<vmem_shared>>
      %dma_start3A_91 = arith.constant 0 : i32
      %dma_start3A_92 = tpu.memref_slice %arg19[%add3A_21, %dma_start3A_91] : memref<10240x128xf32, #tpu.memory_space<vmem_shared>> -> memref<80x128xf32, #tpu.memory_space<vmem_shared>>
      tpu.enqueue_dma source(%arg7 : memref<80x128xf32, #tpu.memory_space<vmem>>) target(%dma_start3A_92 : memref<80x128xf32, #tpu.memory_space<vmem_shared>>) target_semaphore(%run_scoped3A : memref<!tpu.dma_semaphore, #tpu.memory_space<semaphore_mem>>)
      %dma_wait3A = arith.constant 0 : i32
      %dma_wait3A_93 = tpu.memref_slice %arg19[%add3A_21, %dma_wait3A] : memref<10240x128xf32, #tpu.memory_space<vmem_shared>> -> memref<80x128xf32, #tpu.memory_space<vmem_shared>>
      %dma_wait3A_94 = arith.constant 0 : i32
      %dma_wait3A_95 = tpu.memref_slice %arg19[%add3A_21, %dma_wait3A_94] : memref<10240x128xf32, #tpu.memory_space<vmem_shared>> -> memref<80x128xf32, #tpu.memory_space<vmem_shared>>
      tpu.wait_dma2 semaphore(%run_scoped3A : memref<!tpu.dma_semaphore, #tpu.memory_space<semaphore_mem>>) src(%arg7 : memref<80x128xf32, #tpu.memory_space<vmem>>) dst(%dma_wait3A_95 : memref<80x128xf32, #tpu.memory_space<vmem_shared>>)
      tpu.yield
    }) : () -> ()
    %mul3A_22 = arith.constant 640 : i32
    %mul3A_23 = arith.muli %arg1, %mul3A_22 : i32
    %add3A_24 = arith.constant 480 : i32
    %add3A_25 = arith.addi %mul3A_23, %add3A_24 : i32
    "tpu.region"() ({
      %run_scoped3A = tpu.sem_alloc : memref<!tpu.dma_semaphore, #tpu.memory_space<semaphore_mem>>
      %dma_start3A = arith.constant 0 : i32
      %dma_start3A_90 = tpu.memref_slice %arg19[%add3A_25, %dma_start3A] : memref<10240x128xf32, #tpu.memory_space<vmem_shared>> -> memref<80x128xf32, #tpu.memory_space<vmem_shared>>
      %dma_start3A_91 = arith.constant 0 : i32
      %dma_start3A_92 = tpu.memref_slice %arg19[%add3A_25, %dma_start3A_91] : memref<10240x128xf32, #tpu.memory_space<vmem_shared>> -> memref<80x128xf32, #tpu.memory_space<vmem_shared>>
      tpu.enqueue_dma source(%arg7 : memref<80x128xf32, #tpu.memory_space<vmem>>) target(%dma_start3A_92 : memref<80x128xf32, #tpu.memory_space<vmem_shared>>) target_semaphore(%run_scoped3A : memref<!tpu.dma_semaphore, #tpu.memory_space<semaphore_mem>>)
      %dma_wait3A = arith.constant 0 : i32
      %dma_wait3A_93 = tpu.memref_slice %arg19[%add3A_25, %dma_wait3A] : memref<10240x128xf32, #tpu.memory_space<vmem_shared>> -> memref<80x128xf32, #tpu.memory_space<vmem_shared>>
      %dma_wait3A_94 = arith.constant 0 : i32
      %dma_wait3A_95 = tpu.memref_slice %arg19[%add3A_25, %dma_wait3A_94] : memref<10240x128xf32, #tpu.memory_space<vmem_shared>> -> memref<80x128xf32, #tpu.memory_space<vmem_shared>>
      tpu.wait_dma2 semaphore(%run_scoped3A : memref<!tpu.dma_semaphore, #tpu.memory_space<semaphore_mem>>) src(%arg7 : memref<80x128xf32, #tpu.memory_space<vmem>>) dst(%dma_wait3A_95 : memref<80x128xf32, #tpu.memory_space<vmem_shared>>)
      tpu.yield
    }) : () -> ()
    %mul3A_26 = arith.constant 640 : i32
    %mul3A_27 = arith.muli %arg1, %mul3A_26 : i32
    %add3A_28 = arith.constant 560 : i32
    %add3A_29 = arith.addi %mul3A_27, %add3A_28 : i32
    "tpu.region"() ({
      %run_scoped3A = tpu.sem_alloc : memref<!tpu.dma_semaphore, #tpu.memory_space<semaphore_mem>>
      %dma_start3A = arith.constant 0 : i32
      %dma_start3A_90 = tpu.memref_slice %arg19[%add3A_29, %dma_start3A] : memref<10240x128xf32, #tpu.memory_space<vmem_shared>> -> memref<80x128xf32, #tpu.memory_space<vmem_shared>>
      %dma_start3A_91 = arith.constant 0 : i32
      %dma_start3A_92 = tpu.memref_slice %arg19[%add3A_29, %dma_start3A_91] : memref<10240x128xf32, #tpu.memory_space<vmem_shared>> -> memref<80x128xf32, #tpu.memory_space<vmem_shared>>
      tpu.enqueue_dma source(%arg7 : memref<80x128xf32, #tpu.memory_space<vmem>>) target(%dma_start3A_92 : memref<80x128xf32, #tpu.memory_space<vmem_shared>>) target_semaphore(%run_scoped3A : memref<!tpu.dma_semaphore, #tpu.memory_space<semaphore_mem>>)
      %dma_wait3A = arith.constant 0 : i32
      %dma_wait3A_93 = tpu.memref_slice %arg19[%add3A_29, %dma_wait3A] : memref<10240x128xf32, #tpu.memory_space<vmem_shared>> -> memref<80x128xf32, #tpu.memory_space<vmem_shared>>
      %dma_wait3A_94 = arith.constant 0 : i32
      %dma_wait3A_95 = tpu.memref_slice %arg19[%add3A_29, %dma_wait3A_94] : memref<10240x128xf32, #tpu.memory_space<vmem_shared>> -> memref<80x128xf32, #tpu.memory_space<vmem_shared>>
      tpu.wait_dma2 semaphore(%run_scoped3A : memref<!tpu.dma_semaphore, #tpu.memory_space<semaphore_mem>>) src(%arg7 : memref<80x128xf32, #tpu.memory_space<vmem>>) dst(%dma_wait3A_95 : memref<80x128xf32, #tpu.memory_space<vmem_shared>>)
      tpu.yield
    }) : () -> ()
    %barrier3A = arith.constant 0 : index
    tpu.barrier barrier_id(%barrier3A)
    %eq3A = arith.constant 0 : i32
    %eq3A_30 = arith.cmpi eq, %arg0, %eq3A : i32
    %mul3A_31 = arith.constant 30 : i32
    %mul3A_32 = arith.muli %arg1, %mul3A_31 : i32
    %mul3A_33 = arith.constant 2 : i32
    %mul3A_34 = arith.muli %arg1, %mul3A_33 : i32
    %add3A_35 = arith.constant 480 : i32
    %add3A_36 = arith.addi %add3A_35, %mul3A_34 : i32
    %select_n3A = arith.select %eq3A_30, %mul3A_32, %add3A_36 : i32
    %eq3A_37 = arith.constant 0 : i32
    %eq3A_38 = arith.cmpi eq, %arg0, %eq3A_37 : i32
    %jit3A = arith.constant 30 : i32
    %jit3A_39 = arith.constant 2 : i32
    %select_n3A_40 = arith.select %eq3A_38, %jit3A, %jit3A_39 : i32
    %sub3A = arith.constant 0 : i32
    %sub3A_41 = arith.subi %select_n3A_40, %sub3A : i32
    %sub3A_42 = arith.constant 1 : i32
    %sub3A_43 = arith.constant 1 : i32
    %sub3A_44 = arith.subi %sub3A_42, %sub3A_43 : i32
    %add3A_45 = arith.addi %sub3A_41, %sub3A_44 : i32
    %div3A = arith.constant 1 : i32
    %div3A_46 = arith.divsi %add3A_45, %div3A : i32
    %while3A = arith.constant 1 : i32
    %while3A_47 = arith.constant 0 : i32
    %while3A_48 = arith.constant 0 : i32
    %while3A_49 = arith.subi %div3A_46, %while3A_48 : i32
    %while3A_50 = arith.addi %while3A_48, %while3A_49 : i32
    %while3A_51 = arith.constant 1 : i32
    %while3A_52 = arith.divsi %while3A_49, %while3A_51 : i32
    %while3A_53 = arith.muli %while3A_52, %while3A_51 : i32
    %while3A_54 = arith.addi %while3A_48, %while3A_53 : i32
    %while3A_55 = arith.constant 1 : i32
    scf.for %while3A_90 = %while3A_48 to %while3A_54 step %while3A_55  : i32 {
      %mul3A_91 = arith.muli %while3A_90, %while3A : i32
      %add3A_92 = arith.addi %while3A_47, %mul3A_91 : i32
      %add3A_93 = arith.addi %select_n3A, %add3A_92 : i32
      "tpu.region"() ({
        %run_scoped3A = tpu.sem_alloc : memref<!tpu.dma_semaphore, #tpu.memory_space<semaphore_mem>>
        %dma_start3A_348 = arith.constant 0 : i32
        %dma_start3A_349 = arith.constant 0 : i32
        %dma_start3A_350 = arith.constant 0 : i32
        %dma_start3A_351 = tpu.memref_slice %arg3[%add3A_93, %dma_start3A_348, %dma_start3A_349, %dma_start3A_350] : memref<512x2x8x80xi32, #tpu.memory_space<hbm>> -> memref<1x2x8x80xi32, #tpu.memory_space<hbm>>
        %dma_start3A_352 = tpu.memref_squeeze %dma_start3A_351 : memref<1x2x8x80xi32, #tpu.memory_space<hbm>> -> memref<2x8x80xi32, #tpu.memory_space<hbm>>
        %dma_start3A_353 = arith.constant 0 : i32
        %dma_start3A_354 = arith.constant 0 : i32
        %dma_start3A_355 = arith.constant 0 : i32
        %dma_start3A_356 = tpu.memref_slice %arg3[%add3A_93, %dma_start3A_353, %dma_start3A_354, %dma_start3A_355] : memref<512x2x8x80xi32, #tpu.memory_space<hbm>> -> memref<1x2x8x80xi32, #tpu.memory_space<hbm>>
        %dma_start3A_357 = tpu.memref_squeeze %dma_start3A_356 : memref<1x2x8x80xi32, #tpu.memory_space<hbm>> -> memref<2x8x80xi32, #tpu.memory_space<hbm>>
        tpu.enqueue_dma source(%dma_start3A_357 : memref<2x8x80xi32, #tpu.memory_space<hbm>>) target(%arg6 : memref<2x8x80xi32, #tpu.memory_space<vmem>>) target_semaphore(%run_scoped3A : memref<!tpu.dma_semaphore, #tpu.memory_space<semaphore_mem>>)
        %dma_wait3A_358 = arith.constant 0 : i32
        %dma_wait3A_359 = arith.constant 0 : i32
        %dma_wait3A_360 = arith.constant 0 : i32
        %dma_wait3A_361 = tpu.memref_slice %arg3[%add3A_93, %dma_wait3A_358, %dma_wait3A_359, %dma_wait3A_360] : memref<512x2x8x80xi32, #tpu.memory_space<hbm>> -> memref<1x2x8x80xi32, #tpu.memory_space<hbm>>
        %dma_wait3A_362 = tpu.memref_squeeze %dma_wait3A_361 : memref<1x2x8x80xi32, #tpu.memory_space<hbm>> -> memref<2x8x80xi32, #tpu.memory_space<hbm>>
        %dma_wait3A_363 = arith.constant 0 : i32
        %dma_wait3A_364 = arith.constant 0 : i32
        %dma_wait3A_365 = arith.constant 0 : i32
        %dma_wait3A_366 = tpu.memref_slice %arg3[%add3A_93, %dma_wait3A_363, %dma_wait3A_364, %dma_wait3A_365] : memref<512x2x8x80xi32, #tpu.memory_space<hbm>> -> memref<1x2x8x80xi32, #tpu.memory_space<hbm>>
        %dma_wait3A_367 = tpu.memref_squeeze %dma_wait3A_366 : memref<1x2x8x80xi32, #tpu.memory_space<hbm>> -> memref<2x8x80xi32, #tpu.memory_space<hbm>>
        tpu.wait_dma2 semaphore(%run_scoped3A : memref<!tpu.dma_semaphore, #tpu.memory_space<semaphore_mem>>) src(%dma_wait3A_367 : memref<2x8x80xi32, #tpu.memory_space<hbm>>) dst(%arg6 : memref<2x8x80xi32, #tpu.memory_space<vmem>>)
        tpu.yield
      }) : () -> ()
      %dma_start3A = arith.constant 0 : i32
      %dma_start3A_94 = arith.constant 0 : i32
      %dma_start3A_95 = arith.constant 0 : i32
      %dma_start3A_96 = tpu.memref_slice %arg6[%dma_start3A, %dma_start3A_94, %dma_start3A_95] : memref<2x8x80xi32, #tpu.memory_space<vmem>> -> memref<1x1x80xi32, #tpu.memory_space<vmem>>
      %dma_start3A_97 = tpu.memref_squeeze %dma_start3A_96 : memref<1x1x80xi32, #tpu.memory_space<vmem>> -> memref<80xi32, #tpu.memory_space<vmem>>
      %dma_start3A_98 = arith.constant 0 : i32
      %dma_start3A_99 = arith.constant 0 : i32
      %dma_start3A_100 = tpu.memref_slice %arg2[%dma_start3A_98, %dma_start3A_99] : memref<10000x128xf32, #tpu.memory_space<hbm>> -> memref<10000x128xf32, #tpu.memory_space<hbm>>
      tpu.enqueue_indirect_dma source(%dma_start3A_100 : memref<10000x128xf32, #tpu.memory_space<hbm>>) target(%arg7 : memref<80x128xf32, #tpu.memory_space<vmem>>) offsets(%dma_start3A_97 : memref<80xi32, #tpu.memory_space<vmem>>) semaphore(%arg11 : memref<!tpu.dma_semaphore, #tpu.memory_space<semaphore_mem>>)
      %dma_start3A_101 = arith.constant 0 : i32
      %dma_start3A_102 = arith.constant 1 : i32
      %dma_start3A_103 = arith.constant 0 : i32
      %dma_start3A_104 = tpu.memref_slice %arg6[%dma_start3A_101, %dma_start3A_102, %dma_start3A_103] : memref<2x8x80xi32, #tpu.memory_space<vmem>> -> memref<1x1x80xi32, #tpu.memory_space<vmem>>
      %dma_start3A_105 = tpu.memref_squeeze %dma_start3A_104 : memref<1x1x80xi32, #tpu.memory_space<vmem>> -> memref<80xi32, #tpu.memory_space<vmem>>
      %dma_start3A_106 = arith.constant 0 : i32
      %dma_start3A_107 = arith.constant 0 : i32
      %dma_start3A_108 = tpu.memref_slice %arg2[%dma_start3A_106, %dma_start3A_107] : memref<10000x128xf32, #tpu.memory_space<hbm>> -> memref<10000x128xf32, #tpu.memory_space<hbm>>
      tpu.enqueue_indirect_dma source(%dma_start3A_108 : memref<10000x128xf32, #tpu.memory_space<hbm>>) target(%arg8 : memref<80x128xf32, #tpu.memory_space<vmem>>) offsets(%dma_start3A_105 : memref<80xi32, #tpu.memory_space<vmem>>) semaphore(%arg12 : memref<!tpu.dma_semaphore, #tpu.memory_space<semaphore_mem>>)
      %dma_start3A_109 = arith.constant 0 : i32
      %dma_start3A_110 = arith.constant 2 : i32
      %dma_start3A_111 = arith.constant 0 : i32
      %dma_start3A_112 = tpu.memref_slice %arg6[%dma_start3A_109, %dma_start3A_110, %dma_start3A_111] : memref<2x8x80xi32, #tpu.memory_space<vmem>> -> memref<1x1x80xi32, #tpu.memory_space<vmem>>
      %dma_start3A_113 = tpu.memref_squeeze %dma_start3A_112 : memref<1x1x80xi32, #tpu.memory_space<vmem>> -> memref<80xi32, #tpu.memory_space<vmem>>
      %dma_start3A_114 = arith.constant 0 : i32
      %dma_start3A_115 = arith.constant 0 : i32
      %dma_start3A_116 = tpu.memref_slice %arg2[%dma_start3A_114, %dma_start3A_115] : memref<10000x128xf32, #tpu.memory_space<hbm>> -> memref<10000x128xf32, #tpu.memory_space<hbm>>
      tpu.enqueue_indirect_dma source(%dma_start3A_116 : memref<10000x128xf32, #tpu.memory_space<hbm>>) target(%arg9 : memref<80x128xf32, #tpu.memory_space<vmem>>) offsets(%dma_start3A_113 : memref<80xi32, #tpu.memory_space<vmem>>) semaphore(%arg13 : memref<!tpu.dma_semaphore, #tpu.memory_space<semaphore_mem>>)
      %dma_start3A_117 = arith.constant 0 : i32
      %dma_start3A_118 = arith.constant 3 : i32
      %dma_start3A_119 = arith.constant 0 : i32
      %dma_start3A_120 = tpu.memref_slice %arg6[%dma_start3A_117, %dma_start3A_118, %dma_start3A_119] : memref<2x8x80xi32, #tpu.memory_space<vmem>> -> memref<1x1x80xi32, #tpu.memory_space<vmem>>
      %dma_start3A_121 = tpu.memref_squeeze %dma_start3A_120 : memref<1x1x80xi32, #tpu.memory_space<vmem>> -> memref<80xi32, #tpu.memory_space<vmem>>
      %dma_start3A_122 = arith.constant 0 : i32
      %dma_start3A_123 = arith.constant 0 : i32
      %dma_start3A_124 = tpu.memref_slice %arg2[%dma_start3A_122, %dma_start3A_123] : memref<10000x128xf32, #tpu.memory_space<hbm>> -> memref<10000x128xf32, #tpu.memory_space<hbm>>
      tpu.enqueue_indirect_dma source(%dma_start3A_124 : memref<10000x128xf32, #tpu.memory_space<hbm>>) target(%arg10 : memref<80x128xf32, #tpu.memory_space<vmem>>) offsets(%dma_start3A_121 : memref<80xi32, #tpu.memory_space<vmem>>) semaphore(%arg14 : memref<!tpu.dma_semaphore, #tpu.memory_space<semaphore_mem>>)
      %dma_wait3A = arith.constant 0 : i32
      %dma_wait3A_125 = arith.constant 0 : i32
      %dma_wait3A_126 = arith.constant 0 : i32
      %dma_wait3A_127 = tpu.memref_slice %arg6[%dma_wait3A, %dma_wait3A_125, %dma_wait3A_126] : memref<2x8x80xi32, #tpu.memory_space<vmem>> -> memref<1x1x80xi32, #tpu.memory_space<vmem>>
      %dma_wait3A_128 = tpu.memref_squeeze %dma_wait3A_127 : memref<1x1x80xi32, #tpu.memory_space<vmem>> -> memref<80xi32, #tpu.memory_space<vmem>>
      %dma_wait3A_129 = arith.constant 0 : i32
      %dma_wait3A_130 = arith.constant 0 : i32
      %dma_wait3A_131 = tpu.memref_slice %arg2[%dma_wait3A_129, %dma_wait3A_130] : memref<10000x128xf32, #tpu.memory_space<hbm>> -> memref<10000x128xf32, #tpu.memory_space<hbm>>
      tpu.wait_indirect_dma semaphore(%arg11 : memref<!tpu.dma_semaphore, #tpu.memory_space<semaphore_mem>>) src(%dma_wait3A_131 : memref<10000x128xf32, #tpu.memory_space<hbm>>) dst(%arg7 : memref<80x128xf32, #tpu.memory_space<vmem>>)
      %dma_start3A_132 = arith.constant 1 : i32
      %dma_start3A_133 = arith.constant 0 : i32
      %dma_start3A_134 = arith.constant 0 : i32
      %dma_start3A_135 = tpu.memref_slice %arg6[%dma_start3A_132, %dma_start3A_133, %dma_start3A_134] : memref<2x8x80xi32, #tpu.memory_space<vmem>> -> memref<1x1x80xi32, #tpu.memory_space<vmem>>
      %dma_start3A_136 = tpu.memref_squeeze %dma_start3A_135 : memref<1x1x80xi32, #tpu.memory_space<vmem>> -> memref<80xi32, #tpu.memory_space<vmem>>
      %dma_start3A_137 = arith.constant 0 : i32
      %dma_start3A_138 = arith.constant 0 : i32
      %dma_start3A_139 = tpu.memref_slice %arg19[%dma_start3A_137, %dma_start3A_138] : memref<10240x128xf32, #tpu.memory_space<vmem_shared>> -> memref<10240x128xf32, #tpu.memory_space<vmem_shared>>
      tpu.enqueue_indirect_dma source(%arg7 : memref<80x128xf32, #tpu.memory_space<vmem>>) target(%dma_start3A_139 : memref<10240x128xf32, #tpu.memory_space<vmem_shared>>) offsets(%dma_start3A_136 : memref<80xi32, #tpu.memory_space<vmem>>) semaphore(%arg15 : memref<!tpu.dma_semaphore, #tpu.memory_space<semaphore_mem>>) {add = true}
      %dma_wait3A_140 = arith.constant 1 : i32
      %dma_wait3A_141 = arith.constant 0 : i32
      %dma_wait3A_142 = arith.constant 0 : i32
      %dma_wait3A_143 = tpu.memref_slice %arg6[%dma_wait3A_140, %dma_wait3A_141, %dma_wait3A_142] : memref<2x8x80xi32, #tpu.memory_space<vmem>> -> memref<1x1x80xi32, #tpu.memory_space<vmem>>
      %dma_wait3A_144 = tpu.memref_squeeze %dma_wait3A_143 : memref<1x1x80xi32, #tpu.memory_space<vmem>> -> memref<80xi32, #tpu.memory_space<vmem>>
      %dma_wait3A_145 = arith.constant 0 : i32
      %dma_wait3A_146 = arith.constant 0 : i32
      %dma_wait3A_147 = tpu.memref_slice %arg19[%dma_wait3A_145, %dma_wait3A_146] : memref<10240x128xf32, #tpu.memory_space<vmem_shared>> -> memref<10240x128xf32, #tpu.memory_space<vmem_shared>>
      tpu.wait_indirect_dma semaphore(%arg15 : memref<!tpu.dma_semaphore, #tpu.memory_space<semaphore_mem>>) src(%arg7 : memref<80x128xf32, #tpu.memory_space<vmem>>) dst(%dma_wait3A_147 : memref<10240x128xf32, #tpu.memory_space<vmem_shared>>)
      %dma_start3A_148 = arith.constant 0 : i32
      %dma_start3A_149 = arith.constant 4 : i32
      %dma_start3A_150 = arith.constant 0 : i32
      %dma_start3A_151 = tpu.memref_slice %arg6[%dma_start3A_148, %dma_start3A_149, %dma_start3A_150] : memref<2x8x80xi32, #tpu.memory_space<vmem>> -> memref<1x1x80xi32, #tpu.memory_space<vmem>>
      %dma_start3A_152 = tpu.memref_squeeze %dma_start3A_151 : memref<1x1x80xi32, #tpu.memory_space<vmem>> -> memref<80xi32, #tpu.memory_space<vmem>>
      %dma_start3A_153 = arith.constant 0 : i32
      %dma_start3A_154 = arith.constant 0 : i32
      %dma_start3A_155 = tpu.memref_slice %arg2[%dma_start3A_153, %dma_start3A_154] : memref<10000x128xf32, #tpu.memory_space<hbm>> -> memref<10000x128xf32, #tpu.memory_space<hbm>>
      tpu.enqueue_indirect_dma source(%dma_start3A_155 : memref<10000x128xf32, #tpu.memory_space<hbm>>) target(%arg7 : memref<80x128xf32, #tpu.memory_space<vmem>>) offsets(%dma_start3A_152 : memref<80xi32, #tpu.memory_space<vmem>>) semaphore(%arg11 : memref<!tpu.dma_semaphore, #tpu.memory_space<semaphore_mem>>)
      %dma_wait3A_156 = arith.constant 0 : i32
      %dma_wait3A_157 = arith.constant 1 : i32
      %dma_wait3A_158 = arith.constant 0 : i32
      %dma_wait3A_159 = tpu.memref_slice %arg6[%dma_wait3A_156, %dma_wait3A_157, %dma_wait3A_158] : memref<2x8x80xi32, #tpu.memory_space<vmem>> -> memref<1x1x80xi32, #tpu.memory_space<vmem>>
      %dma_wait3A_160 = tpu.memref_squeeze %dma_wait3A_159 : memref<1x1x80xi32, #tpu.memory_space<vmem>> -> memref<80xi32, #tpu.memory_space<vmem>>
      %dma_wait3A_161 = arith.constant 0 : i32
      %dma_wait3A_162 = arith.constant 0 : i32
      %dma_wait3A_163 = tpu.memref_slice %arg2[%dma_wait3A_161, %dma_wait3A_162] : memref<10000x128xf32, #tpu.memory_space<hbm>> -> memref<10000x128xf32, #tpu.memory_space<hbm>>
      tpu.wait_indirect_dma semaphore(%arg12 : memref<!tpu.dma_semaphore, #tpu.memory_space<semaphore_mem>>) src(%dma_wait3A_163 : memref<10000x128xf32, #tpu.memory_space<hbm>>) dst(%arg8 : memref<80x128xf32, #tpu.memory_space<vmem>>)
      %dma_start3A_164 = arith.constant 1 : i32
      %dma_start3A_165 = arith.constant 1 : i32
      %dma_start3A_166 = arith.constant 0 : i32
      %dma_start3A_167 = tpu.memref_slice %arg6[%dma_start3A_164, %dma_start3A_165, %dma_start3A_166] : memref<2x8x80xi32, #tpu.memory_space<vmem>> -> memref<1x1x80xi32, #tpu.memory_space<vmem>>
      %dma_start3A_168 = tpu.memref_squeeze %dma_start3A_167 : memref<1x1x80xi32, #tpu.memory_space<vmem>> -> memref<80xi32, #tpu.memory_space<vmem>>
      %dma_start3A_169 = arith.constant 0 : i32
      %dma_start3A_170 = arith.constant 0 : i32
      %dma_start3A_171 = tpu.memref_slice %arg19[%dma_start3A_169, %dma_start3A_170] : memref<10240x128xf32, #tpu.memory_space<vmem_shared>> -> memref<10240x128xf32, #tpu.memory_space<vmem_shared>>
      tpu.enqueue_indirect_dma source(%arg8 : memref<80x128xf32, #tpu.memory_space<vmem>>) target(%dma_start3A_171 : memref<10240x128xf32, #tpu.memory_space<vmem_shared>>) offsets(%dma_start3A_168 : memref<80xi32, #tpu.memory_space<vmem>>) semaphore(%arg16 : memref<!tpu.dma_semaphore, #tpu.memory_space<semaphore_mem>>) {add = true}
      %dma_wait3A_172 = arith.constant 1 : i32
      %dma_wait3A_173 = arith.constant 1 : i32
      %dma_wait3A_174 = arith.constant 0 : i32
      %dma_wait3A_175 = tpu.memref_slice %arg6[%dma_wait3A_172, %dma_wait3A_173, %dma_wait3A_174] : memref<2x8x80xi32, #tpu.memory_space<vmem>> -> memref<1x1x80xi32, #tpu.memory_space<vmem>>
      %dma_wait3A_176 = tpu.memref_squeeze %dma_wait3A_175 : memref<1x1x80xi32, #tpu.memory_space<vmem>> -> memref<80xi32, #tpu.memory_space<vmem>>
      %dma_wait3A_177 = arith.constant 0 : i32
      %dma_wait3A_178 = arith.constant 0 : i32
      %dma_wait3A_179 = tpu.memref_slice %arg19[%dma_wait3A_177, %dma_wait3A_178] : memref<10240x128xf32, #tpu.memory_space<vmem_shared>> -> memref<10240x128xf32, #tpu.memory_space<vmem_shared>>
      tpu.wait_indirect_dma semaphore(%arg16 : memref<!tpu.dma_semaphore, #tpu.memory_space<semaphore_mem>>) src(%arg8 : memref<80x128xf32, #tpu.memory_space<vmem>>) dst(%dma_wait3A_179 : memref<10240x128xf32, #tpu.memory_space<vmem_shared>>)
      %dma_start3A_180 = arith.constant 0 : i32
      %dma_start3A_181 = arith.constant 5 : i32
      %dma_start3A_182 = arith.constant 0 : i32
      %dma_start3A_183 = tpu.memref_slice %arg6[%dma_start3A_180, %dma_start3A_181, %dma_start3A_182] : memref<2x8x80xi32, #tpu.memory_space<vmem>> -> memref<1x1x80xi32, #tpu.memory_space<vmem>>
      %dma_start3A_184 = tpu.memref_squeeze %dma_start3A_183 : memref<1x1x80xi32, #tpu.memory_space<vmem>> -> memref<80xi32, #tpu.memory_space<vmem>>
      %dma_start3A_185 = arith.constant 0 : i32
      %dma_start3A_186 = arith.constant 0 : i32
      %dma_start3A_187 = tpu.memref_slice %arg2[%dma_start3A_185, %dma_start3A_186] : memref<10000x128xf32, #tpu.memory_space<hbm>> -> memref<10000x128xf32, #tpu.memory_space<hbm>>
      tpu.enqueue_indirect_dma source(%dma_start3A_187 : memref<10000x128xf32, #tpu.memory_space<hbm>>) target(%arg8 : memref<80x128xf32, #tpu.memory_space<vmem>>) offsets(%dma_start3A_184 : memref<80xi32, #tpu.memory_space<vmem>>) semaphore(%arg12 : memref<!tpu.dma_semaphore, #tpu.memory_space<semaphore_mem>>)
      %dma_wait3A_188 = arith.constant 0 : i32
      %dma_wait3A_189 = arith.constant 2 : i32
      %dma_wait3A_190 = arith.constant 0 : i32
      %dma_wait3A_191 = tpu.memref_slice %arg6[%dma_wait3A_188, %dma_wait3A_189, %dma_wait3A_190] : memref<2x8x80xi32, #tpu.memory_space<vmem>> -> memref<1x1x80xi32, #tpu.memory_space<vmem>>
      %dma_wait3A_192 = tpu.memref_squeeze %dma_wait3A_191 : memref<1x1x80xi32, #tpu.memory_space<vmem>> -> memref<80xi32, #tpu.memory_space<vmem>>
      %dma_wait3A_193 = arith.constant 0 : i32
      %dma_wait3A_194 = arith.constant 0 : i32
      %dma_wait3A_195 = tpu.memref_slice %arg2[%dma_wait3A_193, %dma_wait3A_194] : memref<10000x128xf32, #tpu.memory_space<hbm>> -> memref<10000x128xf32, #tpu.memory_space<hbm>>
      tpu.wait_indirect_dma semaphore(%arg13 : memref<!tpu.dma_semaphore, #tpu.memory_space<semaphore_mem>>) src(%dma_wait3A_195 : memref<10000x128xf32, #tpu.memory_space<hbm>>) dst(%arg9 : memref<80x128xf32, #tpu.memory_space<vmem>>)
      %dma_start3A_196 = arith.constant 1 : i32
      %dma_start3A_197 = arith.constant 2 : i32
      %dma_start3A_198 = arith.constant 0 : i32
      %dma_start3A_199 = tpu.memref_slice %arg6[%dma_start3A_196, %dma_start3A_197, %dma_start3A_198] : memref<2x8x80xi32, #tpu.memory_space<vmem>> -> memref<1x1x80xi32, #tpu.memory_space<vmem>>
      %dma_start3A_200 = tpu.memref_squeeze %dma_start3A_199 : memref<1x1x80xi32, #tpu.memory_space<vmem>> -> memref<80xi32, #tpu.memory_space<vmem>>
      %dma_start3A_201 = arith.constant 0 : i32
      %dma_start3A_202 = arith.constant 0 : i32
      %dma_start3A_203 = tpu.memref_slice %arg19[%dma_start3A_201, %dma_start3A_202] : memref<10240x128xf32, #tpu.memory_space<vmem_shared>> -> memref<10240x128xf32, #tpu.memory_space<vmem_shared>>
      tpu.enqueue_indirect_dma source(%arg9 : memref<80x128xf32, #tpu.memory_space<vmem>>) target(%dma_start3A_203 : memref<10240x128xf32, #tpu.memory_space<vmem_shared>>) offsets(%dma_start3A_200 : memref<80xi32, #tpu.memory_space<vmem>>) semaphore(%arg17 : memref<!tpu.dma_semaphore, #tpu.memory_space<semaphore_mem>>) {add = true}
      %dma_wait3A_204 = arith.constant 1 : i32
      %dma_wait3A_205 = arith.constant 2 : i32
      %dma_wait3A_206 = arith.constant 0 : i32
      %dma_wait3A_207 = tpu.memref_slice %arg6[%dma_wait3A_204, %dma_wait3A_205, %dma_wait3A_206] : memref<2x8x80xi32, #tpu.memory_space<vmem>> -> memref<1x1x80xi32, #tpu.memory_space<vmem>>
      %dma_wait3A_208 = tpu.memref_squeeze %dma_wait3A_207 : memref<1x1x80xi32, #tpu.memory_space<vmem>> -> memref<80xi32, #tpu.memory_space<vmem>>
      %dma_wait3A_209 = arith.constant 0 : i32
      %dma_wait3A_210 = arith.constant 0 : i32
      %dma_wait3A_211 = tpu.memref_slice %arg19[%dma_wait3A_209, %dma_wait3A_210] : memref<10240x128xf32, #tpu.memory_space<vmem_shared>> -> memref<10240x128xf32, #tpu.memory_space<vmem_shared>>
      tpu.wait_indirect_dma semaphore(%arg17 : memref<!tpu.dma_semaphore, #tpu.memory_space<semaphore_mem>>) src(%arg9 : memref<80x128xf32, #tpu.memory_space<vmem>>) dst(%dma_wait3A_211 : memref<10240x128xf32, #tpu.memory_space<vmem_shared>>)
      %dma_start3A_212 = arith.constant 0 : i32
      %dma_start3A_213 = arith.constant 6 : i32
      %dma_start3A_214 = arith.constant 0 : i32
      %dma_start3A_215 = tpu.memref_slice %arg6[%dma_start3A_212, %dma_start3A_213, %dma_start3A_214] : memref<2x8x80xi32, #tpu.memory_space<vmem>> -> memref<1x1x80xi32, #tpu.memory_space<vmem>>
      %dma_start3A_216 = tpu.memref_squeeze %dma_start3A_215 : memref<1x1x80xi32, #tpu.memory_space<vmem>> -> memref<80xi32, #tpu.memory_space<vmem>>
      %dma_start3A_217 = arith.constant 0 : i32
      %dma_start3A_218 = arith.constant 0 : i32
      %dma_start3A_219 = tpu.memref_slice %arg2[%dma_start3A_217, %dma_start3A_218] : memref<10000x128xf32, #tpu.memory_space<hbm>> -> memref<10000x128xf32, #tpu.memory_space<hbm>>
      tpu.enqueue_indirect_dma source(%dma_start3A_219 : memref<10000x128xf32, #tpu.memory_space<hbm>>) target(%arg9 : memref<80x128xf32, #tpu.memory_space<vmem>>) offsets(%dma_start3A_216 : memref<80xi32, #tpu.memory_space<vmem>>) semaphore(%arg13 : memref<!tpu.dma_semaphore, #tpu.memory_space<semaphore_mem>>)
      %dma_wait3A_220 = arith.constant 0 : i32
      %dma_wait3A_221 = arith.constant 3 : i32
      %dma_wait3A_222 = arith.constant 0 : i32
      %dma_wait3A_223 = tpu.memref_slice %arg6[%dma_wait3A_220, %dma_wait3A_221, %dma_wait3A_222] : memref<2x8x80xi32, #tpu.memory_space<vmem>> -> memref<1x1x80xi32, #tpu.memory_space<vmem>>
      %dma_wait3A_224 = tpu.memref_squeeze %dma_wait3A_223 : memref<1x1x80xi32, #tpu.memory_space<vmem>> -> memref<80xi32, #tpu.memory_space<vmem>>
      %dma_wait3A_225 = arith.constant 0 : i32
      %dma_wait3A_226 = arith.constant 0 : i32
      %dma_wait3A_227 = tpu.memref_slice %arg2[%dma_wait3A_225, %dma_wait3A_226] : memref<10000x128xf32, #tpu.memory_space<hbm>> -> memref<10000x128xf32, #tpu.memory_space<hbm>>
      tpu.wait_indirect_dma semaphore(%arg14 : memref<!tpu.dma_semaphore, #tpu.memory_space<semaphore_mem>>) src(%dma_wait3A_227 : memref<10000x128xf32, #tpu.memory_space<hbm>>) dst(%arg10 : memref<80x128xf32, #tpu.memory_space<vmem>>)
      %dma_start3A_228 = arith.constant 1 : i32
      %dma_start3A_229 = arith.constant 3 : i32
      %dma_start3A_230 = arith.constant 0 : i32
      %dma_start3A_231 = tpu.memref_slice %arg6[%dma_start3A_228, %dma_start3A_229, %dma_start3A_230] : memref<2x8x80xi32, #tpu.memory_space<vmem>> -> memref<1x1x80xi32, #tpu.memory_space<vmem>>
      %dma_start3A_232 = tpu.memref_squeeze %dma_start3A_231 : memref<1x1x80xi32, #tpu.memory_space<vmem>> -> memref<80xi32, #tpu.memory_space<vmem>>
      %dma_start3A_233 = arith.constant 0 : i32
      %dma_start3A_234 = arith.constant 0 : i32
      %dma_start3A_235 = tpu.memref_slice %arg19[%dma_start3A_233, %dma_start3A_234] : memref<10240x128xf32, #tpu.memory_space<vmem_shared>> -> memref<10240x128xf32, #tpu.memory_space<vmem_shared>>
      tpu.enqueue_indirect_dma source(%arg10 : memref<80x128xf32, #tpu.memory_space<vmem>>) target(%dma_start3A_235 : memref<10240x128xf32, #tpu.memory_space<vmem_shared>>) offsets(%dma_start3A_232 : memref<80xi32, #tpu.memory_space<vmem>>) semaphore(%arg18 : memref<!tpu.dma_semaphore, #tpu.memory_space<semaphore_mem>>) {add = true}
      %dma_wait3A_236 = arith.constant 1 : i32
      %dma_wait3A_237 = arith.constant 3 : i32
      %dma_wait3A_238 = arith.constant 0 : i32
      %dma_wait3A_239 = tpu.memref_slice %arg6[%dma_wait3A_236, %dma_wait3A_237, %dma_wait3A_238] : memref<2x8x80xi32, #tpu.memory_space<vmem>> -> memref<1x1x80xi32, #tpu.memory_space<vmem>>
      %dma_wait3A_240 = tpu.memref_squeeze %dma_wait3A_239 : memref<1x1x80xi32, #tpu.memory_space<vmem>> -> memref<80xi32, #tpu.memory_space<vmem>>
      %dma_wait3A_241 = arith.constant 0 : i32
      %dma_wait3A_242 = arith.constant 0 : i32
      %dma_wait3A_243 = tpu.memref_slice %arg19[%dma_wait3A_241, %dma_wait3A_242] : memref<10240x128xf32, #tpu.memory_space<vmem_shared>> -> memref<10240x128xf32, #tpu.memory_space<vmem_shared>>
      tpu.wait_indirect_dma semaphore(%arg18 : memref<!tpu.dma_semaphore, #tpu.memory_space<semaphore_mem>>) src(%arg10 : memref<80x128xf32, #tpu.memory_space<vmem>>) dst(%dma_wait3A_243 : memref<10240x128xf32, #tpu.memory_space<vmem_shared>>)
      %dma_start3A_244 = arith.constant 0 : i32
      %dma_start3A_245 = arith.constant 7 : i32
      %dma_start3A_246 = arith.constant 0 : i32
      %dma_start3A_247 = tpu.memref_slice %arg6[%dma_start3A_244, %dma_start3A_245, %dma_start3A_246] : memref<2x8x80xi32, #tpu.memory_space<vmem>> -> memref<1x1x80xi32, #tpu.memory_space<vmem>>
      %dma_start3A_248 = tpu.memref_squeeze %dma_start3A_247 : memref<1x1x80xi32, #tpu.memory_space<vmem>> -> memref<80xi32, #tpu.memory_space<vmem>>
      %dma_start3A_249 = arith.constant 0 : i32
      %dma_start3A_250 = arith.constant 0 : i32
      %dma_start3A_251 = tpu.memref_slice %arg2[%dma_start3A_249, %dma_start3A_250] : memref<10000x128xf32, #tpu.memory_space<hbm>> -> memref<10000x128xf32, #tpu.memory_space<hbm>>
      tpu.enqueue_indirect_dma source(%dma_start3A_251 : memref<10000x128xf32, #tpu.memory_space<hbm>>) target(%arg10 : memref<80x128xf32, #tpu.memory_space<vmem>>) offsets(%dma_start3A_248 : memref<80xi32, #tpu.memory_space<vmem>>) semaphore(%arg14 : memref<!tpu.dma_semaphore, #tpu.memory_space<semaphore_mem>>)
      %dma_wait3A_252 = arith.constant 0 : i32
      %dma_wait3A_253 = arith.constant 4 : i32
      %dma_wait3A_254 = arith.constant 0 : i32
      %dma_wait3A_255 = tpu.memref_slice %arg6[%dma_wait3A_252, %dma_wait3A_253, %dma_wait3A_254] : memref<2x8x80xi32, #tpu.memory_space<vmem>> -> memref<1x1x80xi32, #tpu.memory_space<vmem>>
      %dma_wait3A_256 = tpu.memref_squeeze %dma_wait3A_255 : memref<1x1x80xi32, #tpu.memory_space<vmem>> -> memref<80xi32, #tpu.memory_space<vmem>>
      %dma_wait3A_257 = arith.constant 0 : i32
      %dma_wait3A_258 = arith.constant 0 : i32
      %dma_wait3A_259 = tpu.memref_slice %arg2[%dma_wait3A_257, %dma_wait3A_258] : memref<10000x128xf32, #tpu.memory_space<hbm>> -> memref<10000x128xf32, #tpu.memory_space<hbm>>
      tpu.wait_indirect_dma semaphore(%arg11 : memref<!tpu.dma_semaphore, #tpu.memory_space<semaphore_mem>>) src(%dma_wait3A_259 : memref<10000x128xf32, #tpu.memory_space<hbm>>) dst(%arg7 : memref<80x128xf32, #tpu.memory_space<vmem>>)
      %dma_start3A_260 = arith.constant 1 : i32
      %dma_start3A_261 = arith.constant 4 : i32
      %dma_start3A_262 = arith.constant 0 : i32
      %dma_start3A_263 = tpu.memref_slice %arg6[%dma_start3A_260, %dma_start3A_261, %dma_start3A_262] : memref<2x8x80xi32, #tpu.memory_space<vmem>> -> memref<1x1x80xi32, #tpu.memory_space<vmem>>
      %dma_start3A_264 = tpu.memref_squeeze %dma_start3A_263 : memref<1x1x80xi32, #tpu.memory_space<vmem>> -> memref<80xi32, #tpu.memory_space<vmem>>
      %dma_start3A_265 = arith.constant 0 : i32
      %dma_start3A_266 = arith.constant 0 : i32
      %dma_start3A_267 = tpu.memref_slice %arg19[%dma_start3A_265, %dma_start3A_266] : memref<10240x128xf32, #tpu.memory_space<vmem_shared>> -> memref<10240x128xf32, #tpu.memory_space<vmem_shared>>
      tpu.enqueue_indirect_dma source(%arg7 : memref<80x128xf32, #tpu.memory_space<vmem>>) target(%dma_start3A_267 : memref<10240x128xf32, #tpu.memory_space<vmem_shared>>) offsets(%dma_start3A_264 : memref<80xi32, #tpu.memory_space<vmem>>) semaphore(%arg15 : memref<!tpu.dma_semaphore, #tpu.memory_space<semaphore_mem>>) {add = true}
      %dma_wait3A_268 = arith.constant 0 : i32
      %dma_wait3A_269 = arith.constant 5 : i32
      %dma_wait3A_270 = arith.constant 0 : i32
      %dma_wait3A_271 = tpu.memref_slice %arg6[%dma_wait3A_268, %dma_wait3A_269, %dma_wait3A_270] : memref<2x8x80xi32, #tpu.memory_space<vmem>> -> memref<1x1x80xi32, #tpu.memory_space<vmem>>
      %dma_wait3A_272 = tpu.memref_squeeze %dma_wait3A_271 : memref<1x1x80xi32, #tpu.memory_space<vmem>> -> memref<80xi32, #tpu.memory_space<vmem>>
      %dma_wait3A_273 = arith.constant 0 : i32
      %dma_wait3A_274 = arith.constant 0 : i32
      %dma_wait3A_275 = tpu.memref_slice %arg2[%dma_wait3A_273, %dma_wait3A_274] : memref<10000x128xf32, #tpu.memory_space<hbm>> -> memref<10000x128xf32, #tpu.memory_space<hbm>>
      tpu.wait_indirect_dma semaphore(%arg12 : memref<!tpu.dma_semaphore, #tpu.memory_space<semaphore_mem>>) src(%dma_wait3A_275 : memref<10000x128xf32, #tpu.memory_space<hbm>>) dst(%arg8 : memref<80x128xf32, #tpu.memory_space<vmem>>)
      %dma_start3A_276 = arith.constant 1 : i32
      %dma_start3A_277 = arith.constant 5 : i32
      %dma_start3A_278 = arith.constant 0 : i32
      %dma_start3A_279 = tpu.memref_slice %arg6[%dma_start3A_276, %dma_start3A_277, %dma_start3A_278] : memref<2x8x80xi32, #tpu.memory_space<vmem>> -> memref<1x1x80xi32, #tpu.memory_space<vmem>>
      %dma_start3A_280 = tpu.memref_squeeze %dma_start3A_279 : memref<1x1x80xi32, #tpu.memory_space<vmem>> -> memref<80xi32, #tpu.memory_space<vmem>>
      %dma_start3A_281 = arith.constant 0 : i32
      %dma_start3A_282 = arith.constant 0 : i32
      %dma_start3A_283 = tpu.memref_slice %arg19[%dma_start3A_281, %dma_start3A_282] : memref<10240x128xf32, #tpu.memory_space<vmem_shared>> -> memref<10240x128xf32, #tpu.memory_space<vmem_shared>>
      tpu.enqueue_indirect_dma source(%arg8 : memref<80x128xf32, #tpu.memory_space<vmem>>) target(%dma_start3A_283 : memref<10240x128xf32, #tpu.memory_space<vmem_shared>>) offsets(%dma_start3A_280 : memref<80xi32, #tpu.memory_space<vmem>>) semaphore(%arg16 : memref<!tpu.dma_semaphore, #tpu.memory_space<semaphore_mem>>) {add = true}
      %dma_wait3A_284 = arith.constant 0 : i32
      %dma_wait3A_285 = arith.constant 6 : i32
      %dma_wait3A_286 = arith.constant 0 : i32
      %dma_wait3A_287 = tpu.memref_slice %arg6[%dma_wait3A_284, %dma_wait3A_285, %dma_wait3A_286] : memref<2x8x80xi32, #tpu.memory_space<vmem>> -> memref<1x1x80xi32, #tpu.memory_space<vmem>>
      %dma_wait3A_288 = tpu.memref_squeeze %dma_wait3A_287 : memref<1x1x80xi32, #tpu.memory_space<vmem>> -> memref<80xi32, #tpu.memory_space<vmem>>
      %dma_wait3A_289 = arith.constant 0 : i32
      %dma_wait3A_290 = arith.constant 0 : i32
      %dma_wait3A_291 = tpu.memref_slice %arg2[%dma_wait3A_289, %dma_wait3A_290] : memref<10000x128xf32, #tpu.memory_space<hbm>> -> memref<10000x128xf32, #tpu.memory_space<hbm>>
      tpu.wait_indirect_dma semaphore(%arg13 : memref<!tpu.dma_semaphore, #tpu.memory_space<semaphore_mem>>) src(%dma_wait3A_291 : memref<10000x128xf32, #tpu.memory_space<hbm>>) dst(%arg9 : memref<80x128xf32, #tpu.memory_space<vmem>>)
      %dma_start3A_292 = arith.constant 1 : i32
      %dma_start3A_293 = arith.constant 6 : i32
      %dma_start3A_294 = arith.constant 0 : i32
      %dma_start3A_295 = tpu.memref_slice %arg6[%dma_start3A_292, %dma_start3A_293, %dma_start3A_294] : memref<2x8x80xi32, #tpu.memory_space<vmem>> -> memref<1x1x80xi32, #tpu.memory_space<vmem>>
      %dma_start3A_296 = tpu.memref_squeeze %dma_start3A_295 : memref<1x1x80xi32, #tpu.memory_space<vmem>> -> memref<80xi32, #tpu.memory_space<vmem>>
      %dma_start3A_297 = arith.constant 0 : i32
      %dma_start3A_298 = arith.constant 0 : i32
      %dma_start3A_299 = tpu.memref_slice %arg19[%dma_start3A_297, %dma_start3A_298] : memref<10240x128xf32, #tpu.memory_space<vmem_shared>> -> memref<10240x128xf32, #tpu.memory_space<vmem_shared>>
      tpu.enqueue_indirect_dma source(%arg9 : memref<80x128xf32, #tpu.memory_space<vmem>>) target(%dma_start3A_299 : memref<10240x128xf32, #tpu.memory_space<vmem_shared>>) offsets(%dma_start3A_296 : memref<80xi32, #tpu.memory_space<vmem>>) semaphore(%arg17 : memref<!tpu.dma_semaphore, #tpu.memory_space<semaphore_mem>>) {add = true}
      %dma_wait3A_300 = arith.constant 0 : i32
      %dma_wait3A_301 = arith.constant 7 : i32
      %dma_wait3A_302 = arith.constant 0 : i32
      %dma_wait3A_303 = tpu.memref_slice %arg6[%dma_wait3A_300, %dma_wait3A_301, %dma_wait3A_302] : memref<2x8x80xi32, #tpu.memory_space<vmem>> -> memref<1x1x80xi32, #tpu.memory_space<vmem>>
      %dma_wait3A_304 = tpu.memref_squeeze %dma_wait3A_303 : memref<1x1x80xi32, #tpu.memory_space<vmem>> -> memref<80xi32, #tpu.memory_space<vmem>>
      %dma_wait3A_305 = arith.constant 0 : i32
      %dma_wait3A_306 = arith.constant 0 : i32
      %dma_wait3A_307 = tpu.memref_slice %arg2[%dma_wait3A_305, %dma_wait3A_306] : memref<10000x128xf32, #tpu.memory_space<hbm>> -> memref<10000x128xf32, #tpu.memory_space<hbm>>
      tpu.wait_indirect_dma semaphore(%arg14 : memref<!tpu.dma_semaphore, #tpu.memory_space<semaphore_mem>>) src(%dma_wait3A_307 : memref<10000x128xf32, #tpu.memory_space<hbm>>) dst(%arg10 : memref<80x128xf32, #tpu.memory_space<vmem>>)
      %dma_start3A_308 = arith.constant 1 : i32
      %dma_start3A_309 = arith.constant 7 : i32
      %dma_start3A_310 = arith.constant 0 : i32
      %dma_start3A_311 = tpu.memref_slice %arg6[%dma_start3A_308, %dma_start3A_309, %dma_start3A_310] : memref<2x8x80xi32, #tpu.memory_space<vmem>> -> memref<1x1x80xi32, #tpu.memory_space<vmem>>
      %dma_start3A_312 = tpu.memref_squeeze %dma_start3A_311 : memref<1x1x80xi32, #tpu.memory_space<vmem>> -> memref<80xi32, #tpu.memory_space<vmem>>
      %dma_start3A_313 = arith.constant 0 : i32
      %dma_start3A_314 = arith.constant 0 : i32
      %dma_start3A_315 = tpu.memref_slice %arg19[%dma_start3A_313, %dma_start3A_314] : memref<10240x128xf32, #tpu.memory_space<vmem_shared>> -> memref<10240x128xf32, #tpu.memory_space<vmem_shared>>
      tpu.enqueue_indirect_dma source(%arg10 : memref<80x128xf32, #tpu.memory_space<vmem>>) target(%dma_start3A_315 : memref<10240x128xf32, #tpu.memory_space<vmem_shared>>) offsets(%dma_start3A_312 : memref<80xi32, #tpu.memory_space<vmem>>) semaphore(%arg18 : memref<!tpu.dma_semaphore, #tpu.memory_space<semaphore_mem>>) {add = true}
      %dma_wait3A_316 = arith.constant 1 : i32
      %dma_wait3A_317 = arith.constant 4 : i32
      %dma_wait3A_318 = arith.constant 0 : i32
      %dma_wait3A_319 = tpu.memref_slice %arg6[%dma_wait3A_316, %dma_wait3A_317, %dma_wait3A_318] : memref<2x8x80xi32, #tpu.memory_space<vmem>> -> memref<1x1x80xi32, #tpu.memory_space<vmem>>
      %dma_wait3A_320 = tpu.memref_squeeze %dma_wait3A_319 : memref<1x1x80xi32, #tpu.memory_space<vmem>> -> memref<80xi32, #tpu.memory_space<vmem>>
      %dma_wait3A_321 = arith.constant 0 : i32
      %dma_wait3A_322 = arith.constant 0 : i32
      %dma_wait3A_323 = tpu.memref_slice %arg19[%dma_wait3A_321, %dma_wait3A_322] : memref<10240x128xf32, #tpu.memory_space<vmem_shared>> -> memref<10240x128xf32, #tpu.memory_space<vmem_shared>>
      tpu.wait_indirect_dma semaphore(%arg15 : memref<!tpu.dma_semaphore, #tpu.memory_space<semaphore_mem>>) src(%arg7 : memref<80x128xf32, #tpu.memory_space<vmem>>) dst(%dma_wait3A_323 : memref<10240x128xf32, #tpu.memory_space<vmem_shared>>)
      %dma_wait3A_324 = arith.constant 1 : i32
      %dma_wait3A_325 = arith.constant 5 : i32
      %dma_wait3A_326 = arith.constant 0 : i32
      %dma_wait3A_327 = tpu.memref_slice %arg6[%dma_wait3A_324, %dma_wait3A_325, %dma_wait3A_326] : memref<2x8x80xi32, #tpu.memory_space<vmem>> -> memref<1x1x80xi32, #tpu.memory_space<vmem>>
      %dma_wait3A_328 = tpu.memref_squeeze %dma_wait3A_327 : memref<1x1x80xi32, #tpu.memory_space<vmem>> -> memref<80xi32, #tpu.memory_space<vmem>>
      %dma_wait3A_329 = arith.constant 0 : i32
      %dma_wait3A_330 = arith.constant 0 : i32
      %dma_wait3A_331 = tpu.memref_slice %arg19[%dma_wait3A_329, %dma_wait3A_330] : memref<10240x128xf32, #tpu.memory_space<vmem_shared>> -> memref<10240x128xf32, #tpu.memory_space<vmem_shared>>
      tpu.wait_indirect_dma semaphore(%arg16 : memref<!tpu.dma_semaphore, #tpu.memory_space<semaphore_mem>>) src(%arg8 : memref<80x128xf32, #tpu.memory_space<vmem>>) dst(%dma_wait3A_331 : memref<10240x128xf32, #tpu.memory_space<vmem_shared>>)
      %dma_wait3A_332 = arith.constant 1 : i32
      %dma_wait3A_333 = arith.constant 6 : i32
      %dma_wait3A_334 = arith.constant 0 : i32
      %dma_wait3A_335 = tpu.memref_slice %arg6[%dma_wait3A_332, %dma_wait3A_333, %dma_wait3A_334] : memref<2x8x80xi32, #tpu.memory_space<vmem>> -> memref<1x1x80xi32, #tpu.memory_space<vmem>>
      %dma_wait3A_336 = tpu.memref_squeeze %dma_wait3A_335 : memref<1x1x80xi32, #tpu.memory_space<vmem>> -> memref<80xi32, #tpu.memory_space<vmem>>
      %dma_wait3A_337 = arith.constant 0 : i32
      %dma_wait3A_338 = arith.constant 0 : i32
      %dma_wait3A_339 = tpu.memref_slice %arg19[%dma_wait3A_337, %dma_wait3A_338] : memref<10240x128xf32, #tpu.memory_space<vmem_shared>> -> memref<10240x128xf32, #tpu.memory_space<vmem_shared>>
      tpu.wait_indirect_dma semaphore(%arg17 : memref<!tpu.dma_semaphore, #tpu.memory_space<semaphore_mem>>) src(%arg9 : memref<80x128xf32, #tpu.memory_space<vmem>>) dst(%dma_wait3A_339 : memref<10240x128xf32, #tpu.memory_space<vmem_shared>>)
      %dma_wait3A_340 = arith.constant 1 : i32
      %dma_wait3A_341 = arith.constant 7 : i32
      %dma_wait3A_342 = arith.constant 0 : i32
      %dma_wait3A_343 = tpu.memref_slice %arg6[%dma_wait3A_340, %dma_wait3A_341, %dma_wait3A_342] : memref<2x8x80xi32, #tpu.memory_space<vmem>> -> memref<1x1x80xi32, #tpu.memory_space<vmem>>
      %dma_wait3A_344 = tpu.memref_squeeze %dma_wait3A_343 : memref<1x1x80xi32, #tpu.memory_space<vmem>> -> memref<80xi32, #tpu.memory_space<vmem>>
      %dma_wait3A_345 = arith.constant 0 : i32
      %dma_wait3A_346 = arith.constant 0 : i32
      %dma_wait3A_347 = tpu.memref_slice %arg19[%dma_wait3A_345, %dma_wait3A_346] : memref<10240x128xf32, #tpu.memory_space<vmem_shared>> -> memref<10240x128xf32, #tpu.memory_space<vmem_shared>>
      tpu.wait_indirect_dma semaphore(%arg18 : memref<!tpu.dma_semaphore, #tpu.memory_space<semaphore_mem>>) src(%arg10 : memref<80x128xf32, #tpu.memory_space<vmem>>) dst(%dma_wait3A_347 : memref<10240x128xf32, #tpu.memory_space<vmem_shared>>)
    }
    %while3A_56 = arith.constant 1 : i32
    scf.for %while3A_90 = %while3A_54 to %while3A_50 step %while3A_56  : i32 {
      %mul3A_91 = arith.muli %while3A_90, %while3A : i32
      %add3A_92 = arith.addi %while3A_47, %mul3A_91 : i32
      %add3A_93 = arith.addi %select_n3A, %add3A_92 : i32
      "tpu.region"() ({
        %run_scoped3A = tpu.sem_alloc : memref<!tpu.dma_semaphore, #tpu.memory_space<semaphore_mem>>
        %dma_start3A_348 = arith.constant 0 : i32
        %dma_start3A_349 = arith.constant 0 : i32
        %dma_start3A_350 = arith.constant 0 : i32
        %dma_start3A_351 = tpu.memref_slice %arg3[%add3A_93, %dma_start3A_348, %dma_start3A_349, %dma_start3A_350] : memref<512x2x8x80xi32, #tpu.memory_space<hbm>> -> memref<1x2x8x80xi32, #tpu.memory_space<hbm>>
        %dma_start3A_352 = tpu.memref_squeeze %dma_start3A_351 : memref<1x2x8x80xi32, #tpu.memory_space<hbm>> -> memref<2x8x80xi32, #tpu.memory_space<hbm>>
        %dma_start3A_353 = arith.constant 0 : i32
        %dma_start3A_354 = arith.constant 0 : i32
        %dma_start3A_355 = arith.constant 0 : i32
        %dma_start3A_356 = tpu.memref_slice %arg3[%add3A_93, %dma_start3A_353, %dma_start3A_354, %dma_start3A_355] : memref<512x2x8x80xi32, #tpu.memory_space<hbm>> -> memref<1x2x8x80xi32, #tpu.memory_space<hbm>>
        %dma_start3A_357 = tpu.memref_squeeze %dma_start3A_356 : memref<1x2x8x80xi32, #tpu.memory_space<hbm>> -> memref<2x8x80xi32, #tpu.memory_space<hbm>>
        tpu.enqueue_dma source(%dma_start3A_357 : memref<2x8x80xi32, #tpu.memory_space<hbm>>) target(%arg6 : memref<2x8x80xi32, #tpu.memory_space<vmem>>) target_semaphore(%run_scoped3A : memref<!tpu.dma_semaphore, #tpu.memory_space<semaphore_mem>>)
        %dma_wait3A_358 = arith.constant 0 : i32
        %dma_wait3A_359 = arith.constant 0 : i32
        %dma_wait3A_360 = arith.constant 0 : i32
        %dma_wait3A_361 = tpu.memref_slice %arg3[%add3A_93, %dma_wait3A_358, %dma_wait3A_359, %dma_wait3A_360] : memref<512x2x8x80xi32, #tpu.memory_space<hbm>> -> memref<1x2x8x80xi32, #tpu.memory_space<hbm>>
        %dma_wait3A_362 = tpu.memref_squeeze %dma_wait3A_361 : memref<1x2x8x80xi32, #tpu.memory_space<hbm>> -> memref<2x8x80xi32, #tpu.memory_space<hbm>>
        %dma_wait3A_363 = arith.constant 0 : i32
        %dma_wait3A_364 = arith.constant 0 : i32
        %dma_wait3A_365 = arith.constant 0 : i32
        %dma_wait3A_366 = tpu.memref_slice %arg3[%add3A_93, %dma_wait3A_363, %dma_wait3A_364, %dma_wait3A_365] : memref<512x2x8x80xi32, #tpu.memory_space<hbm>> -> memref<1x2x8x80xi32, #tpu.memory_space<hbm>>
        %dma_wait3A_367 = tpu.memref_squeeze %dma_wait3A_366 : memref<1x2x8x80xi32, #tpu.memory_space<hbm>> -> memref<2x8x80xi32, #tpu.memory_space<hbm>>
        tpu.wait_dma2 semaphore(%run_scoped3A : memref<!tpu.dma_semaphore, #tpu.memory_space<semaphore_mem>>) src(%dma_wait3A_367 : memref<2x8x80xi32, #tpu.memory_space<hbm>>) dst(%arg6 : memref<2x8x80xi32, #tpu.memory_space<vmem>>)
        tpu.yield
      }) : () -> ()
      %dma_start3A = arith.constant 0 : i32
      %dma_start3A_94 = arith.constant 0 : i32
      %dma_start3A_95 = arith.constant 0 : i32
      %dma_start3A_96 = tpu.memref_slice %arg6[%dma_start3A, %dma_start3A_94, %dma_start3A_95] : memref<2x8x80xi32, #tpu.memory_space<vmem>> -> memref<1x1x80xi32, #tpu.memory_space<vmem>>
      %dma_start3A_97 = tpu.memref_squeeze %dma_start3A_96 : memref<1x1x80xi32, #tpu.memory_space<vmem>> -> memref<80xi32, #tpu.memory_space<vmem>>
      %dma_start3A_98 = arith.constant 0 : i32
      %dma_start3A_99 = arith.constant 0 : i32
      %dma_start3A_100 = tpu.memref_slice %arg2[%dma_start3A_98, %dma_start3A_99] : memref<10000x128xf32, #tpu.memory_space<hbm>> -> memref<10000x128xf32, #tpu.memory_space<hbm>>
      tpu.enqueue_indirect_dma source(%dma_start3A_100 : memref<10000x128xf32, #tpu.memory_space<hbm>>) target(%arg7 : memref<80x128xf32, #tpu.memory_space<vmem>>) offsets(%dma_start3A_97 : memref<80xi32, #tpu.memory_space<vmem>>) semaphore(%arg11 : memref<!tpu.dma_semaphore, #tpu.memory_space<semaphore_mem>>)
      %dma_start3A_101 = arith.constant 0 : i32
      %dma_start3A_102 = arith.constant 1 : i32
      %dma_start3A_103 = arith.constant 0 : i32
      %dma_start3A_104 = tpu.memref_slice %arg6[%dma_start3A_101, %dma_start3A_102, %dma_start3A_103] : memref<2x8x80xi32, #tpu.memory_space<vmem>> -> memref<1x1x80xi32, #tpu.memory_space<vmem>>
      %dma_start3A_105 = tpu.memref_squeeze %dma_start3A_104 : memref<1x1x80xi32, #tpu.memory_space<vmem>> -> memref<80xi32, #tpu.memory_space<vmem>>
      %dma_start3A_106 = arith.constant 0 : i32
      %dma_start3A_107 = arith.constant 0 : i32
      %dma_start3A_108 = tpu.memref_slice %arg2[%dma_start3A_106, %dma_start3A_107] : memref<10000x128xf32, #tpu.memory_space<hbm>> -> memref<10000x128xf32, #tpu.memory_space<hbm>>
      tpu.enqueue_indirect_dma source(%dma_start3A_108 : memref<10000x128xf32, #tpu.memory_space<hbm>>) target(%arg8 : memref<80x128xf32, #tpu.memory_space<vmem>>) offsets(%dma_start3A_105 : memref<80xi32, #tpu.memory_space<vmem>>) semaphore(%arg12 : memref<!tpu.dma_semaphore, #tpu.memory_space<semaphore_mem>>)
      %dma_start3A_109 = arith.constant 0 : i32
      %dma_start3A_110 = arith.constant 2 : i32
      %dma_start3A_111 = arith.constant 0 : i32
      %dma_start3A_112 = tpu.memref_slice %arg6[%dma_start3A_109, %dma_start3A_110, %dma_start3A_111] : memref<2x8x80xi32, #tpu.memory_space<vmem>> -> memref<1x1x80xi32, #tpu.memory_space<vmem>>
      %dma_start3A_113 = tpu.memref_squeeze %dma_start3A_112 : memref<1x1x80xi32, #tpu.memory_space<vmem>> -> memref<80xi32, #tpu.memory_space<vmem>>
      %dma_start3A_114 = arith.constant 0 : i32
      %dma_start3A_115 = arith.constant 0 : i32
      %dma_start3A_116 = tpu.memref_slice %arg2[%dma_start3A_114, %dma_start3A_115] : memref<10000x128xf32, #tpu.memory_space<hbm>> -> memref<10000x128xf32, #tpu.memory_space<hbm>>
      tpu.enqueue_indirect_dma source(%dma_start3A_116 : memref<10000x128xf32, #tpu.memory_space<hbm>>) target(%arg9 : memref<80x128xf32, #tpu.memory_space<vmem>>) offsets(%dma_start3A_113 : memref<80xi32, #tpu.memory_space<vmem>>) semaphore(%arg13 : memref<!tpu.dma_semaphore, #tpu.memory_space<semaphore_mem>>)
      %dma_start3A_117 = arith.constant 0 : i32
      %dma_start3A_118 = arith.constant 3 : i32
      %dma_start3A_119 = arith.constant 0 : i32
      %dma_start3A_120 = tpu.memref_slice %arg6[%dma_start3A_117, %dma_start3A_118, %dma_start3A_119] : memref<2x8x80xi32, #tpu.memory_space<vmem>> -> memref<1x1x80xi32, #tpu.memory_space<vmem>>
      %dma_start3A_121 = tpu.memref_squeeze %dma_start3A_120 : memref<1x1x80xi32, #tpu.memory_space<vmem>> -> memref<80xi32, #tpu.memory_space<vmem>>
      %dma_start3A_122 = arith.constant 0 : i32
      %dma_start3A_123 = arith.constant 0 : i32
      %dma_start3A_124 = tpu.memref_slice %arg2[%dma_start3A_122, %dma_start3A_123] : memref<10000x128xf32, #tpu.memory_space<hbm>> -> memref<10000x128xf32, #tpu.memory_space<hbm>>
      tpu.enqueue_indirect_dma source(%dma_start3A_124 : memref<10000x128xf32, #tpu.memory_space<hbm>>) target(%arg10 : memref<80x128xf32, #tpu.memory_space<vmem>>) offsets(%dma_start3A_121 : memref<80xi32, #tpu.memory_space<vmem>>) semaphore(%arg14 : memref<!tpu.dma_semaphore, #tpu.memory_space<semaphore_mem>>)
      %dma_wait3A = arith.constant 0 : i32
      %dma_wait3A_125 = arith.constant 0 : i32
      %dma_wait3A_126 = arith.constant 0 : i32
      %dma_wait3A_127 = tpu.memref_slice %arg6[%dma_wait3A, %dma_wait3A_125, %dma_wait3A_126] : memref<2x8x80xi32, #tpu.memory_space<vmem>> -> memref<1x1x80xi32, #tpu.memory_space<vmem>>
      %dma_wait3A_128 = tpu.memref_squeeze %dma_wait3A_127 : memref<1x1x80xi32, #tpu.memory_space<vmem>> -> memref<80xi32, #tpu.memory_space<vmem>>
      %dma_wait3A_129 = arith.constant 0 : i32
      %dma_wait3A_130 = arith.constant 0 : i32
      %dma_wait3A_131 = tpu.memref_slice %arg2[%dma_wait3A_129, %dma_wait3A_130] : memref<10000x128xf32, #tpu.memory_space<hbm>> -> memref<10000x128xf32, #tpu.memory_space<hbm>>
      tpu.wait_indirect_dma semaphore(%arg11 : memref<!tpu.dma_semaphore, #tpu.memory_space<semaphore_mem>>) src(%dma_wait3A_131 : memref<10000x128xf32, #tpu.memory_space<hbm>>) dst(%arg7 : memref<80x128xf32, #tpu.memory_space<vmem>>)
      %dma_start3A_132 = arith.constant 1 : i32
      %dma_start3A_133 = arith.constant 0 : i32
      %dma_start3A_134 = arith.constant 0 : i32
      %dma_start3A_135 = tpu.memref_slice %arg6[%dma_start3A_132, %dma_start3A_133, %dma_start3A_134] : memref<2x8x80xi32, #tpu.memory_space<vmem>> -> memref<1x1x80xi32, #tpu.memory_space<vmem>>
      %dma_start3A_136 = tpu.memref_squeeze %dma_start3A_135 : memref<1x1x80xi32, #tpu.memory_space<vmem>> -> memref<80xi32, #tpu.memory_space<vmem>>
      %dma_start3A_137 = arith.constant 0 : i32
      %dma_start3A_138 = arith.constant 0 : i32
      %dma_start3A_139 = tpu.memref_slice %arg19[%dma_start3A_137, %dma_start3A_138] : memref<10240x128xf32, #tpu.memory_space<vmem_shared>> -> memref<10240x128xf32, #tpu.memory_space<vmem_shared>>
      tpu.enqueue_indirect_dma source(%arg7 : memref<80x128xf32, #tpu.memory_space<vmem>>) target(%dma_start3A_139 : memref<10240x128xf32, #tpu.memory_space<vmem_shared>>) offsets(%dma_start3A_136 : memref<80xi32, #tpu.memory_space<vmem>>) semaphore(%arg15 : memref<!tpu.dma_semaphore, #tpu.memory_space<semaphore_mem>>) {add = true}
      %dma_wait3A_140 = arith.constant 1 : i32
      %dma_wait3A_141 = arith.constant 0 : i32
      %dma_wait3A_142 = arith.constant 0 : i32
      %dma_wait3A_143 = tpu.memref_slice %arg6[%dma_wait3A_140, %dma_wait3A_141, %dma_wait3A_142] : memref<2x8x80xi32, #tpu.memory_space<vmem>> -> memref<1x1x80xi32, #tpu.memory_space<vmem>>
      %dma_wait3A_144 = tpu.memref_squeeze %dma_wait3A_143 : memref<1x1x80xi32, #tpu.memory_space<vmem>> -> memref<80xi32, #tpu.memory_space<vmem>>
      %dma_wait3A_145 = arith.constant 0 : i32
      %dma_wait3A_146 = arith.constant 0 : i32
      %dma_wait3A_147 = tpu.memref_slice %arg19[%dma_wait3A_145, %dma_wait3A_146] : memref<10240x128xf32, #tpu.memory_space<vmem_shared>> -> memref<10240x128xf32, #tpu.memory_space<vmem_shared>>
      tpu.wait_indirect_dma semaphore(%arg15 : memref<!tpu.dma_semaphore, #tpu.memory_space<semaphore_mem>>) src(%arg7 : memref<80x128xf32, #tpu.memory_space<vmem>>) dst(%dma_wait3A_147 : memref<10240x128xf32, #tpu.memory_space<vmem_shared>>)
      %dma_start3A_148 = arith.constant 0 : i32
      %dma_start3A_149 = arith.constant 4 : i32
      %dma_start3A_150 = arith.constant 0 : i32
      %dma_start3A_151 = tpu.memref_slice %arg6[%dma_start3A_148, %dma_start3A_149, %dma_start3A_150] : memref<2x8x80xi32, #tpu.memory_space<vmem>> -> memref<1x1x80xi32, #tpu.memory_space<vmem>>
      %dma_start3A_152 = tpu.memref_squeeze %dma_start3A_151 : memref<1x1x80xi32, #tpu.memory_space<vmem>> -> memref<80xi32, #tpu.memory_space<vmem>>
      %dma_start3A_153 = arith.constant 0 : i32
      %dma_start3A_154 = arith.constant 0 : i32
      %dma_start3A_155 = tpu.memref_slice %arg2[%dma_start3A_153, %dma_start3A_154] : memref<10000x128xf32, #tpu.memory_space<hbm>> -> memref<10000x128xf32, #tpu.memory_space<hbm>>
      tpu.enqueue_indirect_dma source(%dma_start3A_155 : memref<10000x128xf32, #tpu.memory_space<hbm>>) target(%arg7 : memref<80x128xf32, #tpu.memory_space<vmem>>) offsets(%dma_start3A_152 : memref<80xi32, #tpu.memory_space<vmem>>) semaphore(%arg11 : memref<!tpu.dma_semaphore, #tpu.memory_space<semaphore_mem>>)
      %dma_wait3A_156 = arith.constant 0 : i32
      %dma_wait3A_157 = arith.constant 1 : i32
      %dma_wait3A_158 = arith.constant 0 : i32
      %dma_wait3A_159 = tpu.memref_slice %arg6[%dma_wait3A_156, %dma_wait3A_157, %dma_wait3A_158] : memref<2x8x80xi32, #tpu.memory_space<vmem>> -> memref<1x1x80xi32, #tpu.memory_space<vmem>>
      %dma_wait3A_160 = tpu.memref_squeeze %dma_wait3A_159 : memref<1x1x80xi32, #tpu.memory_space<vmem>> -> memref<80xi32, #tpu.memory_space<vmem>>
      %dma_wait3A_161 = arith.constant 0 : i32
      %dma_wait3A_162 = arith.constant 0 : i32
      %dma_wait3A_163 = tpu.memref_slice %arg2[%dma_wait3A_161, %dma_wait3A_162] : memref<10000x128xf32, #tpu.memory_space<hbm>> -> memref<10000x128xf32, #tpu.memory_space<hbm>>
      tpu.wait_indirect_dma semaphore(%arg12 : memref<!tpu.dma_semaphore, #tpu.memory_space<semaphore_mem>>) src(%dma_wait3A_163 : memref<10000x128xf32, #tpu.memory_space<hbm>>) dst(%arg8 : memref<80x128xf32, #tpu.memory_space<vmem>>)
      %dma_start3A_164 = arith.constant 1 : i32
      %dma_start3A_165 = arith.constant 1 : i32
      %dma_start3A_166 = arith.constant 0 : i32
      %dma_start3A_167 = tpu.memref_slice %arg6[%dma_start3A_164, %dma_start3A_165, %dma_start3A_166] : memref<2x8x80xi32, #tpu.memory_space<vmem>> -> memref<1x1x80xi32, #tpu.memory_space<vmem>>
      %dma_start3A_168 = tpu.memref_squeeze %dma_start3A_167 : memref<1x1x80xi32, #tpu.memory_space<vmem>> -> memref<80xi32, #tpu.memory_space<vmem>>
      %dma_start3A_169 = arith.constant 0 : i32
      %dma_start3A_170 = arith.constant 0 : i32
      %dma_start3A_171 = tpu.memref_slice %arg19[%dma_start3A_169, %dma_start3A_170] : memref<10240x128xf32, #tpu.memory_space<vmem_shared>> -> memref<10240x128xf32, #tpu.memory_space<vmem_shared>>
      tpu.enqueue_indirect_dma source(%arg8 : memref<80x128xf32, #tpu.memory_space<vmem>>) target(%dma_start3A_171 : memref<10240x128xf32, #tpu.memory_space<vmem_shared>>) offsets(%dma_start3A_168 : memref<80xi32, #tpu.memory_space<vmem>>) semaphore(%arg16 : memref<!tpu.dma_semaphore, #tpu.memory_space<semaphore_mem>>) {add = true}
      %dma_wait3A_172 = arith.constant 1 : i32
      %dma_wait3A_173 = arith.constant 1 : i32
      %dma_wait3A_174 = arith.constant 0 : i32
      %dma_wait3A_175 = tpu.memref_slice %arg6[%dma_wait3A_172, %dma_wait3A_173, %dma_wait3A_174] : memref<2x8x80xi32, #tpu.memory_space<vmem>> -> memref<1x1x80xi32, #tpu.memory_space<vmem>>
      %dma_wait3A_176 = tpu.memref_squeeze %dma_wait3A_175 : memref<1x1x80xi32, #tpu.memory_space<vmem>> -> memref<80xi32, #tpu.memory_space<vmem>>
      %dma_wait3A_177 = arith.constant 0 : i32
      %dma_wait3A_178 = arith.constant 0 : i32
      %dma_wait3A_179 = tpu.memref_slice %arg19[%dma_wait3A_177, %dma_wait3A_178] : memref<10240x128xf32, #tpu.memory_space<vmem_shared>> -> memref<10240x128xf32, #tpu.memory_space<vmem_shared>>
      tpu.wait_indirect_dma semaphore(%arg16 : memref<!tpu.dma_semaphore, #tpu.memory_space<semaphore_mem>>) src(%arg8 : memref<80x128xf32, #tpu.memory_space<vmem>>) dst(%dma_wait3A_179 : memref<10240x128xf32, #tpu.memory_space<vmem_shared>>)
      %dma_start3A_180 = arith.constant 0 : i32
      %dma_start3A_181 = arith.constant 5 : i32
      %dma_start3A_182 = arith.constant 0 : i32
      %dma_start3A_183 = tpu.memref_slice %arg6[%dma_start3A_180, %dma_start3A_181, %dma_start3A_182] : memref<2x8x80xi32, #tpu.memory_space<vmem>> -> memref<1x1x80xi32, #tpu.memory_space<vmem>>
      %dma_start3A_184 = tpu.memref_squeeze %dma_start3A_183 : memref<1x1x80xi32, #tpu.memory_space<vmem>> -> memref<80xi32, #tpu.memory_space<vmem>>
      %dma_start3A_185 = arith.constant 0 : i32
      %dma_start3A_186 = arith.constant 0 : i32
      %dma_start3A_187 = tpu.memref_slice %arg2[%dma_start3A_185, %dma_start3A_186] : memref<10000x128xf32, #tpu.memory_space<hbm>> -> memref<10000x128xf32, #tpu.memory_space<hbm>>
      tpu.enqueue_indirect_dma source(%dma_start3A_187 : memref<10000x128xf32, #tpu.memory_space<hbm>>) target(%arg8 : memref<80x128xf32, #tpu.memory_space<vmem>>) offsets(%dma_start3A_184 : memref<80xi32, #tpu.memory_space<vmem>>) semaphore(%arg12 : memref<!tpu.dma_semaphore, #tpu.memory_space<semaphore_mem>>)
      %dma_wait3A_188 = arith.constant 0 : i32
      %dma_wait3A_189 = arith.constant 2 : i32
      %dma_wait3A_190 = arith.constant 0 : i32
      %dma_wait3A_191 = tpu.memref_slice %arg6[%dma_wait3A_188, %dma_wait3A_189, %dma_wait3A_190] : memref<2x8x80xi32, #tpu.memory_space<vmem>> -> memref<1x1x80xi32, #tpu.memory_space<vmem>>
      %dma_wait3A_192 = tpu.memref_squeeze %dma_wait3A_191 : memref<1x1x80xi32, #tpu.memory_space<vmem>> -> memref<80xi32, #tpu.memory_space<vmem>>
      %dma_wait3A_193 = arith.constant 0 : i32
      %dma_wait3A_194 = arith.constant 0 : i32
      %dma_wait3A_195 = tpu.memref_slice %arg2[%dma_wait3A_193, %dma_wait3A_194] : memref<10000x128xf32, #tpu.memory_space<hbm>> -> memref<10000x128xf32, #tpu.memory_space<hbm>>
      tpu.wait_indirect_dma semaphore(%arg13 : memref<!tpu.dma_semaphore, #tpu.memory_space<semaphore_mem>>) src(%dma_wait3A_195 : memref<10000x128xf32, #tpu.memory_space<hbm>>) dst(%arg9 : memref<80x128xf32, #tpu.memory_space<vmem>>)
      %dma_start3A_196 = arith.constant 1 : i32
      %dma_start3A_197 = arith.constant 2 : i32
      %dma_start3A_198 = arith.constant 0 : i32
      %dma_start3A_199 = tpu.memref_slice %arg6[%dma_start3A_196, %dma_start3A_197, %dma_start3A_198] : memref<2x8x80xi32, #tpu.memory_space<vmem>> -> memref<1x1x80xi32, #tpu.memory_space<vmem>>
      %dma_start3A_200 = tpu.memref_squeeze %dma_start3A_199 : memref<1x1x80xi32, #tpu.memory_space<vmem>> -> memref<80xi32, #tpu.memory_space<vmem>>
      %dma_start3A_201 = arith.constant 0 : i32
      %dma_start3A_202 = arith.constant 0 : i32
      %dma_start3A_203 = tpu.memref_slice %arg19[%dma_start3A_201, %dma_start3A_202] : memref<10240x128xf32, #tpu.memory_space<vmem_shared>> -> memref<10240x128xf32, #tpu.memory_space<vmem_shared>>
      tpu.enqueue_indirect_dma source(%arg9 : memref<80x128xf32, #tpu.memory_space<vmem>>) target(%dma_start3A_203 : memref<10240x128xf32, #tpu.memory_space<vmem_shared>>) offsets(%dma_start3A_200 : memref<80xi32, #tpu.memory_space<vmem>>) semaphore(%arg17 : memref<!tpu.dma_semaphore, #tpu.memory_space<semaphore_mem>>) {add = true}
      %dma_wait3A_204 = arith.constant 1 : i32
      %dma_wait3A_205 = arith.constant 2 : i32
      %dma_wait3A_206 = arith.constant 0 : i32
      %dma_wait3A_207 = tpu.memref_slice %arg6[%dma_wait3A_204, %dma_wait3A_205, %dma_wait3A_206] : memref<2x8x80xi32, #tpu.memory_space<vmem>> -> memref<1x1x80xi32, #tpu.memory_space<vmem>>
      %dma_wait3A_208 = tpu.memref_squeeze %dma_wait3A_207 : memref<1x1x80xi32, #tpu.memory_space<vmem>> -> memref<80xi32, #tpu.memory_space<vmem>>
      %dma_wait3A_209 = arith.constant 0 : i32
      %dma_wait3A_210 = arith.constant 0 : i32
      %dma_wait3A_211 = tpu.memref_slice %arg19[%dma_wait3A_209, %dma_wait3A_210] : memref<10240x128xf32, #tpu.memory_space<vmem_shared>> -> memref<10240x128xf32, #tpu.memory_space<vmem_shared>>
      tpu.wait_indirect_dma semaphore(%arg17 : memref<!tpu.dma_semaphore, #tpu.memory_space<semaphore_mem>>) src(%arg9 : memref<80x128xf32, #tpu.memory_space<vmem>>) dst(%dma_wait3A_211 : memref<10240x128xf32, #tpu.memory_space<vmem_shared>>)
      %dma_start3A_212 = arith.constant 0 : i32
      %dma_start3A_213 = arith.constant 6 : i32
      %dma_start3A_214 = arith.constant 0 : i32
      %dma_start3A_215 = tpu.memref_slice %arg6[%dma_start3A_212, %dma_start3A_213, %dma_start3A_214] : memref<2x8x80xi32, #tpu.memory_space<vmem>> -> memref<1x1x80xi32, #tpu.memory_space<vmem>>
      %dma_start3A_216 = tpu.memref_squeeze %dma_start3A_215 : memref<1x1x80xi32, #tpu.memory_space<vmem>> -> memref<80xi32, #tpu.memory_space<vmem>>
      %dma_start3A_217 = arith.constant 0 : i32
      %dma_start3A_218 = arith.constant 0 : i32
      %dma_start3A_219 = tpu.memref_slice %arg2[%dma_start3A_217, %dma_start3A_218] : memref<10000x128xf32, #tpu.memory_space<hbm>> -> memref<10000x128xf32, #tpu.memory_space<hbm>>
      tpu.enqueue_indirect_dma source(%dma_start3A_219 : memref<10000x128xf32, #tpu.memory_space<hbm>>) target(%arg9 : memref<80x128xf32, #tpu.memory_space<vmem>>) offsets(%dma_start3A_216 : memref<80xi32, #tpu.memory_space<vmem>>) semaphore(%arg13 : memref<!tpu.dma_semaphore, #tpu.memory_space<semaphore_mem>>)
      %dma_wait3A_220 = arith.constant 0 : i32
      %dma_wait3A_221 = arith.constant 3 : i32
      %dma_wait3A_222 = arith.constant 0 : i32
      %dma_wait3A_223 = tpu.memref_slice %arg6[%dma_wait3A_220, %dma_wait3A_221, %dma_wait3A_222] : memref<2x8x80xi32, #tpu.memory_space<vmem>> -> memref<1x1x80xi32, #tpu.memory_space<vmem>>
      %dma_wait3A_224 = tpu.memref_squeeze %dma_wait3A_223 : memref<1x1x80xi32, #tpu.memory_space<vmem>> -> memref<80xi32, #tpu.memory_space<vmem>>
      %dma_wait3A_225 = arith.constant 0 : i32
      %dma_wait3A_226 = arith.constant 0 : i32
      %dma_wait3A_227 = tpu.memref_slice %arg2[%dma_wait3A_225, %dma_wait3A_226] : memref<10000x128xf32, #tpu.memory_space<hbm>> -> memref<10000x128xf32, #tpu.memory_space<hbm>>
      tpu.wait_indirect_dma semaphore(%arg14 : memref<!tpu.dma_semaphore, #tpu.memory_space<semaphore_mem>>) src(%dma_wait3A_227 : memref<10000x128xf32, #tpu.memory_space<hbm>>) dst(%arg10 : memref<80x128xf32, #tpu.memory_space<vmem>>)
      %dma_start3A_228 = arith.constant 1 : i32
      %dma_start3A_229 = arith.constant 3 : i32
      %dma_start3A_230 = arith.constant 0 : i32
      %dma_start3A_231 = tpu.memref_slice %arg6[%dma_start3A_228, %dma_start3A_229, %dma_start3A_230] : memref<2x8x80xi32, #tpu.memory_space<vmem>> -> memref<1x1x80xi32, #tpu.memory_space<vmem>>
      %dma_start3A_232 = tpu.memref_squeeze %dma_start3A_231 : memref<1x1x80xi32, #tpu.memory_space<vmem>> -> memref<80xi32, #tpu.memory_space<vmem>>
      %dma_start3A_233 = arith.constant 0 : i32
      %dma_start3A_234 = arith.constant 0 : i32
      %dma_start3A_235 = tpu.memref_slice %arg19[%dma_start3A_233, %dma_start3A_234] : memref<10240x128xf32, #tpu.memory_space<vmem_shared>> -> memref<10240x128xf32, #tpu.memory_space<vmem_shared>>
      tpu.enqueue_indirect_dma source(%arg10 : memref<80x128xf32, #tpu.memory_space<vmem>>) target(%dma_start3A_235 : memref<10240x128xf32, #tpu.memory_space<vmem_shared>>) offsets(%dma_start3A_232 : memref<80xi32, #tpu.memory_space<vmem>>) semaphore(%arg18 : memref<!tpu.dma_semaphore, #tpu.memory_space<semaphore_mem>>) {add = true}
      %dma_wait3A_236 = arith.constant 1 : i32
      %dma_wait3A_237 = arith.constant 3 : i32
      %dma_wait3A_238 = arith.constant 0 : i32
      %dma_wait3A_239 = tpu.memref_slice %arg6[%dma_wait3A_236, %dma_wait3A_237, %dma_wait3A_238] : memref<2x8x80xi32, #tpu.memory_space<vmem>> -> memref<1x1x80xi32, #tpu.memory_space<vmem>>
      %dma_wait3A_240 = tpu.memref_squeeze %dma_wait3A_239 : memref<1x1x80xi32, #tpu.memory_space<vmem>> -> memref<80xi32, #tpu.memory_space<vmem>>
      %dma_wait3A_241 = arith.constant 0 : i32
      %dma_wait3A_242 = arith.constant 0 : i32
      %dma_wait3A_243 = tpu.memref_slice %arg19[%dma_wait3A_241, %dma_wait3A_242] : memref<10240x128xf32, #tpu.memory_space<vmem_shared>> -> memref<10240x128xf32, #tpu.memory_space<vmem_shared>>
      tpu.wait_indirect_dma semaphore(%arg18 : memref<!tpu.dma_semaphore, #tpu.memory_space<semaphore_mem>>) src(%arg10 : memref<80x128xf32, #tpu.memory_space<vmem>>) dst(%dma_wait3A_243 : memref<10240x128xf32, #tpu.memory_space<vmem_shared>>)
      %dma_start3A_244 = arith.constant 0 : i32
      %dma_start3A_245 = arith.constant 7 : i32
      %dma_start3A_246 = arith.constant 0 : i32
      %dma_start3A_247 = tpu.memref_slice %arg6[%dma_start3A_244, %dma_start3A_245, %dma_start3A_246] : memref<2x8x80xi32, #tpu.memory_space<vmem>> -> memref<1x1x80xi32, #tpu.memory_space<vmem>>
      %dma_start3A_248 = tpu.memref_squeeze %dma_start3A_247 : memref<1x1x80xi32, #tpu.memory_space<vmem>> -> memref<80xi32, #tpu.memory_space<vmem>>
      %dma_start3A_249 = arith.constant 0 : i32
      %dma_start3A_250 = arith.constant 0 : i32
      %dma_start3A_251 = tpu.memref_slice %arg2[%dma_start3A_249, %dma_start3A_250] : memref<10000x128xf32, #tpu.memory_space<hbm>> -> memref<10000x128xf32, #tpu.memory_space<hbm>>
      tpu.enqueue_indirect_dma source(%dma_start3A_251 : memref<10000x128xf32, #tpu.memory_space<hbm>>) target(%arg10 : memref<80x128xf32, #tpu.memory_space<vmem>>) offsets(%dma_start3A_248 : memref<80xi32, #tpu.memory_space<vmem>>) semaphore(%arg14 : memref<!tpu.dma_semaphore, #tpu.memory_space<semaphore_mem>>)
      %dma_wait3A_252 = arith.constant 0 : i32
      %dma_wait3A_253 = arith.constant 4 : i32
      %dma_wait3A_254 = arith.constant 0 : i32
      %dma_wait3A_255 = tpu.memref_slice %arg6[%dma_wait3A_252, %dma_wait3A_253, %dma_wait3A_254] : memref<2x8x80xi32, #tpu.memory_space<vmem>> -> memref<1x1x80xi32, #tpu.memory_space<vmem>>
      %dma_wait3A_256 = tpu.memref_squeeze %dma_wait3A_255 : memref<1x1x80xi32, #tpu.memory_space<vmem>> -> memref<80xi32, #tpu.memory_space<vmem>>
      %dma_wait3A_257 = arith.constant 0 : i32
      %dma_wait3A_258 = arith.constant 0 : i32
      %dma_wait3A_259 = tpu.memref_slice %arg2[%dma_wait3A_257, %dma_wait3A_258] : memref<10000x128xf32, #tpu.memory_space<hbm>> -> memref<10000x128xf32, #tpu.memory_space<hbm>>
      tpu.wait_indirect_dma semaphore(%arg11 : memref<!tpu.dma_semaphore, #tpu.memory_space<semaphore_mem>>) src(%dma_wait3A_259 : memref<10000x128xf32, #tpu.memory_space<hbm>>) dst(%arg7 : memref<80x128xf32, #tpu.memory_space<vmem>>)
      %dma_start3A_260 = arith.constant 1 : i32
      %dma_start3A_261 = arith.constant 4 : i32
      %dma_start3A_262 = arith.constant 0 : i32
      %dma_start3A_263 = tpu.memref_slice %arg6[%dma_start3A_260, %dma_start3A_261, %dma_start3A_262] : memref<2x8x80xi32, #tpu.memory_space<vmem>> -> memref<1x1x80xi32, #tpu.memory_space<vmem>>
      %dma_start3A_264 = tpu.memref_squeeze %dma_start3A_263 : memref<1x1x80xi32, #tpu.memory_space<vmem>> -> memref<80xi32, #tpu.memory_space<vmem>>
      %dma_start3A_265 = arith.constant 0 : i32
      %dma_start3A_266 = arith.constant 0 : i32
      %dma_start3A_267 = tpu.memref_slice %arg19[%dma_start3A_265, %dma_start3A_266] : memref<10240x128xf32, #tpu.memory_space<vmem_shared>> -> memref<10240x128xf32, #tpu.memory_space<vmem_shared>>
      tpu.enqueue_indirect_dma source(%arg7 : memref<80x128xf32, #tpu.memory_space<vmem>>) target(%dma_start3A_267 : memref<10240x128xf32, #tpu.memory_space<vmem_shared>>) offsets(%dma_start3A_264 : memref<80xi32, #tpu.memory_space<vmem>>) semaphore(%arg15 : memref<!tpu.dma_semaphore, #tpu.memory_space<semaphore_mem>>) {add = true}
      %dma_wait3A_268 = arith.constant 0 : i32
      %dma_wait3A_269 = arith.constant 5 : i32
      %dma_wait3A_270 = arith.constant 0 : i32
      %dma_wait3A_271 = tpu.memref_slice %arg6[%dma_wait3A_268, %dma_wait3A_269, %dma_wait3A_270] : memref<2x8x80xi32, #tpu.memory_space<vmem>> -> memref<1x1x80xi32, #tpu.memory_space<vmem>>
      %dma_wait3A_272 = tpu.memref_squeeze %dma_wait3A_271 : memref<1x1x80xi32, #tpu.memory_space<vmem>> -> memref<80xi32, #tpu.memory_space<vmem>>
      %dma_wait3A_273 = arith.constant 0 : i32
      %dma_wait3A_274 = arith.constant 0 : i32
      %dma_wait3A_275 = tpu.memref_slice %arg2[%dma_wait3A_273, %dma_wait3A_274] : memref<10000x128xf32, #tpu.memory_space<hbm>> -> memref<10000x128xf32, #tpu.memory_space<hbm>>
      tpu.wait_indirect_dma semaphore(%arg12 : memref<!tpu.dma_semaphore, #tpu.memory_space<semaphore_mem>>) src(%dma_wait3A_275 : memref<10000x128xf32, #tpu.memory_space<hbm>>) dst(%arg8 : memref<80x128xf32, #tpu.memory_space<vmem>>)
      %dma_start3A_276 = arith.constant 1 : i32
      %dma_start3A_277 = arith.constant 5 : i32
      %dma_start3A_278 = arith.constant 0 : i32
      %dma_start3A_279 = tpu.memref_slice %arg6[%dma_start3A_276, %dma_start3A_277, %dma_start3A_278] : memref<2x8x80xi32, #tpu.memory_space<vmem>> -> memref<1x1x80xi32, #tpu.memory_space<vmem>>
      %dma_start3A_280 = tpu.memref_squeeze %dma_start3A_279 : memref<1x1x80xi32, #tpu.memory_space<vmem>> -> memref<80xi32, #tpu.memory_space<vmem>>
      %dma_start3A_281 = arith.constant 0 : i32
      %dma_start3A_282 = arith.constant 0 : i32
      %dma_start3A_283 = tpu.memref_slice %arg19[%dma_start3A_281, %dma_start3A_282] : memref<10240x128xf32, #tpu.memory_space<vmem_shared>> -> memref<10240x128xf32, #tpu.memory_space<vmem_shared>>
      tpu.enqueue_indirect_dma source(%arg8 : memref<80x128xf32, #tpu.memory_space<vmem>>) target(%dma_start3A_283 : memref<10240x128xf32, #tpu.memory_space<vmem_shared>>) offsets(%dma_start3A_280 : memref<80xi32, #tpu.memory_space<vmem>>) semaphore(%arg16 : memref<!tpu.dma_semaphore, #tpu.memory_space<semaphore_mem>>) {add = true}
      %dma_wait3A_284 = arith.constant 0 : i32
      %dma_wait3A_285 = arith.constant 6 : i32
      %dma_wait3A_286 = arith.constant 0 : i32
      %dma_wait3A_287 = tpu.memref_slice %arg6[%dma_wait3A_284, %dma_wait3A_285, %dma_wait3A_286] : memref<2x8x80xi32, #tpu.memory_space<vmem>> -> memref<1x1x80xi32, #tpu.memory_space<vmem>>
      %dma_wait3A_288 = tpu.memref_squeeze %dma_wait3A_287 : memref<1x1x80xi32, #tpu.memory_space<vmem>> -> memref<80xi32, #tpu.memory_space<vmem>>
      %dma_wait3A_289 = arith.constant 0 : i32
      %dma_wait3A_290 = arith.constant 0 : i32
      %dma_wait3A_291 = tpu.memref_slice %arg2[%dma_wait3A_289, %dma_wait3A_290] : memref<10000x128xf32, #tpu.memory_space<hbm>> -> memref<10000x128xf32, #tpu.memory_space<hbm>>
      tpu.wait_indirect_dma semaphore(%arg13 : memref<!tpu.dma_semaphore, #tpu.memory_space<semaphore_mem>>) src(%dma_wait3A_291 : memref<10000x128xf32, #tpu.memory_space<hbm>>) dst(%arg9 : memref<80x128xf32, #tpu.memory_space<vmem>>)
      %dma_start3A_292 = arith.constant 1 : i32
      %dma_start3A_293 = arith.constant 6 : i32
      %dma_start3A_294 = arith.constant 0 : i32
      %dma_start3A_295 = tpu.memref_slice %arg6[%dma_start3A_292, %dma_start3A_293, %dma_start3A_294] : memref<2x8x80xi32, #tpu.memory_space<vmem>> -> memref<1x1x80xi32, #tpu.memory_space<vmem>>
      %dma_start3A_296 = tpu.memref_squeeze %dma_start3A_295 : memref<1x1x80xi32, #tpu.memory_space<vmem>> -> memref<80xi32, #tpu.memory_space<vmem>>
      %dma_start3A_297 = arith.constant 0 : i32
      %dma_start3A_298 = arith.constant 0 : i32
      %dma_start3A_299 = tpu.memref_slice %arg19[%dma_start3A_297, %dma_start3A_298] : memref<10240x128xf32, #tpu.memory_space<vmem_shared>> -> memref<10240x128xf32, #tpu.memory_space<vmem_shared>>
      tpu.enqueue_indirect_dma source(%arg9 : memref<80x128xf32, #tpu.memory_space<vmem>>) target(%dma_start3A_299 : memref<10240x128xf32, #tpu.memory_space<vmem_shared>>) offsets(%dma_start3A_296 : memref<80xi32, #tpu.memory_space<vmem>>) semaphore(%arg17 : memref<!tpu.dma_semaphore, #tpu.memory_space<semaphore_mem>>) {add = true}
      %dma_wait3A_300 = arith.constant 0 : i32
      %dma_wait3A_301 = arith.constant 7 : i32
      %dma_wait3A_302 = arith.constant 0 : i32
      %dma_wait3A_303 = tpu.memref_slice %arg6[%dma_wait3A_300, %dma_wait3A_301, %dma_wait3A_302] : memref<2x8x80xi32, #tpu.memory_space<vmem>> -> memref<1x1x80xi32, #tpu.memory_space<vmem>>
      %dma_wait3A_304 = tpu.memref_squeeze %dma_wait3A_303 : memref<1x1x80xi32, #tpu.memory_space<vmem>> -> memref<80xi32, #tpu.memory_space<vmem>>
      %dma_wait3A_305 = arith.constant 0 : i32
      %dma_wait3A_306 = arith.constant 0 : i32
      %dma_wait3A_307 = tpu.memref_slice %arg2[%dma_wait3A_305, %dma_wait3A_306] : memref<10000x128xf32, #tpu.memory_space<hbm>> -> memref<10000x128xf32, #tpu.memory_space<hbm>>
      tpu.wait_indirect_dma semaphore(%arg14 : memref<!tpu.dma_semaphore, #tpu.memory_space<semaphore_mem>>) src(%dma_wait3A_307 : memref<10000x128xf32, #tpu.memory_space<hbm>>) dst(%arg10 : memref<80x128xf32, #tpu.memory_space<vmem>>)
      %dma_start3A_308 = arith.constant 1 : i32
      %dma_start3A_309 = arith.constant 7 : i32
      %dma_start3A_310 = arith.constant 0 : i32
      %dma_start3A_311 = tpu.memref_slice %arg6[%dma_start3A_308, %dma_start3A_309, %dma_start3A_310] : memref<2x8x80xi32, #tpu.memory_space<vmem>> -> memref<1x1x80xi32, #tpu.memory_space<vmem>>
      %dma_start3A_312 = tpu.memref_squeeze %dma_start3A_311 : memref<1x1x80xi32, #tpu.memory_space<vmem>> -> memref<80xi32, #tpu.memory_space<vmem>>
      %dma_start3A_313 = arith.constant 0 : i32
      %dma_start3A_314 = arith.constant 0 : i32
      %dma_start3A_315 = tpu.memref_slice %arg19[%dma_start3A_313, %dma_start3A_314] : memref<10240x128xf32, #tpu.memory_space<vmem_shared>> -> memref<10240x128xf32, #tpu.memory_space<vmem_shared>>
      tpu.enqueue_indirect_dma source(%arg10 : memref<80x128xf32, #tpu.memory_space<vmem>>) target(%dma_start3A_315 : memref<10240x128xf32, #tpu.memory_space<vmem_shared>>) offsets(%dma_start3A_312 : memref<80xi32, #tpu.memory_space<vmem>>) semaphore(%arg18 : memref<!tpu.dma_semaphore, #tpu.memory_space<semaphore_mem>>) {add = true}
      %dma_wait3A_316 = arith.constant 1 : i32
      %dma_wait3A_317 = arith.constant 4 : i32
      %dma_wait3A_318 = arith.constant 0 : i32
      %dma_wait3A_319 = tpu.memref_slice %arg6[%dma_wait3A_316, %dma_wait3A_317, %dma_wait3A_318] : memref<2x8x80xi32, #tpu.memory_space<vmem>> -> memref<1x1x80xi32, #tpu.memory_space<vmem>>
      %dma_wait3A_320 = tpu.memref_squeeze %dma_wait3A_319 : memref<1x1x80xi32, #tpu.memory_space<vmem>> -> memref<80xi32, #tpu.memory_space<vmem>>
      %dma_wait3A_321 = arith.constant 0 : i32
      %dma_wait3A_322 = arith.constant 0 : i32
      %dma_wait3A_323 = tpu.memref_slice %arg19[%dma_wait3A_321, %dma_wait3A_322] : memref<10240x128xf32, #tpu.memory_space<vmem_shared>> -> memref<10240x128xf32, #tpu.memory_space<vmem_shared>>
      tpu.wait_indirect_dma semaphore(%arg15 : memref<!tpu.dma_semaphore, #tpu.memory_space<semaphore_mem>>) src(%arg7 : memref<80x128xf32, #tpu.memory_space<vmem>>) dst(%dma_wait3A_323 : memref<10240x128xf32, #tpu.memory_space<vmem_shared>>)
      %dma_wait3A_324 = arith.constant 1 : i32
      %dma_wait3A_325 = arith.constant 5 : i32
      %dma_wait3A_326 = arith.constant 0 : i32
      %dma_wait3A_327 = tpu.memref_slice %arg6[%dma_wait3A_324, %dma_wait3A_325, %dma_wait3A_326] : memref<2x8x80xi32, #tpu.memory_space<vmem>> -> memref<1x1x80xi32, #tpu.memory_space<vmem>>
      %dma_wait3A_328 = tpu.memref_squeeze %dma_wait3A_327 : memref<1x1x80xi32, #tpu.memory_space<vmem>> -> memref<80xi32, #tpu.memory_space<vmem>>
      %dma_wait3A_329 = arith.constant 0 : i32
      %dma_wait3A_330 = arith.constant 0 : i32
      %dma_wait3A_331 = tpu.memref_slice %arg19[%dma_wait3A_329, %dma_wait3A_330] : memref<10240x128xf32, #tpu.memory_space<vmem_shared>> -> memref<10240x128xf32, #tpu.memory_space<vmem_shared>>
      tpu.wait_indirect_dma semaphore(%arg16 : memref<!tpu.dma_semaphore, #tpu.memory_space<semaphore_mem>>) src(%arg8 : memref<80x128xf32, #tpu.memory_space<vmem>>) dst(%dma_wait3A_331 : memref<10240x128xf32, #tpu.memory_space<vmem_shared>>)
      %dma_wait3A_332 = arith.constant 1 : i32
      %dma_wait3A_333 = arith.constant 6 : i32
      %dma_wait3A_334 = arith.constant 0 : i32
      %dma_wait3A_335 = tpu.memref_slice %arg6[%dma_wait3A_332, %dma_wait3A_333, %dma_wait3A_334] : memref<2x8x80xi32, #tpu.memory_space<vmem>> -> memref<1x1x80xi32, #tpu.memory_space<vmem>>
      %dma_wait3A_336 = tpu.memref_squeeze %dma_wait3A_335 : memref<1x1x80xi32, #tpu.memory_space<vmem>> -> memref<80xi32, #tpu.memory_space<vmem>>
      %dma_wait3A_337 = arith.constant 0 : i32
      %dma_wait3A_338 = arith.constant 0 : i32
      %dma_wait3A_339 = tpu.memref_slice %arg19[%dma_wait3A_337, %dma_wait3A_338] : memref<10240x128xf32, #tpu.memory_space<vmem_shared>> -> memref<10240x128xf32, #tpu.memory_space<vmem_shared>>
      tpu.wait_indirect_dma semaphore(%arg17 : memref<!tpu.dma_semaphore, #tpu.memory_space<semaphore_mem>>) src(%arg9 : memref<80x128xf32, #tpu.memory_space<vmem>>) dst(%dma_wait3A_339 : memref<10240x128xf32, #tpu.memory_space<vmem_shared>>)
      %dma_wait3A_340 = arith.constant 1 : i32
      %dma_wait3A_341 = arith.constant 7 : i32
      %dma_wait3A_342 = arith.constant 0 : i32
      %dma_wait3A_343 = tpu.memref_slice %arg6[%dma_wait3A_340, %dma_wait3A_341, %dma_wait3A_342] : memref<2x8x80xi32, #tpu.memory_space<vmem>> -> memref<1x1x80xi32, #tpu.memory_space<vmem>>
      %dma_wait3A_344 = tpu.memref_squeeze %dma_wait3A_343 : memref<1x1x80xi32, #tpu.memory_space<vmem>> -> memref<80xi32, #tpu.memory_space<vmem>>
      %dma_wait3A_345 = arith.constant 0 : i32
      %dma_wait3A_346 = arith.constant 0 : i32
      %dma_wait3A_347 = tpu.memref_slice %arg19[%dma_wait3A_345, %dma_wait3A_346] : memref<10240x128xf32, #tpu.memory_space<vmem_shared>> -> memref<10240x128xf32, #tpu.memory_space<vmem_shared>>
      tpu.wait_indirect_dma semaphore(%arg18 : memref<!tpu.dma_semaphore, #tpu.memory_space<semaphore_mem>>) src(%arg10 : memref<80x128xf32, #tpu.memory_space<vmem>>) dst(%dma_wait3A_347 : memref<10240x128xf32, #tpu.memory_space<vmem_shared>>)
    }
    %barrier3A_57 = arith.constant 0 : index
    tpu.barrier barrier_id(%barrier3A_57)
    %mul3A_58 = arith.constant 640 : i32
    %mul3A_59 = arith.muli %arg1, %mul3A_58 : i32
    %add3A_60 = arith.constant 0 : i32
    %add3A_61 = arith.addi %mul3A_59, %add3A_60 : i32
    "tpu.region"() ({
      %run_scoped3A = tpu.sem_alloc : memref<!tpu.dma_semaphore, #tpu.memory_space<semaphore_mem>>
      %dma_start3A = arith.constant 0 : i32
      %dma_start3A_90 = tpu.memref_slice %arg19[%add3A_61, %dma_start3A] : memref<10240x128xf32, #tpu.memory_space<vmem_shared>> -> memref<80x128xf32, #tpu.memory_space<vmem_shared>>
      %dma_start3A_91 = arith.constant 0 : i32
      %dma_start3A_92 = tpu.memref_slice %arg19[%add3A_61, %dma_start3A_91] : memref<10240x128xf32, #tpu.memory_space<vmem_shared>> -> memref<80x128xf32, #tpu.memory_space<vmem_shared>>
      tpu.enqueue_dma source(%dma_start3A_92 : memref<80x128xf32, #tpu.memory_space<vmem_shared>>) target(%arg7 : memref<80x128xf32, #tpu.memory_space<vmem>>) target_semaphore(%run_scoped3A : memref<!tpu.dma_semaphore, #tpu.memory_space<semaphore_mem>>)
      %dma_wait3A = arith.constant 0 : i32
      %dma_wait3A_93 = tpu.memref_slice %arg19[%add3A_61, %dma_wait3A] : memref<10240x128xf32, #tpu.memory_space<vmem_shared>> -> memref<80x128xf32, #tpu.memory_space<vmem_shared>>
      %dma_wait3A_94 = arith.constant 0 : i32
      %dma_wait3A_95 = tpu.memref_slice %arg19[%add3A_61, %dma_wait3A_94] : memref<10240x128xf32, #tpu.memory_space<vmem_shared>> -> memref<80x128xf32, #tpu.memory_space<vmem_shared>>
      tpu.wait_dma2 semaphore(%run_scoped3A : memref<!tpu.dma_semaphore, #tpu.memory_space<semaphore_mem>>) src(%dma_wait3A_95 : memref<80x128xf32, #tpu.memory_space<vmem_shared>>) dst(%arg7 : memref<80x128xf32, #tpu.memory_space<vmem>>)
      tpu.yield
    }) : () -> ()
    "tpu.region"() ({
      %run_scoped3A = tpu.sem_alloc : memref<!tpu.dma_semaphore, #tpu.memory_space<semaphore_mem>>
      %dma_start3A = arith.constant 0 : i32
      %dma_start3A_90 = tpu.memref_slice %arg5[%arg0, %add3A_61, %dma_start3A] : memref<2x10240x128xf32, #tpu.memory_space<hbm>> -> memref<1x80x128xf32, #tpu.memory_space<hbm>>
      %dma_start3A_91 = tpu.memref_squeeze %dma_start3A_90 : memref<1x80x128xf32, #tpu.memory_space<hbm>> -> memref<80x128xf32, #tpu.memory_space<hbm>>
      %dma_start3A_92 = arith.constant 0 : i32
      %dma_start3A_93 = tpu.memref_slice %arg5[%arg0, %add3A_61, %dma_start3A_92] : memref<2x10240x128xf32, #tpu.memory_space<hbm>> -> memref<1x80x128xf32, #tpu.memory_space<hbm>>
      %dma_start3A_94 = tpu.memref_squeeze %dma_start3A_93 : memref<1x80x128xf32, #tpu.memory_space<hbm>> -> memref<80x128xf32, #tpu.memory_space<hbm>>
      tpu.enqueue_dma source(%arg7 : memref<80x128xf32, #tpu.memory_space<vmem>>) target(%dma_start3A_94 : memref<80x128xf32, #tpu.memory_space<hbm>>) target_semaphore(%run_scoped3A : memref<!tpu.dma_semaphore, #tpu.memory_space<semaphore_mem>>)
      %dma_wait3A = arith.constant 0 : i32
      %dma_wait3A_95 = tpu.memref_slice %arg5[%arg0, %add3A_61, %dma_wait3A] : memref<2x10240x128xf32, #tpu.memory_space<hbm>> -> memref<1x80x128xf32, #tpu.memory_space<hbm>>
      %dma_wait3A_96 = tpu.memref_squeeze %dma_wait3A_95 : memref<1x80x128xf32, #tpu.memory_space<hbm>> -> memref<80x128xf32, #tpu.memory_space<hbm>>
      %dma_wait3A_97 = arith.constant 0 : i32
      %dma_wait3A_98 = tpu.memref_slice %arg5[%arg0, %add3A_61, %dma_wait3A_97] : memref<2x10240x128xf32, #tpu.memory_space<hbm>> -> memref<1x80x128xf32, #tpu.memory_space<hbm>>
      %dma_wait3A_99 = tpu.memref_squeeze %dma_wait3A_98 : memref<1x80x128xf32, #tpu.memory_space<hbm>> -> memref<80x128xf32, #tpu.memory_space<hbm>>
      tpu.wait_dma2 semaphore(%run_scoped3A : memref<!tpu.dma_semaphore, #tpu.memory_space<semaphore_mem>>) src(%arg7 : memref<80x128xf32, #tpu.memory_space<vmem>>) dst(%dma_wait3A_99 : memref<80x128xf32, #tpu.memory_space<hbm>>)
      tpu.yield
    }) : () -> ()
    %mul3A_62 = arith.constant 640 : i32
    %mul3A_63 = arith.muli %arg1, %mul3A_62 : i32
    %add3A_64 = arith.constant 80 : i32
    %add3A_65 = arith.addi %mul3A_63, %add3A_64 : i32
    "tpu.region"() ({
      %run_scoped3A = tpu.sem_alloc : memref<!tpu.dma_semaphore, #tpu.memory_space<semaphore_mem>>
      %dma_start3A = arith.constant 0 : i32
      %dma_start3A_90 = tpu.memref_slice %arg19[%add3A_65, %dma_start3A] : memref<10240x128xf32, #tpu.memory_space<vmem_shared>> -> memref<80x128xf32, #tpu.memory_space<vmem_shared>>
      %dma_start3A_91 = arith.constant 0 : i32
      %dma_start3A_92 = tpu.memref_slice %arg19[%add3A_65, %dma_start3A_91] : memref<10240x128xf32, #tpu.memory_space<vmem_shared>> -> memref<80x128xf32, #tpu.memory_space<vmem_shared>>
      tpu.enqueue_dma source(%dma_start3A_92 : memref<80x128xf32, #tpu.memory_space<vmem_shared>>) target(%arg7 : memref<80x128xf32, #tpu.memory_space<vmem>>) target_semaphore(%run_scoped3A : memref<!tpu.dma_semaphore, #tpu.memory_space<semaphore_mem>>)
      %dma_wait3A = arith.constant 0 : i32
      %dma_wait3A_93 = tpu.memref_slice %arg19[%add3A_65, %dma_wait3A] : memref<10240x128xf32, #tpu.memory_space<vmem_shared>> -> memref<80x128xf32, #tpu.memory_space<vmem_shared>>
      %dma_wait3A_94 = arith.constant 0 : i32
      %dma_wait3A_95 = tpu.memref_slice %arg19[%add3A_65, %dma_wait3A_94] : memref<10240x128xf32, #tpu.memory_space<vmem_shared>> -> memref<80x128xf32, #tpu.memory_space<vmem_shared>>
      tpu.wait_dma2 semaphore(%run_scoped3A : memref<!tpu.dma_semaphore, #tpu.memory_space<semaphore_mem>>) src(%dma_wait3A_95 : memref<80x128xf32, #tpu.memory_space<vmem_shared>>) dst(%arg7 : memref<80x128xf32, #tpu.memory_space<vmem>>)
      tpu.yield
    }) : () -> ()
    "tpu.region"() ({
      %run_scoped3A = tpu.sem_alloc : memref<!tpu.dma_semaphore, #tpu.memory_space<semaphore_mem>>
      %dma_start3A = arith.constant 0 : i32
      %dma_start3A_90 = tpu.memref_slice %arg5[%arg0, %add3A_65, %dma_start3A] : memref<2x10240x128xf32, #tpu.memory_space<hbm>> -> memref<1x80x128xf32, #tpu.memory_space<hbm>>
      %dma_start3A_91 = tpu.memref_squeeze %dma_start3A_90 : memref<1x80x128xf32, #tpu.memory_space<hbm>> -> memref<80x128xf32, #tpu.memory_space<hbm>>
      %dma_start3A_92 = arith.constant 0 : i32
      %dma_start3A_93 = tpu.memref_slice %arg5[%arg0, %add3A_65, %dma_start3A_92] : memref<2x10240x128xf32, #tpu.memory_space<hbm>> -> memref<1x80x128xf32, #tpu.memory_space<hbm>>
      %dma_start3A_94 = tpu.memref_squeeze %dma_start3A_93 : memref<1x80x128xf32, #tpu.memory_space<hbm>> -> memref<80x128xf32, #tpu.memory_space<hbm>>
      tpu.enqueue_dma source(%arg7 : memref<80x128xf32, #tpu.memory_space<vmem>>) target(%dma_start3A_94 : memref<80x128xf32, #tpu.memory_space<hbm>>) target_semaphore(%run_scoped3A : memref<!tpu.dma_semaphore, #tpu.memory_space<semaphore_mem>>)
      %dma_wait3A = arith.constant 0 : i32
      %dma_wait3A_95 = tpu.memref_slice %arg5[%arg0, %add3A_65, %dma_wait3A] : memref<2x10240x128xf32, #tpu.memory_space<hbm>> -> memref<1x80x128xf32, #tpu.memory_space<hbm>>
      %dma_wait3A_96 = tpu.memref_squeeze %dma_wait3A_95 : memref<1x80x128xf32, #tpu.memory_space<hbm>> -> memref<80x128xf32, #tpu.memory_space<hbm>>
      %dma_wait3A_97 = arith.constant 0 : i32
      %dma_wait3A_98 = tpu.memref_slice %arg5[%arg0, %add3A_65, %dma_wait3A_97] : memref<2x10240x128xf32, #tpu.memory_space<hbm>> -> memref<1x80x128xf32, #tpu.memory_space<hbm>>
      %dma_wait3A_99 = tpu.memref_squeeze %dma_wait3A_98 : memref<1x80x128xf32, #tpu.memory_space<hbm>> -> memref<80x128xf32, #tpu.memory_space<hbm>>
      tpu.wait_dma2 semaphore(%run_scoped3A : memref<!tpu.dma_semaphore, #tpu.memory_space<semaphore_mem>>) src(%arg7 : memref<80x128xf32, #tpu.memory_space<vmem>>) dst(%dma_wait3A_99 : memref<80x128xf32, #tpu.memory_space<hbm>>)
      tpu.yield
    }) : () -> ()
    %mul3A_66 = arith.constant 640 : i32
    %mul3A_67 = arith.muli %arg1, %mul3A_66 : i32
    %add3A_68 = arith.constant 160 : i32
    %add3A_69 = arith.addi %mul3A_67, %add3A_68 : i32
    "tpu.region"() ({
      %run_scoped3A = tpu.sem_alloc : memref<!tpu.dma_semaphore, #tpu.memory_space<semaphore_mem>>
      %dma_start3A = arith.constant 0 : i32
      %dma_start3A_90 = tpu.memref_slice %arg19[%add3A_69, %dma_start3A] : memref<10240x128xf32, #tpu.memory_space<vmem_shared>> -> memref<80x128xf32, #tpu.memory_space<vmem_shared>>
      %dma_start3A_91 = arith.constant 0 : i32
      %dma_start3A_92 = tpu.memref_slice %arg19[%add3A_69, %dma_start3A_91] : memref<10240x128xf32, #tpu.memory_space<vmem_shared>> -> memref<80x128xf32, #tpu.memory_space<vmem_shared>>
      tpu.enqueue_dma source(%dma_start3A_92 : memref<80x128xf32, #tpu.memory_space<vmem_shared>>) target(%arg7 : memref<80x128xf32, #tpu.memory_space<vmem>>) target_semaphore(%run_scoped3A : memref<!tpu.dma_semaphore, #tpu.memory_space<semaphore_mem>>)
      %dma_wait3A = arith.constant 0 : i32
      %dma_wait3A_93 = tpu.memref_slice %arg19[%add3A_69, %dma_wait3A] : memref<10240x128xf32, #tpu.memory_space<vmem_shared>> -> memref<80x128xf32, #tpu.memory_space<vmem_shared>>
      %dma_wait3A_94 = arith.constant 0 : i32
      %dma_wait3A_95 = tpu.memref_slice %arg19[%add3A_69, %dma_wait3A_94] : memref<10240x128xf32, #tpu.memory_space<vmem_shared>> -> memref<80x128xf32, #tpu.memory_space<vmem_shared>>
      tpu.wait_dma2 semaphore(%run_scoped3A : memref<!tpu.dma_semaphore, #tpu.memory_space<semaphore_mem>>) src(%dma_wait3A_95 : memref<80x128xf32, #tpu.memory_space<vmem_shared>>) dst(%arg7 : memref<80x128xf32, #tpu.memory_space<vmem>>)
      tpu.yield
    }) : () -> ()
    "tpu.region"() ({
      %run_scoped3A = tpu.sem_alloc : memref<!tpu.dma_semaphore, #tpu.memory_space<semaphore_mem>>
      %dma_start3A = arith.constant 0 : i32
      %dma_start3A_90 = tpu.memref_slice %arg5[%arg0, %add3A_69, %dma_start3A] : memref<2x10240x128xf32, #tpu.memory_space<hbm>> -> memref<1x80x128xf32, #tpu.memory_space<hbm>>
      %dma_start3A_91 = tpu.memref_squeeze %dma_start3A_90 : memref<1x80x128xf32, #tpu.memory_space<hbm>> -> memref<80x128xf32, #tpu.memory_space<hbm>>
      %dma_start3A_92 = arith.constant 0 : i32
      %dma_start3A_93 = tpu.memref_slice %arg5[%arg0, %add3A_69, %dma_start3A_92] : memref<2x10240x128xf32, #tpu.memory_space<hbm>> -> memref<1x80x128xf32, #tpu.memory_space<hbm>>
      %dma_start3A_94 = tpu.memref_squeeze %dma_start3A_93 : memref<1x80x128xf32, #tpu.memory_space<hbm>> -> memref<80x128xf32, #tpu.memory_space<hbm>>
      tpu.enqueue_dma source(%arg7 : memref<80x128xf32, #tpu.memory_space<vmem>>) target(%dma_start3A_94 : memref<80x128xf32, #tpu.memory_space<hbm>>) target_semaphore(%run_scoped3A : memref<!tpu.dma_semaphore, #tpu.memory_space<semaphore_mem>>)
      %dma_wait3A = arith.constant 0 : i32
      %dma_wait3A_95 = tpu.memref_slice %arg5[%arg0, %add3A_69, %dma_wait3A] : memref<2x10240x128xf32, #tpu.memory_space<hbm>> -> memref<1x80x128xf32, #tpu.memory_space<hbm>>
      %dma_wait3A_96 = tpu.memref_squeeze %dma_wait3A_95 : memref<1x80x128xf32, #tpu.memory_space<hbm>> -> memref<80x128xf32, #tpu.memory_space<hbm>>
      %dma_wait3A_97 = arith.constant 0 : i32
      %dma_wait3A_98 = tpu.memref_slice %arg5[%arg0, %add3A_69, %dma_wait3A_97] : memref<2x10240x128xf32, #tpu.memory_space<hbm>> -> memref<1x80x128xf32, #tpu.memory_space<hbm>>
      %dma_wait3A_99 = tpu.memref_squeeze %dma_wait3A_98 : memref<1x80x128xf32, #tpu.memory_space<hbm>> -> memref<80x128xf32, #tpu.memory_space<hbm>>
      tpu.wait_dma2 semaphore(%run_scoped3A : memref<!tpu.dma_semaphore, #tpu.memory_space<semaphore_mem>>) src(%arg7 : memref<80x128xf32, #tpu.memory_space<vmem>>) dst(%dma_wait3A_99 : memref<80x128xf32, #tpu.memory_space<hbm>>)
      tpu.yield
    }) : () -> ()
    %mul3A_70 = arith.constant 640 : i32
    %mul3A_71 = arith.muli %arg1, %mul3A_70 : i32
    %add3A_72 = arith.constant 240 : i32
    %add3A_73 = arith.addi %mul3A_71, %add3A_72 : i32
    "tpu.region"() ({
      %run_scoped3A = tpu.sem_alloc : memref<!tpu.dma_semaphore, #tpu.memory_space<semaphore_mem>>
      %dma_start3A = arith.constant 0 : i32
      %dma_start3A_90 = tpu.memref_slice %arg19[%add3A_73, %dma_start3A] : memref<10240x128xf32, #tpu.memory_space<vmem_shared>> -> memref<80x128xf32, #tpu.memory_space<vmem_shared>>
      %dma_start3A_91 = arith.constant 0 : i32
      %dma_start3A_92 = tpu.memref_slice %arg19[%add3A_73, %dma_start3A_91] : memref<10240x128xf32, #tpu.memory_space<vmem_shared>> -> memref<80x128xf32, #tpu.memory_space<vmem_shared>>
      tpu.enqueue_dma source(%dma_start3A_92 : memref<80x128xf32, #tpu.memory_space<vmem_shared>>) target(%arg7 : memref<80x128xf32, #tpu.memory_space<vmem>>) target_semaphore(%run_scoped3A : memref<!tpu.dma_semaphore, #tpu.memory_space<semaphore_mem>>)
      %dma_wait3A = arith.constant 0 : i32
      %dma_wait3A_93 = tpu.memref_slice %arg19[%add3A_73, %dma_wait3A] : memref<10240x128xf32, #tpu.memory_space<vmem_shared>> -> memref<80x128xf32, #tpu.memory_space<vmem_shared>>
      %dma_wait3A_94 = arith.constant 0 : i32
      %dma_wait3A_95 = tpu.memref_slice %arg19[%add3A_73, %dma_wait3A_94] : memref<10240x128xf32, #tpu.memory_space<vmem_shared>> -> memref<80x128xf32, #tpu.memory_space<vmem_shared>>
      tpu.wait_dma2 semaphore(%run_scoped3A : memref<!tpu.dma_semaphore, #tpu.memory_space<semaphore_mem>>) src(%dma_wait3A_95 : memref<80x128xf32, #tpu.memory_space<vmem_shared>>) dst(%arg7 : memref<80x128xf32, #tpu.memory_space<vmem>>)
      tpu.yield
    }) : () -> ()
    "tpu.region"() ({
      %run_scoped3A = tpu.sem_alloc : memref<!tpu.dma_semaphore, #tpu.memory_space<semaphore_mem>>
      %dma_start3A = arith.constant 0 : i32
      %dma_start3A_90 = tpu.memref_slice %arg5[%arg0, %add3A_73, %dma_start3A] : memref<2x10240x128xf32, #tpu.memory_space<hbm>> -> memref<1x80x128xf32, #tpu.memory_space<hbm>>
      %dma_start3A_91 = tpu.memref_squeeze %dma_start3A_90 : memref<1x80x128xf32, #tpu.memory_space<hbm>> -> memref<80x128xf32, #tpu.memory_space<hbm>>
      %dma_start3A_92 = arith.constant 0 : i32
      %dma_start3A_93 = tpu.memref_slice %arg5[%arg0, %add3A_73, %dma_start3A_92] : memref<2x10240x128xf32, #tpu.memory_space<hbm>> -> memref<1x80x128xf32, #tpu.memory_space<hbm>>
      %dma_start3A_94 = tpu.memref_squeeze %dma_start3A_93 : memref<1x80x128xf32, #tpu.memory_space<hbm>> -> memref<80x128xf32, #tpu.memory_space<hbm>>
      tpu.enqueue_dma source(%arg7 : memref<80x128xf32, #tpu.memory_space<vmem>>) target(%dma_start3A_94 : memref<80x128xf32, #tpu.memory_space<hbm>>) target_semaphore(%run_scoped3A : memref<!tpu.dma_semaphore, #tpu.memory_space<semaphore_mem>>)
      %dma_wait3A = arith.constant 0 : i32
      %dma_wait3A_95 = tpu.memref_slice %arg5[%arg0, %add3A_73, %dma_wait3A] : memref<2x10240x128xf32, #tpu.memory_space<hbm>> -> memref<1x80x128xf32, #tpu.memory_space<hbm>>
      %dma_wait3A_96 = tpu.memref_squeeze %dma_wait3A_95 : memref<1x80x128xf32, #tpu.memory_space<hbm>> -> memref<80x128xf32, #tpu.memory_space<hbm>>
      %dma_wait3A_97 = arith.constant 0 : i32
      %dma_wait3A_98 = tpu.memref_slice %arg5[%arg0, %add3A_73, %dma_wait3A_97] : memref<2x10240x128xf32, #tpu.memory_space<hbm>> -> memref<1x80x128xf32, #tpu.memory_space<hbm>>
      %dma_wait3A_99 = tpu.memref_squeeze %dma_wait3A_98 : memref<1x80x128xf32, #tpu.memory_space<hbm>> -> memref<80x128xf32, #tpu.memory_space<hbm>>
      tpu.wait_dma2 semaphore(%run_scoped3A : memref<!tpu.dma_semaphore, #tpu.memory_space<semaphore_mem>>) src(%arg7 : memref<80x128xf32, #tpu.memory_space<vmem>>) dst(%dma_wait3A_99 : memref<80x128xf32, #tpu.memory_space<hbm>>)
      tpu.yield
    }) : () -> ()
    %mul3A_74 = arith.constant 640 : i32
    %mul3A_75 = arith.muli %arg1, %mul3A_74 : i32
    %add3A_76 = arith.constant 320 : i32
    %add3A_77 = arith.addi %mul3A_75, %add3A_76 : i32
    "tpu.region"() ({
      %run_scoped3A = tpu.sem_alloc : memref<!tpu.dma_semaphore, #tpu.memory_space<semaphore_mem>>
      %dma_start3A = arith.constant 0 : i32
      %dma_start3A_90 = tpu.memref_slice %arg19[%add3A_77, %dma_start3A] : memref<10240x128xf32, #tpu.memory_space<vmem_shared>> -> memref<80x128xf32, #tpu.memory_space<vmem_shared>>
      %dma_start3A_91 = arith.constant 0 : i32
      %dma_start3A_92 = tpu.memref_slice %arg19[%add3A_77, %dma_start3A_91] : memref<10240x128xf32, #tpu.memory_space<vmem_shared>> -> memref<80x128xf32, #tpu.memory_space<vmem_shared>>
      tpu.enqueue_dma source(%dma_start3A_92 : memref<80x128xf32, #tpu.memory_space<vmem_shared>>) target(%arg7 : memref<80x128xf32, #tpu.memory_space<vmem>>) target_semaphore(%run_scoped3A : memref<!tpu.dma_semaphore, #tpu.memory_space<semaphore_mem>>)
      %dma_wait3A = arith.constant 0 : i32
      %dma_wait3A_93 = tpu.memref_slice %arg19[%add3A_77, %dma_wait3A] : memref<10240x128xf32, #tpu.memory_space<vmem_shared>> -> memref<80x128xf32, #tpu.memory_space<vmem_shared>>
      %dma_wait3A_94 = arith.constant 0 : i32
      %dma_wait3A_95 = tpu.memref_slice %arg19[%add3A_77, %dma_wait3A_94] : memref<10240x128xf32, #tpu.memory_space<vmem_shared>> -> memref<80x128xf32, #tpu.memory_space<vmem_shared>>
      tpu.wait_dma2 semaphore(%run_scoped3A : memref<!tpu.dma_semaphore, #tpu.memory_space<semaphore_mem>>) src(%dma_wait3A_95 : memref<80x128xf32, #tpu.memory_space<vmem_shared>>) dst(%arg7 : memref<80x128xf32, #tpu.memory_space<vmem>>)
      tpu.yield
    }) : () -> ()
    "tpu.region"() ({
      %run_scoped3A = tpu.sem_alloc : memref<!tpu.dma_semaphore, #tpu.memory_space<semaphore_mem>>
      %dma_start3A = arith.constant 0 : i32
      %dma_start3A_90 = tpu.memref_slice %arg5[%arg0, %add3A_77, %dma_start3A] : memref<2x10240x128xf32, #tpu.memory_space<hbm>> -> memref<1x80x128xf32, #tpu.memory_space<hbm>>
      %dma_start3A_91 = tpu.memref_squeeze %dma_start3A_90 : memref<1x80x128xf32, #tpu.memory_space<hbm>> -> memref<80x128xf32, #tpu.memory_space<hbm>>
      %dma_start3A_92 = arith.constant 0 : i32
      %dma_start3A_93 = tpu.memref_slice %arg5[%arg0, %add3A_77, %dma_start3A_92] : memref<2x10240x128xf32, #tpu.memory_space<hbm>> -> memref<1x80x128xf32, #tpu.memory_space<hbm>>
      %dma_start3A_94 = tpu.memref_squeeze %dma_start3A_93 : memref<1x80x128xf32, #tpu.memory_space<hbm>> -> memref<80x128xf32, #tpu.memory_space<hbm>>
      tpu.enqueue_dma source(%arg7 : memref<80x128xf32, #tpu.memory_space<vmem>>) target(%dma_start3A_94 : memref<80x128xf32, #tpu.memory_space<hbm>>) target_semaphore(%run_scoped3A : memref<!tpu.dma_semaphore, #tpu.memory_space<semaphore_mem>>)
      %dma_wait3A = arith.constant 0 : i32
      %dma_wait3A_95 = tpu.memref_slice %arg5[%arg0, %add3A_77, %dma_wait3A] : memref<2x10240x128xf32, #tpu.memory_space<hbm>> -> memref<1x80x128xf32, #tpu.memory_space<hbm>>
      %dma_wait3A_96 = tpu.memref_squeeze %dma_wait3A_95 : memref<1x80x128xf32, #tpu.memory_space<hbm>> -> memref<80x128xf32, #tpu.memory_space<hbm>>
      %dma_wait3A_97 = arith.constant 0 : i32
      %dma_wait3A_98 = tpu.memref_slice %arg5[%arg0, %add3A_77, %dma_wait3A_97] : memref<2x10240x128xf32, #tpu.memory_space<hbm>> -> memref<1x80x128xf32, #tpu.memory_space<hbm>>
      %dma_wait3A_99 = tpu.memref_squeeze %dma_wait3A_98 : memref<1x80x128xf32, #tpu.memory_space<hbm>> -> memref<80x128xf32, #tpu.memory_space<hbm>>
      tpu.wait_dma2 semaphore(%run_scoped3A : memref<!tpu.dma_semaphore, #tpu.memory_space<semaphore_mem>>) src(%arg7 : memref<80x128xf32, #tpu.memory_space<vmem>>) dst(%dma_wait3A_99 : memref<80x128xf32, #tpu.memory_space<hbm>>)
      tpu.yield
    }) : () -> ()
    %mul3A_78 = arith.constant 640 : i32
    %mul3A_79 = arith.muli %arg1, %mul3A_78 : i32
    %add3A_80 = arith.constant 400 : i32
    %add3A_81 = arith.addi %mul3A_79, %add3A_80 : i32
    "tpu.region"() ({
      %run_scoped3A = tpu.sem_alloc : memref<!tpu.dma_semaphore, #tpu.memory_space<semaphore_mem>>
      %dma_start3A = arith.constant 0 : i32
      %dma_start3A_90 = tpu.memref_slice %arg19[%add3A_81, %dma_start3A] : memref<10240x128xf32, #tpu.memory_space<vmem_shared>> -> memref<80x128xf32, #tpu.memory_space<vmem_shared>>
      %dma_start3A_91 = arith.constant 0 : i32
      %dma_start3A_92 = tpu.memref_slice %arg19[%add3A_81, %dma_start3A_91] : memref<10240x128xf32, #tpu.memory_space<vmem_shared>> -> memref<80x128xf32, #tpu.memory_space<vmem_shared>>
      tpu.enqueue_dma source(%dma_start3A_92 : memref<80x128xf32, #tpu.memory_space<vmem_shared>>) target(%arg7 : memref<80x128xf32, #tpu.memory_space<vmem>>) target_semaphore(%run_scoped3A : memref<!tpu.dma_semaphore, #tpu.memory_space<semaphore_mem>>)
      %dma_wait3A = arith.constant 0 : i32
      %dma_wait3A_93 = tpu.memref_slice %arg19[%add3A_81, %dma_wait3A] : memref<10240x128xf32, #tpu.memory_space<vmem_shared>> -> memref<80x128xf32, #tpu.memory_space<vmem_shared>>
      %dma_wait3A_94 = arith.constant 0 : i32
      %dma_wait3A_95 = tpu.memref_slice %arg19[%add3A_81, %dma_wait3A_94] : memref<10240x128xf32, #tpu.memory_space<vmem_shared>> -> memref<80x128xf32, #tpu.memory_space<vmem_shared>>
      tpu.wait_dma2 semaphore(%run_scoped3A : memref<!tpu.dma_semaphore, #tpu.memory_space<semaphore_mem>>) src(%dma_wait3A_95 : memref<80x128xf32, #tpu.memory_space<vmem_shared>>) dst(%arg7 : memref<80x128xf32, #tpu.memory_space<vmem>>)
      tpu.yield
    }) : () -> ()
    "tpu.region"() ({
      %run_scoped3A = tpu.sem_alloc : memref<!tpu.dma_semaphore, #tpu.memory_space<semaphore_mem>>
      %dma_start3A = arith.constant 0 : i32
      %dma_start3A_90 = tpu.memref_slice %arg5[%arg0, %add3A_81, %dma_start3A] : memref<2x10240x128xf32, #tpu.memory_space<hbm>> -> memref<1x80x128xf32, #tpu.memory_space<hbm>>
      %dma_start3A_91 = tpu.memref_squeeze %dma_start3A_90 : memref<1x80x128xf32, #tpu.memory_space<hbm>> -> memref<80x128xf32, #tpu.memory_space<hbm>>
      %dma_start3A_92 = arith.constant 0 : i32
      %dma_start3A_93 = tpu.memref_slice %arg5[%arg0, %add3A_81, %dma_start3A_92] : memref<2x10240x128xf32, #tpu.memory_space<hbm>> -> memref<1x80x128xf32, #tpu.memory_space<hbm>>
      %dma_start3A_94 = tpu.memref_squeeze %dma_start3A_93 : memref<1x80x128xf32, #tpu.memory_space<hbm>> -> memref<80x128xf32, #tpu.memory_space<hbm>>
      tpu.enqueue_dma source(%arg7 : memref<80x128xf32, #tpu.memory_space<vmem>>) target(%dma_start3A_94 : memref<80x128xf32, #tpu.memory_space<hbm>>) target_semaphore(%run_scoped3A : memref<!tpu.dma_semaphore, #tpu.memory_space<semaphore_mem>>)
      %dma_wait3A = arith.constant 0 : i32
      %dma_wait3A_95 = tpu.memref_slice %arg5[%arg0, %add3A_81, %dma_wait3A] : memref<2x10240x128xf32, #tpu.memory_space<hbm>> -> memref<1x80x128xf32, #tpu.memory_space<hbm>>
      %dma_wait3A_96 = tpu.memref_squeeze %dma_wait3A_95 : memref<1x80x128xf32, #tpu.memory_space<hbm>> -> memref<80x128xf32, #tpu.memory_space<hbm>>
      %dma_wait3A_97 = arith.constant 0 : i32
      %dma_wait3A_98 = tpu.memref_slice %arg5[%arg0, %add3A_81, %dma_wait3A_97] : memref<2x10240x128xf32, #tpu.memory_space<hbm>> -> memref<1x80x128xf32, #tpu.memory_space<hbm>>
      %dma_wait3A_99 = tpu.memref_squeeze %dma_wait3A_98 : memref<1x80x128xf32, #tpu.memory_space<hbm>> -> memref<80x128xf32, #tpu.memory_space<hbm>>
      tpu.wait_dma2 semaphore(%run_scoped3A : memref<!tpu.dma_semaphore, #tpu.memory_space<semaphore_mem>>) src(%arg7 : memref<80x128xf32, #tpu.memory_space<vmem>>) dst(%dma_wait3A_99 : memref<80x128xf32, #tpu.memory_space<hbm>>)
      tpu.yield
    }) : () -> ()
    %mul3A_82 = arith.constant 640 : i32
    %mul3A_83 = arith.muli %arg1, %mul3A_82 : i32
    %add3A_84 = arith.constant 480 : i32
    %add3A_85 = arith.addi %mul3A_83, %add3A_84 : i32
    "tpu.region"() ({
      %run_scoped3A = tpu.sem_alloc : memref<!tpu.dma_semaphore, #tpu.memory_space<semaphore_mem>>
      %dma_start3A = arith.constant 0 : i32
      %dma_start3A_90 = tpu.memref_slice %arg19[%add3A_85, %dma_start3A] : memref<10240x128xf32, #tpu.memory_space<vmem_shared>> -> memref<80x128xf32, #tpu.memory_space<vmem_shared>>
      %dma_start3A_91 = arith.constant 0 : i32
      %dma_start3A_92 = tpu.memref_slice %arg19[%add3A_85, %dma_start3A_91] : memref<10240x128xf32, #tpu.memory_space<vmem_shared>> -> memref<80x128xf32, #tpu.memory_space<vmem_shared>>
      tpu.enqueue_dma source(%dma_start3A_92 : memref<80x128xf32, #tpu.memory_space<vmem_shared>>) target(%arg7 : memref<80x128xf32, #tpu.memory_space<vmem>>) target_semaphore(%run_scoped3A : memref<!tpu.dma_semaphore, #tpu.memory_space<semaphore_mem>>)
      %dma_wait3A = arith.constant 0 : i32
      %dma_wait3A_93 = tpu.memref_slice %arg19[%add3A_85, %dma_wait3A] : memref<10240x128xf32, #tpu.memory_space<vmem_shared>> -> memref<80x128xf32, #tpu.memory_space<vmem_shared>>
      %dma_wait3A_94 = arith.constant 0 : i32
      %dma_wait3A_95 = tpu.memref_slice %arg19[%add3A_85, %dma_wait3A_94] : memref<10240x128xf32, #tpu.memory_space<vmem_shared>> -> memref<80x128xf32, #tpu.memory_space<vmem_shared>>
      tpu.wait_dma2 semaphore(%run_scoped3A : memref<!tpu.dma_semaphore, #tpu.memory_space<semaphore_mem>>) src(%dma_wait3A_95 : memref<80x128xf32, #tpu.memory_space<vmem_shared>>) dst(%arg7 : memref<80x128xf32, #tpu.memory_space<vmem>>)
      tpu.yield
    }) : () -> ()
    "tpu.region"() ({
      %run_scoped3A = tpu.sem_alloc : memref<!tpu.dma_semaphore, #tpu.memory_space<semaphore_mem>>
      %dma_start3A = arith.constant 0 : i32
      %dma_start3A_90 = tpu.memref_slice %arg5[%arg0, %add3A_85, %dma_start3A] : memref<2x10240x128xf32, #tpu.memory_space<hbm>> -> memref<1x80x128xf32, #tpu.memory_space<hbm>>
      %dma_start3A_91 = tpu.memref_squeeze %dma_start3A_90 : memref<1x80x128xf32, #tpu.memory_space<hbm>> -> memref<80x128xf32, #tpu.memory_space<hbm>>
      %dma_start3A_92 = arith.constant 0 : i32
      %dma_start3A_93 = tpu.memref_slice %arg5[%arg0, %add3A_85, %dma_start3A_92] : memref<2x10240x128xf32, #tpu.memory_space<hbm>> -> memref<1x80x128xf32, #tpu.memory_space<hbm>>
      %dma_start3A_94 = tpu.memref_squeeze %dma_start3A_93 : memref<1x80x128xf32, #tpu.memory_space<hbm>> -> memref<80x128xf32, #tpu.memory_space<hbm>>
      tpu.enqueue_dma source(%arg7 : memref<80x128xf32, #tpu.memory_space<vmem>>) target(%dma_start3A_94 : memref<80x128xf32, #tpu.memory_space<hbm>>) target_semaphore(%run_scoped3A : memref<!tpu.dma_semaphore, #tpu.memory_space<semaphore_mem>>)
      %dma_wait3A = arith.constant 0 : i32
      %dma_wait3A_95 = tpu.memref_slice %arg5[%arg0, %add3A_85, %dma_wait3A] : memref<2x10240x128xf32, #tpu.memory_space<hbm>> -> memref<1x80x128xf32, #tpu.memory_space<hbm>>
      %dma_wait3A_96 = tpu.memref_squeeze %dma_wait3A_95 : memref<1x80x128xf32, #tpu.memory_space<hbm>> -> memref<80x128xf32, #tpu.memory_space<hbm>>
      %dma_wait3A_97 = arith.constant 0 : i32
      %dma_wait3A_98 = tpu.memref_slice %arg5[%arg0, %add3A_85, %dma_wait3A_97] : memref<2x10240x128xf32, #tpu.memory_space<hbm>> -> memref<1x80x128xf32, #tpu.memory_space<hbm>>
      %dma_wait3A_99 = tpu.memref_squeeze %dma_wait3A_98 : memref<1x80x128xf32, #tpu.memory_space<hbm>> -> memref<80x128xf32, #tpu.memory_space<hbm>>
      tpu.wait_dma2 semaphore(%run_scoped3A : memref<!tpu.dma_semaphore, #tpu.memory_space<semaphore_mem>>) src(%arg7 : memref<80x128xf32, #tpu.memory_space<vmem>>) dst(%dma_wait3A_99 : memref<80x128xf32, #tpu.memory_space<hbm>>)
      tpu.yield
    }) : () -> ()
    %mul3A_86 = arith.constant 640 : i32
    %mul3A_87 = arith.muli %arg1, %mul3A_86 : i32
    %add3A_88 = arith.constant 560 : i32
    %add3A_89 = arith.addi %mul3A_87, %add3A_88 : i32
    "tpu.region"() ({
      %run_scoped3A = tpu.sem_alloc : memref<!tpu.dma_semaphore, #tpu.memory_space<semaphore_mem>>
      %dma_start3A = arith.constant 0 : i32
      %dma_start3A_90 = tpu.memref_slice %arg19[%add3A_89, %dma_start3A] : memref<10240x128xf32, #tpu.memory_space<vmem_shared>> -> memref<80x128xf32, #tpu.memory_space<vmem_shared>>
      %dma_start3A_91 = arith.constant 0 : i32
      %dma_start3A_92 = tpu.memref_slice %arg19[%add3A_89, %dma_start3A_91] : memref<10240x128xf32, #tpu.memory_space<vmem_shared>> -> memref<80x128xf32, #tpu.memory_space<vmem_shared>>
      tpu.enqueue_dma source(%dma_start3A_92 : memref<80x128xf32, #tpu.memory_space<vmem_shared>>) target(%arg7 : memref<80x128xf32, #tpu.memory_space<vmem>>) target_semaphore(%run_scoped3A : memref<!tpu.dma_semaphore, #tpu.memory_space<semaphore_mem>>)
      %dma_wait3A = arith.constant 0 : i32
      %dma_wait3A_93 = tpu.memref_slice %arg19[%add3A_89, %dma_wait3A] : memref<10240x128xf32, #tpu.memory_space<vmem_shared>> -> memref<80x128xf32, #tpu.memory_space<vmem_shared>>
      %dma_wait3A_94 = arith.constant 0 : i32
      %dma_wait3A_95 = tpu.memref_slice %arg19[%add3A_89, %dma_wait3A_94] : memref<10240x128xf32, #tpu.memory_space<vmem_shared>> -> memref<80x128xf32, #tpu.memory_space<vmem_shared>>
      tpu.wait_dma2 semaphore(%run_scoped3A : memref<!tpu.dma_semaphore, #tpu.memory_space<semaphore_mem>>) src(%dma_wait3A_95 : memref<80x128xf32, #tpu.memory_space<vmem_shared>>) dst(%arg7 : memref<80x128xf32, #tpu.memory_space<vmem>>)
      tpu.yield
    }) : () -> ()
    "tpu.region"() ({
      %run_scoped3A = tpu.sem_alloc : memref<!tpu.dma_semaphore, #tpu.memory_space<semaphore_mem>>
      %dma_start3A = arith.constant 0 : i32
      %dma_start3A_90 = tpu.memref_slice %arg5[%arg0, %add3A_89, %dma_start3A] : memref<2x10240x128xf32, #tpu.memory_space<hbm>> -> memref<1x80x128xf32, #tpu.memory_space<hbm>>
      %dma_start3A_91 = tpu.memref_squeeze %dma_start3A_90 : memref<1x80x128xf32, #tpu.memory_space<hbm>> -> memref<80x128xf32, #tpu.memory_space<hbm>>
      %dma_start3A_92 = arith.constant 0 : i32
      %dma_start3A_93 = tpu.memref_slice %arg5[%arg0, %add3A_89, %dma_start3A_92] : memref<2x10240x128xf32, #tpu.memory_space<hbm>> -> memref<1x80x128xf32, #tpu.memory_space<hbm>>
      %dma_start3A_94 = tpu.memref_squeeze %dma_start3A_93 : memref<1x80x128xf32, #tpu.memory_space<hbm>> -> memref<80x128xf32, #tpu.memory_space<hbm>>
      tpu.enqueue_dma source(%arg7 : memref<80x128xf32, #tpu.memory_space<vmem>>) target(%dma_start3A_94 : memref<80x128xf32, #tpu.memory_space<hbm>>) target_semaphore(%run_scoped3A : memref<!tpu.dma_semaphore, #tpu.memory_space<semaphore_mem>>)
      %dma_wait3A = arith.constant 0 : i32
      %dma_wait3A_95 = tpu.memref_slice %arg5[%arg0, %add3A_89, %dma_wait3A] : memref<2x10240x128xf32, #tpu.memory_space<hbm>> -> memref<1x80x128xf32, #tpu.memory_space<hbm>>
      %dma_wait3A_96 = tpu.memref_squeeze %dma_wait3A_95 : memref<1x80x128xf32, #tpu.memory_space<hbm>> -> memref<80x128xf32, #tpu.memory_space<hbm>>
      %dma_wait3A_97 = arith.constant 0 : i32
      %dma_wait3A_98 = tpu.memref_slice %arg5[%arg0, %add3A_89, %dma_wait3A_97] : memref<2x10240x128xf32, #tpu.memory_space<hbm>> -> memref<1x80x128xf32, #tpu.memory_space<hbm>>
      %dma_wait3A_99 = tpu.memref_squeeze %dma_wait3A_98 : memref<1x80x128xf32, #tpu.memory_space<hbm>> -> memref<80x128xf32, #tpu.memory_space<hbm>>
      tpu.wait_dma2 semaphore(%run_scoped3A : memref<!tpu.dma_semaphore, #tpu.memory_space<semaphore_mem>>) src(%arg7 : memref<80x128xf32, #tpu.memory_space<vmem>>) dst(%dma_wait3A_99 : memref<80x128xf32, #tpu.memory_space<hbm>>)
      tpu.yield
    }) : () -> ()
    return
  }
}

module attributes {stable_mosaic.version = 14 : i64} {
  func.func @_y_body(%arg0: i32, %arg1: memref<2000x128xf32, #tpu.memory_space<vmem>>, %arg2: memref<128x128xf32, #tpu.memory_space<vmem>>, %arg3: memref<2x2000x1xf32, #tpu.memory_space<vmem>>, %arg4: memref<2000x128xf32, #tpu.memory_space<vmem>>) attributes {dimension_semantics = [#tpu.dimension_semantics<arbitrary>], iteration_bounds = array<i64: 5>, scalar_prefetch = 0 : i64, scratch_operands = 0 : i64, tpu.core_type = #tpu.core_type<tc>, window_params = [{transform_indices = @transform_0, window_bounds = array<i64: 2000, 128>}, {pipeline_mode = #tpu.pipeline_mode<synchronous>, transform_indices = @transform_1, window_bounds = array<i64: 128, 128>}, {transform_indices = @transform_2, window_bounds = array<i64: 2, 2000, 1>}, {transform_indices = @transform_3, window_bounds = array<i64: 2000, 128>}]} {
    %get3A = arith.constant 0 : index
    %get3A_0 = arith.constant 0 : index
    %get3A_1 = arith.constant 0 : index
    %get3A_2 = vector.load %arg3[%get3A, %get3A_0, %get3A_1] : memref<2x2000x1xf32, #tpu.memory_space<vmem>>, vector<1x2000x1xf32>
    %get3A_3 = vector.shape_cast %get3A_2 : vector<1x2000x1xf32> to vector<2000x1xf32>
    %get3A_4 = arith.constant 1 : index
    %get3A_5 = arith.constant 0 : index
    %get3A_6 = arith.constant 0 : index
    %get3A_7 = vector.load %arg3[%get3A_4, %get3A_5, %get3A_6] : memref<2x2000x1xf32, #tpu.memory_space<vmem>>, vector<1x2000x1xf32>
    %get3A_8 = vector.shape_cast %get3A_7 : vector<1x2000x1xf32> to vector<2000x1xf32>
    %add3A = arith.addf %get3A_3, %get3A_8 : vector<2000x1xf32>
    %add3A_9 = arith.constant 1.000000e+00 : f32
    %add3A_10 = vector.broadcast %add3A_9 : f32 to vector<2000x1xf32>
    %add3A_11 = arith.addf %add3A, %add3A_10 : vector<2000x1xf32>
    %rsqrt3A = math.rsqrt %add3A_11 : vector<2000x1xf32>
    %get3A_12 = arith.constant 0 : index
    %get3A_13 = arith.constant 0 : index
    %get3A_14 = vector.load %arg1[%get3A_12, %get3A_13] : memref<2000x128xf32, #tpu.memory_space<vmem>>, vector<2000x128xf32>
    %get3A_15 = arith.constant 0 : index
    %get3A_16 = arith.constant 0 : index
    %get3A_17 = vector.load %arg2[%get3A_15, %get3A_16] : memref<128x128xf32, #tpu.memory_space<vmem>>, vector<128x128xf32>
    %dot_general3A = arith.constant dense<0.000000e+00> : vector<2000x128xf32>
    %dot_general3A_18 = tpu.matmul %get3A_14, %get3A_17, %dot_general3A {dimension_numbers = #tpu.dot_dimension_numbers<[1], [0], [0], [1], [0, 0, 1, 1], [], []>, transpose_lhs_hint = false} : vector<2000x128xf32>, vector<128x128xf32>, vector<2000x128xf32> -> vector<2000x128xf32>
    %mul3A = vector.broadcast %rsqrt3A : vector<2000x1xf32> to vector<2000x128xf32>
    %mul3A_19 = arith.mulf %dot_general3A_18, %mul3A : vector<2000x128xf32>
    %swap3A = arith.constant 0 : index
    %swap3A_20 = arith.constant 0 : index
    %swap3A_21 = vector.load %arg4[%swap3A, %swap3A_20] : memref<2000x128xf32, #tpu.memory_space<vmem>>, vector<2000x128xf32>
    tpu.vector_store %arg4[%swap3A, %swap3A_20], %mul3A_19 {strides = array<i32>} : memref<2000x128xf32, #tpu.memory_space<vmem>>, vector<2000x128xf32>,
    return
  }
  func.func @transform_0(%arg0: i32) -> (i32, i32) {
    %c0_i32 = arith.constant 0 : i32
    %c0_i32_0 = arith.constant 0 : i32
    return %arg0, %c0_i32 : i32, i32
  }
  func.func @transform_1(%arg0: i32) -> (i32, i32) {
    %c0_i32 = arith.constant 0 : i32
    %c0_i32_0 = arith.constant 0 : i32
    %c0_i32_1 = arith.constant 0 : i32
    return %c0_i32, %c0_i32_0 : i32, i32
  }
  func.func @transform_2(%arg0: i32) -> (i32, i32, i32) {
    %c0_i32 = arith.constant 0 : i32
    %c0_i32_0 = arith.constant 0 : i32
    %c0_i32_1 = arith.constant 0 : i32
    return %c0_i32, %arg0, %c0_i32_0 : i32, i32, i32
  }
  func.func @transform_3(%arg0: i32) -> (i32, i32) {
    %c0_i32 = arith.constant 0 : i32
    %c0_i32_0 = arith.constant 0 : i32
    return %arg0, %c0_i32 : i32, i32
  }
}

module attributes {stable_mosaic.version = 14 : i64} {
  func.func @_fin_body(%arg0: i32, %arg1: memref<2x2000x128xf32, #tpu.memory_space<vmem>>, %arg2: memref<2000x128xf32, #tpu.memory_space<vmem>>, %arg3: memref<2x2000x1xf32, #tpu.memory_space<vmem>>, %arg4: memref<128x2xf32, #tpu.memory_space<vmem>>, %arg5: memref<1x2xf32, #tpu.memory_space<vmem>>, %arg6: memref<2000x2xf32, #tpu.memory_space<vmem>>, %arg7: memref<2000x128xf32, #tpu.memory_space<vmem>>) attributes {dimension_semantics = [#tpu.dimension_semantics<arbitrary>], iteration_bounds = array<i64: 5>, scalar_prefetch = 0 : i64, scratch_operands = 0 : i64, tpu.core_type = #tpu.core_type<tc>, window_params = [{transform_indices = @transform_0, window_bounds = array<i64: 2, 2000, 128>}, {transform_indices = @transform_1, window_bounds = array<i64: 2000, 128>}, {transform_indices = @transform_2, window_bounds = array<i64: 2, 2000, 1>}, {pipeline_mode = #tpu.pipeline_mode<synchronous>, transform_indices = @transform_3, window_bounds = array<i64: 128, 2>}, {pipeline_mode = #tpu.pipeline_mode<synchronous>, transform_indices = @transform_4, window_bounds = array<i64: 1, 2>}, {transform_indices = @transform_5, window_bounds = array<i64: 2000, 2>}, {transform_indices = @transform_6, window_bounds = array<i64: 2000, 128>}]} {
    %get3A = arith.constant 0 : index
    %get3A_0 = arith.constant 0 : index
    %get3A_1 = arith.constant 0 : index
    %get3A_2 = vector.load %arg3[%get3A, %get3A_0, %get3A_1] : memref<2x2000x1xf32, #tpu.memory_space<vmem>>, vector<1x2000x1xf32>
    %get3A_3 = vector.shape_cast %get3A_2 : vector<1x2000x1xf32> to vector<2000x1xf32>
    %get3A_4 = arith.constant 1 : index
    %get3A_5 = arith.constant 0 : index
    %get3A_6 = arith.constant 0 : index
    %get3A_7 = vector.load %arg3[%get3A_4, %get3A_5, %get3A_6] : memref<2x2000x1xf32, #tpu.memory_space<vmem>>, vector<1x2000x1xf32>
    %get3A_8 = vector.shape_cast %get3A_7 : vector<1x2000x1xf32> to vector<2000x1xf32>
    %add3A = arith.addf %get3A_3, %get3A_8 : vector<2000x1xf32>
    %add3A_9 = arith.constant 1.000000e+00 : f32
    %add3A_10 = vector.broadcast %add3A_9 : f32 to vector<2000x1xf32>
    %add3A_11 = arith.addf %add3A, %add3A_10 : vector<2000x1xf32>
    %rsqrt3A = math.rsqrt %add3A_11 : vector<2000x1xf32>
    %get3A_12 = arith.constant 0 : index
    %get3A_13 = arith.constant 0 : index
    %get3A_14 = arith.constant 0 : index
    %get3A_15 = vector.load %arg1[%get3A_12, %get3A_13, %get3A_14] : memref<2x2000x128xf32, #tpu.memory_space<vmem>>, vector<1x2000x128xf32>
    %get3A_16 = vector.shape_cast %get3A_15 : vector<1x2000x128xf32> to vector<2000x128xf32>
    %get3A_17 = arith.constant 1 : index
    %get3A_18 = arith.constant 0 : index
    %get3A_19 = arith.constant 0 : index
    %get3A_20 = vector.load %arg1[%get3A_17, %get3A_18, %get3A_19] : memref<2x2000x128xf32, #tpu.memory_space<vmem>>, vector<1x2000x128xf32>
    %get3A_21 = vector.shape_cast %get3A_20 : vector<1x2000x128xf32> to vector<2000x128xf32>
    %add3A_22 = arith.addf %get3A_16, %get3A_21 : vector<2000x128xf32>
    %get3A_23 = arith.constant 0 : index
    %get3A_24 = arith.constant 0 : index
    %get3A_25 = vector.load %arg2[%get3A_23, %get3A_24] : memref<2000x128xf32, #tpu.memory_space<vmem>>, vector<2000x128xf32>
    %add3A_26 = arith.addf %add3A_22, %get3A_25 : vector<2000x128xf32>
    %mul3A = vector.broadcast %rsqrt3A : vector<2000x1xf32> to vector<2000x128xf32>
    %mul3A_27 = arith.mulf %mul3A, %add3A_26 : vector<2000x128xf32>
    %max3A = arith.constant 0.000000e+00 : f32
    %max3A_28 = vector.broadcast %max3A : f32 to vector<2000x128xf32>
    %max3A_29 = arith.maximumf %mul3A_27, %max3A_28 : vector<2000x128xf32>
    %swap3A = arith.constant 0 : index
    %swap3A_30 = arith.constant 0 : index
    %swap3A_31 = vector.load %arg7[%swap3A, %swap3A_30] : memref<2000x128xf32, #tpu.memory_space<vmem>>, vector<2000x128xf32>
    tpu.vector_store %arg7[%swap3A, %swap3A_30], %max3A_29 {strides = array<i32>} : memref<2000x128xf32, #tpu.memory_space<vmem>>, vector<2000x128xf32>,
    %get3A_32 = arith.constant 0 : index
    %get3A_33 = arith.constant 0 : index
    %get3A_34 = vector.load %arg4[%get3A_32, %get3A_33] : memref<128x2xf32, #tpu.memory_space<vmem>>, vector<128x2xf32>
    %dot_general3A = arith.constant dense<0.000000e+00> : vector<2000x2xf32>
    %dot_general3A_35 = tpu.matmul %max3A_29, %get3A_34, %dot_general3A {dimension_numbers = #tpu.dot_dimension_numbers<[1], [0], [0], [1], [0, 0, 1, 1], [], []>, transpose_lhs_hint = false} : vector<2000x128xf32>, vector<128x2xf32>, vector<2000x2xf32> -> vector<2000x2xf32>
    %get3A_36 = arith.constant 0 : index
    %get3A_37 = arith.constant 0 : index
    %get3A_38 = vector.load %arg5[%get3A_36, %get3A_37] : memref<1x2xf32, #tpu.memory_space<vmem>>, vector<1x2xf32>
    %add3A_39 = vector.broadcast %get3A_38 : vector<1x2xf32> to vector<2000x2xf32>
    %add3A_40 = arith.addf %dot_general3A_35, %add3A_39 : vector<2000x2xf32>
    %swap3A_41 = arith.constant 0 : index
    %swap3A_42 = arith.constant 0 : index
    %swap3A_43 = vector.load %arg6[%swap3A_41, %swap3A_42] : memref<2000x2xf32, #tpu.memory_space<vmem>>, vector<2000x2xf32>
    tpu.vector_store %arg6[%swap3A_41, %swap3A_42], %add3A_40 {strides = array<i32>} : memref<2000x2xf32, #tpu.memory_space<vmem>>, vector<2000x2xf32>,
    return
  }
  func.func @transform_0(%arg0: i32) -> (i32, i32, i32) {
    %c0_i32 = arith.constant 0 : i32
    %c0_i32_0 = arith.constant 0 : i32
    %c0_i32_1 = arith.constant 0 : i32
    return %c0_i32, %arg0, %c0_i32_0 : i32, i32, i32
  }
  func.func @transform_1(%arg0: i32) -> (i32, i32) {
    %c0_i32 = arith.constant 0 : i32
    %c0_i32_0 = arith.constant 0 : i32
    return %arg0, %c0_i32 : i32, i32
  }
  func.func @transform_2(%arg0: i32) -> (i32, i32, i32) {
    %c0_i32 = arith.constant 0 : i32
    %c0_i32_0 = arith.constant 0 : i32
    %c0_i32_1 = arith.constant 0 : i32
    return %c0_i32, %arg0, %c0_i32_0 : i32, i32, i32
  }
  func.func @transform_3(%arg0: i32) -> (i32, i32) {
    %c0_i32 = arith.constant 0 : i32
    %c0_i32_0 = arith.constant 0 : i32
    %c0_i32_1 = arith.constant 0 : i32
    return %c0_i32, %c0_i32_0 : i32, i32
  }
  func.func @transform_4(%arg0: i32) -> (i32, i32) {
    %c0_i32 = arith.constant 0 : i32
    %c0_i32_0 = arith.constant 0 : i32
    %c0_i32_1 = arith.constant 0 : i32
    return %c0_i32, %c0_i32_0 : i32, i32
  }
  func.func @transform_5(%arg0: i32) -> (i32, i32) {
    %c0_i32 = arith.constant 0 : i32
    %c0_i32_0 = arith.constant 0 : i32
    return %arg0, %c0_i32 : i32, i32
  }
  func.func @transform_6(%arg0: i32) -> (i32, i32) {
    %c0_i32 = arith.constant 0 : i32
    %c0_i32_0 = arith.constant 0 : i32
    return %arg0, %c0_i32 : i32, i32
  }
}

</mosaic_0001>

<sc_bundles>
// kernel: kernel.6.cloned.1.call-start
scs
__scs_entry_jumppad:
0x0: {  	(pc) =	sbr.rel $0x88, $3  }
0x1: {  	(tag) =	ssettag $0x0;
	lr =	simm.s32 $0x1  }
0x2: {  	[smem:$0x3F9C] =	sst lr;
	_ =	strace $0xD0000000  }
0x3: {  	_ = 	snop  }
0x4: {  	_ = 	snop  }
0x5: {  	_ = 	snop  }
0x6: {  	_ = 	snop  }
0x7: {  	_ = 	snop  }
__scs_overlays_trampoline_lowered:
0x8: {  	[smem:$0x3FAB] =	sst s0  }
0x9: {  	[smem:$0x3FAC] =	sst s1  }
0xa: {  	[smem:$0x3FAD] =	sst s2  }
0xb: {  	[smem:$0x3FAE] =	sst s3  }
0xc: {  	[smem:$0x3FAF] =	sst s4  }
0xd: {  	[smem:$0x3FB0] =	sst s5  }
0xe: {  	[smem:$0x3FB1] =	sst s6  }
0xf: {  	[smem:$0x3FB2] =	sst s7  }
0x10: {  	[smem:$0x3FB3] =	sst s8  }
0x11: {  	[smem:$0x3FB4] =	sst s9;
	s0 =	simm.s32 @!p0 $0x0  }
0x12: {  	s1 =	sld [smem:$0x3F9A];
	s0 =	simm.s32 @p0 $0x1  }
0x13: {  	[smem:$0x3FB5] =	sst s0;
	s0 =	simm.s32 @!p1 $0x0  }
0x14: {  	s2 =	sld [smem:$0x3F99];
	s0 =	simm.s32 @p1 $0x1  }
0x15: {  	[smem:$0x3FB6] =	sst s0;
	s0 =	simm.s32 @!p2 $0x0  }
0x16: {  	s3 =	sld [smem:$0x3FDB];
	s0 =	simm.s32 @p2 $0x1  }
0x17: {  	s4 =	simm.s32 $0x1BF5;
	[smem:$0x3FB8] =	sst s0  }
0x18: {  	s0 =	sld [smem:$0x3F9B];
	_ =	swait.ge [sflag:s4], $0x0  }
0x19: {  	s7 =	sld [smem:$0x3F9C]  }
0x1a: {  	s8 =	sadd.s32 $0xFFFFE003, lr  }
0x1b: {  	s9 =	sadd.s32 $0xFFFFFEF7, lr;
	s5 =	simm.s32 $0xFFFFFFFF;
	p2 =	slt.u32 s8, $0xFFFFF086  }
0x1c: {  	p1 =	slt.u32 s9, $0xF7A;
	s5 =	simm.s32 @!p2 $0x0  }
0x1d: {  	s5 =	simm.s32 @p1 $0x1;
	p0 =	seq.s32 s7, s2  }
0x1e: {  	s7 =	smul.u32 @!p0 $0xF7A, s2;
	p2 =	seq.s32 @!p0 s5, $0x0  }
0x1f: {  	s9 =	smul.u32 $0xF7A, s1;
	s8 =	simm.s32 @!p0 $0x1BF5;
	p2 =	por !p2, p0  }
0x20: {  	[sflag:s8] =	ssyncset.s32 @!p0 $0xFFFFF086;
	s6 =	sadd.s32 @!p0 s3, s7;
	s7 =	simm.s32 @!p0 $0x108  }
0x21: {  	s3 =	sadd.s32 s3, s9;
	s6 =	sadd.s32 @!p0 $0x88, s6;
	s7 =	simm.s32 @p2 $0x1082  }
0x22: {  	[simem:s7], [sflag:s8] =	dma.local @!p0 [hbm:s6], $0xF7A  }
0x23: {  	s9 =	sor.u32 $0xD0000000, s2;
	s6 =	simm.s32 $0x108;
	_ =	swait.ge @!p0 [sflag:s8], $0x0  }
0x24: {  	s3 =	sadd.s32 $0x88, s3;
	s6 =	simm.s32 @!p1 $0x1082;
	[sflag:s4] =	ssyncset.s32 $0xFFFFF086  }
0x25: {  	[simem:s6], [sflag:s4] =	dma.local [hbm:s3], $0xF7A  }
0x26: {  	[smem:$0x3F9C] =	sst s1;
	(tag) =	ssettag s2;
	_ =	strace s9  }
0x27: {  	s1 =	sld [smem:$0x3FAC]  }
0x28: {  	s2 =	sld [smem:$0x3FAD]  }
0x29: {  	s4 =	sld [smem:$0x3FAF]  }
0x2a: {  	p0 =	seq.s32 s5, $0x0;
	s5 =	sld [smem:$0x3FB0]  }
0x2b: {  	s6 =	sld [smem:$0x3FB1]  }
0x2c: {  	s7 =	sld [smem:$0x3FB2]  }
0x2d: {  	s3 =	simm.s32 $0x108;
	s8 =	sld [smem:$0x3FB3]  }
0x2e: {  	s3 =	simm.s32 @!p0 $0x1082;
	s9 =	sld [smem:$0x3FB4]  }
0x2f: {  	lr =	sadd.s32 s0, s3;
	s0 =	sld [smem:$0x3FAB]  }
0x30: {  	s3 =	sld [smem:$0x3FAE]  }
0x31: {  	[smem:$0x3FB7] =	sst s10  }
0x32: {  	s10 =	sld [smem:$0x3FB5];
	_ =	sdelay $0x3  }
0x33: {  	p0 =	seq.s32 s10, $0x1;
	s10 =	sld [smem:$0x3FB7];
	_ =	sdelay $0x3  }
0x34: {  	[smem:$0x3FB7] =	sst s10  }
0x35: {  	s10 =	sld [smem:$0x3FB6];
	_ =	sdelay $0x3  }
0x36: {  	p1 =	seq.s32 s10, $0x1;
	s10 =	sld [smem:$0x3FB7];
	_ =	sdelay $0x3  }
0x37: {  	[smem:$0x3FB7] =	sst s10  }
0x38: {  	s10 =	sld [smem:$0x3FB8]  }
0x39: {  	_ = 	snop;
	(pc) =	sbr.ind lr, $3  }
0x3a: {  	_ = 	snop  }
0x3b: {  	_ = 	snop  }
0x3c: {  	p2 =	seq.s32 s10, $0x1;
	s10 =	sld [smem:$0x3FB7]  }
0x3d: {  	_ =	shalt  }
0x3e: {  	_ =	shalt  }
0x3f: {  	_ =	shalt  }
0x40: {  	_ =	shalt  }
0x41: {  	_ =	shalt  }
0x42: {  	_ =	shalt  }
0x43: {  	_ =	shalt  }
0x44: {  	_ =	shalt  }
0x45: {  	_ =	shalt  }
0x46: {  	_ =	shalt  }
0x47: {  	_ =	shalt  }
0x48: {  	_ =	shalt  }
0x49: {  	_ =	shalt  }
0x4a: {  	_ =	shalt  }
0x4b: {  	_ =	shalt  }
0x4c: {  	_ =	shalt  }
0x4d: {  	_ =	shalt  }
0x4e: {  	_ =	shalt  }
0x4f: {  	_ =	shalt  }
0x50: {  	_ =	shalt  }
0x51: {  	_ =	shalt  }
0x52: {  	_ =	shalt  }
0x53: {  	_ =	shalt  }
0x54: {  	_ =	shalt  }
0x55: {  	_ =	shalt  }
0x56: {  	_ =	shalt  }
0x57: {  	_ =	shalt  }
0x58: {  	_ =	shalt  }
0x59: {  	_ =	shalt  }
0x5a: {  	_ =	shalt  }
0x5b: {  	_ =	shalt  }
0x5c: {  	_ =	shalt  }
0x5d: {  	_ =	shalt  }
0x5e: {  	_ =	shalt  }
0x5f: {  	_ =	shalt  }
0x60: {  	_ =	shalt  }
0x61: {  	_ =	shalt  }
0x62: {  	_ =	shalt  }
0x63: {  	_ =	shalt  }
0x64: {  	_ =	shalt  }
0x65: {  	_ =	shalt  }
0x66: {  	_ =	shalt  }
0x67: {  	_ =	shalt  }
0x68: {  	_ =	shalt  }
0x69: {  	_ =	shalt  }
0x6a: {  	_ =	shalt  }
0x6b: {  	_ =	shalt  }
0x6c: {  	_ =	shalt  }
0x6d: {  	_ =	shalt  }
0x6e: {  	_ =	shalt  }
0x6f: {  	_ =	shalt  }
0x70: {  	_ =	shalt  }
0x71: {  	_ =	shalt  }
0x72: {  	_ =	shalt  }
0x73: {  	_ =	shalt  }
0x74: {  	_ =	shalt  }
0x75: {  	_ =	shalt  }
0x76: {  	_ =	shalt  }
0x77: {  	_ =	shalt  }
0x78: {  	_ =	shalt  }
0x79: {  	_ =	shalt  }
0x7a: {  	_ =	shalt  }
0x7b: {  	_ =	shalt  }
0x7c: {  	_ =	shalt  }
0x7d: {  	_ =	shalt  }
0x7e: {  	_ =	shalt  }
0x7f: {  	_ =	shalt  }
0x80: {  	_ =	shalt  }
0x81: {  	_ =	shalt  }
0x82: {  	_ =	shalt  }
0x83: {  	_ =	shalt  }
0x84: {  	_ =	shalt  }
0x85: {  	_ =	shalt  }
0x86: {  	_ =	shalt  }
0x87: {  	_ =	shalt  }
.Lfunc_end0:
.L_simem_size_0:
called_computation_lowered:
.L_overlay_start_0:
0x88: {  	s2 =	sld [smem:$0x3FD9]  }
0x89: {  	s3 =	sld [smem:$0x3FFE];
	_ =	sdelay $0x1  }
0x8a: {  	s1 =	srdreg.scid  }
0x8b: {  	s0 =	sand.u32 $0x1, s1  }
0x8c: {  	s14 =	sshll.u32 s0, $0xA;
	s2 =	sadd.s32 s3, s2  }
0x8d: {  	s2 =	sadd.s32 s2, s14  }
0x8e: {  	[smem:$0x3FC3] =	sst s2  }
0x8f: {  	_ = 	snop  }
0x90: {  	s2 =	sld [smem:$0x3FD0];
	_ =	sdelay $0x2  }
0x91: {  	s15 =	simm.s32 $0xA;
	s4 =	simm.s32 $0x10  }
0x92: {  	[smem:s4], [sflag:s15] =	dma.local [hbm:s2], $0x1  }
0x93: {  	_ =	swait.eq [sflag:s15], $0x1  }
0x94: {  	[sflag:s15] =	ssyncset.done $0x0  }
0x95: {  	s16 =	sld [smem:$0x10];
	[sflag:s15] =	ssyncadd.s32 $0xFFFFFFFF  }
0x96: {  	s17 =	sld [smem:$0x11];
	(tm) =	ssettm $0x1  }
0x97: {  	s18 =	sld [smem:$0x3FFB];
	_ =	sdelay $0x3  }
0x98: {  	_ =	strace s18  }
0x99: {  	s4 =	sld [smem:$0x3FFC];
	_ =	sdelay $0x3  }
0x9a: {  	_ =	strace s4  }
0x9b: {  	s4 =	sld [smem:$0x3FFD];
	_ =	sdelay $0x3  }
0x9c: {  	_ =	strace s4  }
0x9d: {  	_ =	strace $0x8FFFFFFF  }
0x9e: {  	s19 =	sld [smem:$0x3FDB];
	_ =	sdelay $0x1  }
0x9f: {  	s5 =	simm.s32 $_scs_section_size  }
0xa0: {  	s6 =	simm.s32 $_size__tile_overlayer_lowered;
	s7 =	simm.s32 $_tile_overlayer_lowered  }
0xa1: {  	s22 =	simm.s32 $0x1BFF;
	s21 =	sshll.u32 s7, $0x1;
	s4 =	sadd.s32 s5, s19  }
0xa2: {  	s8 =	simm.s32 $0x0;
	s20 =	sshll.u32 s6, $0x1;
	s6 =	sadd.s32 s21, s4  }
0xa3: {  	[timem:s8], [sflag:s22] =	dma.local [hbm:s6], s20  }
0xa4: {  	_ =	swait.ge [sflag:s22], s20  }
0xa5: {  	s5 =	ssub.s32 $0x0, s20;
	[sflag:s22] =	ssyncset.done $0x0  }
0xa6: {  	[sflag:s22] =	ssyncadd.s32 s5;
	_ =	sdelay $0x1  }
0xa7: {  	s23 =	simm.s32 $0x1B8B  }
0xa8: {  	_ =	swait.ge [sflag:s23], $0x1  }
0xa9: {  	[sflag:s23] =	ssyncset.done $0x0  }
0xaa: {  	s25 =	simm.s32 $0x1B8E;
	s24 =	sld [smem:$0x3FFE];
	[sflag:s23] =	ssyncadd.s32 $0xFFFFFFFF  }
0xab: {  	s26 =	simm.s32 $execute0_lowered;
	[smem:$0x3FD2] =	sst s25  }
0xac: {  	s6 =	sshll.u32 s26, $0x1;
	_ =	strace $0x80000046;
	[dreg:$0x1] =	wrdreg $0xFFFFFFFF  }
0xad: {  	s28 =	simm.s32 $_size_execute0_lowered;
	s4 =	sadd.s32 s4, s6;
	[dreg:$0x0] =	wrdreg $0x0  }
0xae: {  	s6 =	sshll.u32 s28, $0x1;
	[dreg:$0x2] =	wrdreg s4  }
0xaf: {  	[dreg:$0x3] =	wrdreg s6  }
0xb0: {  	[dreg:$0x4] =	wrdreg $0xC0  }
0xb1: {  	_ =	task [dreg:s8], $0x5FFFF  }
0xb2: {  	[dreg:$0x1] =	wrdreg $0xFFFFFFFF  }
0xb3: {  	[dreg:$0x0] =	wrdreg $0x60  }
0xb4: {  	[dreg:$0x2] =	wrdreg s24  }
0xb5: {  	[dreg:$0x3] =	wrdreg s16  }
0xb6: {  	[dreg:$0x4] =	wrdreg s17  }
0xb7: {  	[dreg:$0x5] =	wrdreg $0x16B000  }
0xb8: {  	[dreg:$0x6] =	wrdreg $0x9  }
0xb9: {  	_ =	task.clear_ibuf [dreg:s8], $0x7FFFF;
	_ =	strace $0x90000046  }
0xba: {  	s29 =	simm.s32 $0x9;
	_ =	strace $0x80000048  }
0xbb: {  	_ =	swait.ge [sflag:s29], $0x1  }
0xbc: {  	[sflag:s29] =	ssyncadd.s32 $0xFFFFFFFF  }
0xbd: {  	_ =	strace $0x90000048  }
0xbe: {  	_ =	sfence  }
0xbf: {  	s30 =	sld [smem:$0x0];
	_ =	sdelay $0x2  }
0xc0: {  	s31 =	sshll.u32 s1, $0xD;
	s1 =	sshrl.u32 s1, $0x2  }
0xc1: {  	s3 =	sand.u32 $0x4000, s31;
	s1 =	sadd.s32 s1, s30  }
0xc2: {  	s0 =	sor.u32 s3, s0;
	s1 =	sshll.u32 s1, $0x11  }
0xc3: {  	s0 =	sor.u32 s1, s0  }
0xc4: {  	s0 =	sadd.s32 $0x8F2B, s0  }
0xc5: {  	[sflag:s0] =	ssyncadd.remote.s32 $0x1  }
0xc6: {  	_ =	sfence.sel $0xFFFF  }
0xc7: {  	[dreg:$0x0] =	wrdreg $0xFFFFFFFF;
	(pc) =	sbr.abs _section_cstart, $3  }
0xc8: {  	[dreg:$0x1] =	wrdreg $0xFFFFFFFF  }
0xc9: {  	_ =	task.clear_ibuf [dreg:s8], $0x2FFFF;
	_ =	strace $0x9FFFFFFF  }
0xca: {  	(tm) =	ssettm $0x7FFFFFFF  }
0xcb: {  	_ =	shalt  }
tec
execute0_lowered:
.L_overlay_start_1:
0x0: {  	(tag) =	ssettag $0x1  }
0x1: {  	s4 =	rddreg [dreg:$0x0]  }
0x2: {  	s0 =	rddreg [dreg:$0x1]  }
0x3: {  	s1 =	srdreg.scid;
	s7 =	rddreg [dreg:$0x2]  }
0x4: {  	s9 =	stileid.u32;
	s2 =	rddreg [dreg:$0x3]  }
0x5: {  	s3 =	simm.s32 $0x0;
	s13 =	simm.s32 $0x80;
	s14 =	simm.s32 $0x100  }
0x6: {  	s15 =	simm.s32 $0x16800;
	s16 =	simm.s32 $0x0;
	s8 =	smul.u32 $0x14000, s9  }
0x7: {  	s5 =	sand.u32 $0x1, s1;
	s1 =	rddreg [dreg:$0x4];
	s10 =	smul.u32 $0x500, s9  }
0x8: {  	[smem:$0x7FF] =	sst s3;
	s12 =	smul.u32 $0xA00, s9;
	p0 =	sne.s32 s9, $0x0  }
0x9: {  	s9 =	simm.s32 $0x14000;
	s6 =	smul.u32 $0x140000, s5;
	s30 =	ssub.s32 $0x2, s5  }
0xa: {  	_ =	strace $0x80000047;
	s5 =	sshll.u32 s5, $0x7;
	s11 =	sshrl.u32 s30, $0x1  }
0xb: {  	s10 =	sor.u32 s5, s10;
	s31 =	sshrl.u32 s12, $0x2;
	s12 =	simm.s32 $0x50  }
0xc: {  	s6 =	sadd.s32 s8, s6;
	s8 =	ssub.s32 s30, s11;
	s10 =	sshrl.u32 s10, $0x3  }
0xd: {  	s11 =	simm.s32 $0x16A80;
	s6 =	sshrl.u32 s6, $0x3;
	s7 =	sadd.s32 s7, s10  }
0xe: {  	s8 =	smax.u32 s8, $0x1;
	s10 =	simm.s32 $0x1;
	s6 =	sadd.s32 s6, s4  }
0xf: {  	s4 =	sadd.s32 $0x51800, s4;
	s5 =	sadd.s32 $0x1800, s6;
	s6 =	sadd.s32 s31, s2  }
.LBB2_1:
0x10: {  	[tilespmem:s9], [sflag:$0x1] =	stream.linear.gather [hbm4b:s0+s3], $0x2800, $0x38;
	[tilespmem:$0x16D80] =	vst v63  }
0x11: {  	_ =	swait.ge [sflag:s10], $0x2800  }
0x12: {  	[sflag:s10] =	ssyncset.done $0x0  }
0x13: {  	s17 =	simm.s32 @!p0 $0x14000;
	[sflag:s10] =	ssyncadd.s32 $0xFFFFD800  }
0x14: {  	[spmem:s2] =	stream.linear.scatter @!p0 [tilespmem:s17], [sflag:$0x1], $0x2800, $0x38;
	[tilespmem:$0x16D80] =	vst v63  }
0x15: {  	s17 =	simm.s32 @!p0 $0x1  }
0x16: {  	_ =	swait.ge @!p0 [sflag:s17], $0x2800  }
0x17: {  	[sflag:s17] =	ssyncset.done @!p0 $0x0  }
0x18: {  	[sflag:s17] =	ssyncadd.s32 @!p0 $0xFFFFD800  }
0x19: {  	[bflag:$0x0] =	sbarrier.arrive $0xFFFF  }
0x1a: {  	[tilespmem:s3], [sflag:$0x1] =	stream.linear.gather [hbm4b:s5+s3], $0x14000, $0x38;
	[tilespmem:$0x16D80] =	vst v63  }
0x1b: {  	_ =	swait.ge [sflag:s10], $0x14000  }
0x1c: {  	[sflag:s10] =	ssyncset.done $0x0  }
0x1d: {  	[sflag:s10] =	ssyncadd.s32 $0xFFFEC000  }
0x1e: {  	[tilespmem:s11], [sflag:$0x1] =	stream.linear.gather [hbm4b:s4+s3], $0x80, $0x38;
	[tilespmem:$0x16D80] =	vst v63  }
0x1f: {  	_ =	swait.ge [sflag:s10], $0x80  }
0x20: {  	[sflag:s10] =	ssyncset.done $0x0  }
0x21: {  	s18 =	simm.s32 $0x0;
	s17 =	simm.s32 $0x200;
	[sflag:s10] =	ssyncadd.s32 $0xFFFFFF80  }
.LBB2_2:
0x22: {  	p1 =	sne.s32 s17, $0x4FE00;
	v0 =	vld [tilespmem:s18+$0x0];
	_ =	sdelay $0x4  }
0x23: {  	(xrf1) =	vunique.msk.u32 $0xffff, v0;
	_ =	sdelay $0xd  }
0x24: {  	_, v1, vm0 =	vpop (xrf1);
	_ =	sdelay $0x1  }
.Ltmp0:
0x25: {  	(pc) =	sbr.rel @p1 .LBB2_2-.Ltmp0, $3  }
0x26: {  	_ = 	snop  }
0x27: {  	v1 =	vcvt.s32.f32 v1;
	_ =	sdelay $0x1  }
0x28: {  	s18 =	sshra.s32 s17, $0x2;
	s17 =	sadd.s32 $0x200, s17;
	[tilespmem:v0+s9+$0x0] =	vst.idx.add.f32.msk vm0, v1  }
0x29: {  	v0 =	vld [tilespmem:s18+$0x0];
	_ =	sdelay $0x4  }
0x2a: {  	(xrf1) =	vunique.msk.u32 $0xffff, v0;
	_ =	sdelay $0xd  }
0x2b: {  	_, v1, vm0 =	vpop (xrf1);
	_ =	sdelay $0x3  }
0x2c: {  	v1 =	vcvt.s32.f32 v1;
	_ =	sdelay $0x1  }
0x2d: {  	[tilespmem:v0+s9+$0x0] =	vst.idx.add.f32.msk vm0, v1  }
0x2e: {  	[spmem:s2] =	stream.indirect.scatter.add.f32 [tilespmem:s9], [sflag:$0x1], $0x80, s11, s12, $0xb8;
	[tilespmem:$0x16D80] =	vst v63  }
0x2f: {  	_ =	swait.ge [sflag:s10], $0x2800  }
0x30: {  	[sflag:s10] =	ssyncset.done $0x0  }
0x31: {  	[sflag:s10] =	ssyncadd.s32 $0xFFFFD800  }
0x32: {  	[bflag:$0x0] =	sbarrier.arrive $0xFFFF  }
0x33: {  	[tilespmem:s9], [sflag:$0x1] =	stream.linear.gather [spmem:s6], $0x280, $0x38;
	[tilespmem:$0x16D80] =	vst v63  }
0x34: {  	_ =	swait.ge [sflag:s10], $0x280  }
0x35: {  	[sflag:s10] =	ssyncset.done $0x0  }
0x36: {  	[sflag:s10] =	ssyncadd.s32 $0xFFFFFD80  }
0x37: {  	v27 =	vld [tilespmem:$0x14000]  }
0x38: {  	v28 =	vld [tilespmem:$0x14010]  }
0x39: {  	v2 =	vld [tilespmem:$0x14020]  }
0x3a: {  	v3 =	vld [tilespmem:$0x14030]  }
0x3b: {  	v4 =	vld [tilespmem:$0x14040]  }
0x3c: {  	v29 =	vld [tilespmem:$0x14050];
	[tilespmem:$0x16800] =	vst v27  }
0x3d: {  	v30 =	vld [tilespmem:$0x14060];
	[tilespmem:$0x16810] =	vst v28  }
0x3e: {  	v31 =	vld [tilespmem:$0x14070];
	[tilespmem:$0x16820] =	vst v2  }
0x3f: {  	v32 =	vld [tilespmem:$0x14080];
	[tilespmem:$0x16830] =	vst v3  }
0x40: {  	v33 =	vld [tilespmem:$0x14090];
	[tilespmem:$0x16840] =	vst v4  }
0x41: {  	v34 =	vld [tilespmem:$0x140A0];
	[tilespmem:$0x16850] =	vst v29  }
0x42: {  	v35 =	vld [tilespmem:$0x140B0];
	[tilespmem:$0x16860] =	vst v30  }
0x43: {  	v36 =	vld [tilespmem:$0x140C0];
	[tilespmem:$0x16870] =	vst v31  }
0x44: {  	v37 =	vld [tilespmem:$0x140D0];
	[tilespmem:$0x16880] =	vst v32  }
0x45: {  	v38 =	vld [tilespmem:$0x140E0];
	[tilespmem:$0x16890] =	vst v33  }
0x46: {  	v39 =	vld [tilespmem:$0x140F0];
	[tilespmem:$0x168A0] =	vst v34  }
0x47: {  	v40 =	vld [tilespmem:$0x14100];
	[tilespmem:$0x168B0] =	vst v35  }
0x48: {  	v41 =	vld [tilespmem:$0x14110];
	[tilespmem:$0x168C0] =	vst v36  }
0x49: {  	v42 =	vld [tilespmem:$0x14120];
	[tilespmem:$0x168D0] =	vst v37  }
0x4a: {  	v43 =	vld [tilespmem:$0x14130];
	[tilespmem:$0x168E0] =	vst v38  }
0x4b: {  	v44 =	vld [tilespmem:$0x14140];
	[tilespmem:$0x168F0] =	vst v39  }
0x4c: {  	v45 =	vld [tilespmem:$0x14150];
	[tilespmem:$0x16900] =	vst v40  }
0x4d: {  	v46 =	vld [tilespmem:$0x14160];
	[tilespmem:$0x16910] =	vst v41  }
0x4e: {  	v47 =	vld [tilespmem:$0x14170];
	[tilespmem:$0x16920] =	vst v42  }
0x4f: {  	v48 =	vld [tilespmem:$0x14180];
	[tilespmem:$0x16930] =	vst v43  }
0x50: {  	v49 =	vld [tilespmem:$0x14190];
	[tilespmem:$0x16940] =	vst v44  }
0x51: {  	v50 =	vld [tilespmem:$0x141A0];
	[tilespmem:$0x16950] =	vst v45  }
0x52: {  	v51 =	vld [tilespmem:$0x141B0];
	[tilespmem:$0x16960] =	vst v46  }
0x53: {  	v52 =	vld [tilespmem:$0x141C0];
	[tilespmem:$0x16970] =	vst v47  }
0x54: {  	v53 =	vld [tilespmem:$0x141D0];
	[tilespmem:$0x16980] =	vst v48  }
0x55: {  	v54 =	vld [tilespmem:$0x141E0];
	[tilespmem:$0x16990] =	vst v49  }
0x56: {  	v55 =	vld [tilespmem:$0x141F0];
	[tilespmem:$0x169A0] =	vst v50  }
0x57: {  	v56 =	vld [tilespmem:$0x14200];
	[tilespmem:$0x169B0] =	vst v51  }
0x58: {  	v57 =	vld [tilespmem:$0x14210];
	[tilespmem:$0x169C0] =	vst v52  }
0x59: {  	v58 =	vld [tilespmem:$0x14220];
	[tilespmem:$0x169D0] =	vst v53  }
0x5a: {  	v59 =	vld [tilespmem:$0x14230];
	[tilespmem:$0x169E0] =	vst v54  }
0x5b: {  	v60 =	vld [tilespmem:$0x14240];
	[tilespmem:$0x169F0] =	vst v55  }
0x5c: {  	v61 =	vld [tilespmem:$0x14250];
	[tilespmem:$0x16A00] =	vst v56  }
0x5d: {  	v62 =	vld [tilespmem:$0x14260];
	[tilespmem:$0x16A10] =	vst v57  }
0x5e: {  	v63 =	vld [tilespmem:$0x14270];
	[tilespmem:$0x16A20] =	vst v58  }
0x5f: {  	[tilespmem:$0x16A30] =	vst v59  }
0x60: {  	[tilespmem:$0x16A40] =	vst v60  }
0x61: {  	s16 =	sadd.s32 $0x1, s16;
	[tilespmem:$0x16A50] =	vst v61  }
0x62: {  	p1 =	sne.s32 s16, s8;
	[tilespmem:$0x16A60] =	vst v62  }
.Ltmp1:
0x63: {  	[tilespmem:$0x16A70] =	vst v63;
	(pc) =	sbr.rel @p1 .LBB2_1-.Ltmp1, $4  }
0x64: {  	[hbm4b:s7+s13] =	stream.strided.scatter [tilespmem:s15], [sflag:$0x1], $0x280, s14, s13, $0x38;
	[tilespmem:$0x16D80] =	vst v63  }
0x65: {  	_ =	swait.ge [sflag:s10], $0x280  }
0x66: {  	[sflag:s10] =	ssyncset.done $0x0  }
0x67: {  	[sflag:s10] =	ssyncadd.s32 $0xFFFFFD80  }
0x68: {  	_ =	sfence.sel $0x180000  }
0x69: {  	[bflag:$0x0] =	sbarrier.arrive $0xFFFF  }
0x6a: {  	_ =	strace $0x90000047  }
0x6b: {  	s0 =	sadd.s32 @!p0 $0x100000, s1;
	[bflag:$0x2] =	sbarrier.arrive $0xFFFF  }
0x6c: {  	[sflag:s0] =	ssyncadd.tile.s32 @!p0 $0x1;
	_ =	shalt  }
.Lfunc_end2:
_tile_overlayer_lowered:
.L_overlay_start_2:
0x6d: {  	(tag) =	ssettag $0x2  }
0x6e: {  	s0 =	rddreg [dreg:$0x0];
	s2 =	stileid.u32  }
0x6f: {  	s1 =	rddreg [dreg:$0x1];
	p0 =	sne.s32 s2, $0x0  }
0x70: {  	s3 =	rddreg [dreg:$0x2];
	[bflag:$0x3] =	sbarrier.arrive $0xFFFF;
	s2 =	simm.s32 @!p0 $0x1C01  }
0x71: {  	[timem:s3], [sflag:s2] =	dma.local @!p0 [hbm:s0], s1  }
0x72: {  	s0 =	simm.s32 @!p0 $0x1  }
0x73: {  	_ =	swait.ge @!p0 [sflag:s0], s1  }
0x74: {  	s1 =	ssub.s32 @!p0 $0x0, s1;
	[sflag:s0] =	ssyncset.done @!p0 $0x0  }
0x75: {  	[sflag:s0] =	ssyncadd.s32 @!p0 s1  }
0x76: {  	[bflag:$0x3] =	sbarrier.arrive $0xFFFF  }
0x77: {  	_ =	shalt  }

// kernel: kernel.9.cloned.1.call-start
scs
__scs_entry_jumppad:
0x0: {  	(pc) =	sbr.rel $0x88, $3  }
0x1: {  	(tag) =	ssettag $0x0;
	lr =	simm.s32 $0x1  }
0x2: {  	[smem:$0x3F9C] =	sst lr;
	_ =	strace $0xD0000000  }
0x3: {  	_ = 	snop  }
0x4: {  	_ = 	snop  }
0x5: {  	_ = 	snop  }
0x6: {  	_ = 	snop  }
0x7: {  	_ = 	snop  }
__scs_overlays_trampoline_lowered:
0x8: {  	[smem:$0x3FAB] =	sst s0  }
0x9: {  	[smem:$0x3FAC] =	sst s1  }
0xa: {  	[smem:$0x3FAD] =	sst s2  }
0xb: {  	[smem:$0x3FAE] =	sst s3  }
0xc: {  	[smem:$0x3FAF] =	sst s4  }
0xd: {  	[smem:$0x3FB0] =	sst s5  }
0xe: {  	[smem:$0x3FB1] =	sst s6  }
0xf: {  	[smem:$0x3FB2] =	sst s7  }
0x10: {  	[smem:$0x3FB3] =	sst s8  }
0x11: {  	[smem:$0x3FB4] =	sst s9;
	s0 =	simm.s32 @!p0 $0x0  }
0x12: {  	s1 =	sld [smem:$0x3F9A];
	s0 =	simm.s32 @p0 $0x1  }
0x13: {  	[smem:$0x3FB5] =	sst s0;
	s0 =	simm.s32 @!p1 $0x0  }
0x14: {  	s2 =	sld [smem:$0x3F99];
	s0 =	simm.s32 @p1 $0x1  }
0x15: {  	[smem:$0x3FB6] =	sst s0;
	s0 =	simm.s32 @!p2 $0x0  }
0x16: {  	s3 =	sld [smem:$0x3FDB];
	s0 =	simm.s32 @p2 $0x1  }
0x17: {  	s4 =	simm.s32 $0x1BF5;
	[smem:$0x3FB8] =	sst s0  }
0x18: {  	s0 =	sld [smem:$0x3F9B];
	_ =	swait.ge [sflag:s4], $0x0  }
0x19: {  	s7 =	sld [smem:$0x3F9C]  }
0x1a: {  	s8 =	sadd.s32 $0xFFFFE003, lr  }
0x1b: {  	s9 =	sadd.s32 $0xFFFFFEF7, lr;
	s5 =	simm.s32 $0xFFFFFFFF;
	p2 =	slt.u32 s8, $0xFFFFF086  }
0x1c: {  	p1 =	slt.u32 s9, $0xF7A;
	s5 =	simm.s32 @!p2 $0x0  }
0x1d: {  	s5 =	simm.s32 @p1 $0x1;
	p0 =	seq.s32 s7, s2  }
0x1e: {  	s7 =	smul.u32 @!p0 $0xF7A, s2;
	p2 =	seq.s32 @!p0 s5, $0x0  }
0x1f: {  	s9 =	smul.u32 $0xF7A, s1;
	s8 =	simm.s32 @!p0 $0x1BF5;
	p2 =	por !p2, p0  }
0x20: {  	[sflag:s8] =	ssyncset.s32 @!p0 $0xFFFFF086;
	s6 =	sadd.s32 @!p0 s3, s7;
	s7 =	simm.s32 @!p0 $0x108  }
0x21: {  	s3 =	sadd.s32 s3, s9;
	s6 =	sadd.s32 @!p0 $0x88, s6;
	s7 =	simm.s32 @p2 $0x1082  }
0x22: {  	[simem:s7], [sflag:s8] =	dma.local @!p0 [hbm:s6], $0xF7A  }
0x23: {  	s9 =	sor.u32 $0xD0000000, s2;
	s6 =	simm.s32 $0x108;
	_ =	swait.ge @!p0 [sflag:s8], $0x0  }
0x24: {  	s3 =	sadd.s32 $0x88, s3;
	s6 =	simm.s32 @!p1 $0x1082;
	[sflag:s4] =	ssyncset.s32 $0xFFFFF086  }
0x25: {  	[simem:s6], [sflag:s4] =	dma.local [hbm:s3], $0xF7A  }
0x26: {  	[smem:$0x3F9C] =	sst s1;
	(tag) =	ssettag s2;
	_ =	strace s9  }
0x27: {  	s1 =	sld [smem:$0x3FAC]  }
0x28: {  	s2 =	sld [smem:$0x3FAD]  }
0x29: {  	s4 =	sld [smem:$0x3FAF]  }
0x2a: {  	p0 =	seq.s32 s5, $0x0;
	s5 =	sld [smem:$0x3FB0]  }
0x2b: {  	s6 =	sld [smem:$0x3FB1]  }
0x2c: {  	s7 =	sld [smem:$0x3FB2]  }
0x2d: {  	s3 =	simm.s32 $0x108;
	s8 =	sld [smem:$0x3FB3]  }
0x2e: {  	s3 =	simm.s32 @!p0 $0x1082;
	s9 =	sld [smem:$0x3FB4]  }
0x2f: {  	lr =	sadd.s32 s0, s3;
	s0 =	sld [smem:$0x3FAB]  }
0x30: {  	s3 =	sld [smem:$0x3FAE]  }
0x31: {  	[smem:$0x3FB7] =	sst s10  }
0x32: {  	s10 =	sld [smem:$0x3FB5];
	_ =	sdelay $0x3  }
0x33: {  	p0 =	seq.s32 s10, $0x1;
	s10 =	sld [smem:$0x3FB7];
	_ =	sdelay $0x3  }
0x34: {  	[smem:$0x3FB7] =	sst s10  }
0x35: {  	s10 =	sld [smem:$0x3FB6];
	_ =	sdelay $0x3  }
0x36: {  	p1 =	seq.s32 s10, $0x1;
	s10 =	sld [smem:$0x3FB7];
	_ =	sdelay $0x3  }
0x37: {  	[smem:$0x3FB7] =	sst s10  }
0x38: {  	s10 =	sld [smem:$0x3FB8]  }
0x39: {  	_ = 	snop;
	(pc) =	sbr.ind lr, $3  }
0x3a: {  	_ = 	snop  }
0x3b: {  	_ = 	snop  }
0x3c: {  	p2 =	seq.s32 s10, $0x1;
	s10 =	sld [smem:$0x3FB7]  }
0x3d: {  	_ =	shalt  }
0x3e: {  	_ =	shalt  }
0x3f: {  	_ =	shalt  }
0x40: {  	_ =	shalt  }
0x41: {  	_ =	shalt  }
0x42: {  	_ =	shalt  }
0x43: {  	_ =	shalt  }
0x44: {  	_ =	shalt  }
0x45: {  	_ =	shalt  }
0x46: {  	_ =	shalt  }
0x47: {  	_ =	shalt  }
0x48: {  	_ =	shalt  }
0x49: {  	_ =	shalt  }
0x4a: {  	_ =	shalt  }
0x4b: {  	_ =	shalt  }
0x4c: {  	_ =	shalt  }
0x4d: {  	_ =	shalt  }
0x4e: {  	_ =	shalt  }
0x4f: {  	_ =	shalt  }
0x50: {  	_ =	shalt  }
0x51: {  	_ =	shalt  }
0x52: {  	_ =	shalt  }
0x53: {  	_ =	shalt  }
0x54: {  	_ =	shalt  }
0x55: {  	_ =	shalt  }
0x56: {  	_ =	shalt  }
0x57: {  	_ =	shalt  }
0x58: {  	_ =	shalt  }
0x59: {  	_ =	shalt  }
0x5a: {  	_ =	shalt  }
0x5b: {  	_ =	shalt  }
0x5c: {  	_ =	shalt  }
0x5d: {  	_ =	shalt  }
0x5e: {  	_ =	shalt  }
0x5f: {  	_ =	shalt  }
0x60: {  	_ =	shalt  }
0x61: {  	_ =	shalt  }
0x62: {  	_ =	shalt  }
0x63: {  	_ =	shalt  }
0x64: {  	_ =	shalt  }
0x65: {  	_ =	shalt  }
0x66: {  	_ =	shalt  }
0x67: {  	_ =	shalt  }
0x68: {  	_ =	shalt  }
0x69: {  	_ =	shalt  }
0x6a: {  	_ =	shalt  }
0x6b: {  	_ =	shalt  }
0x6c: {  	_ =	shalt  }
0x6d: {  	_ =	shalt  }
0x6e: {  	_ =	shalt  }
0x6f: {  	_ =	shalt  }
0x70: {  	_ =	shalt  }
0x71: {  	_ =	shalt  }
0x72: {  	_ =	shalt  }
0x73: {  	_ =	shalt  }
0x74: {  	_ =	shalt  }
0x75: {  	_ =	shalt  }
0x76: {  	_ =	shalt  }
0x77: {  	_ =	shalt  }
0x78: {  	_ =	shalt  }
0x79: {  	_ =	shalt  }
0x7a: {  	_ =	shalt  }
0x7b: {  	_ =	shalt  }
0x7c: {  	_ =	shalt  }
0x7d: {  	_ =	shalt  }
0x7e: {  	_ =	shalt  }
0x7f: {  	_ =	shalt  }
0x80: {  	_ =	shalt  }
0x81: {  	_ =	shalt  }
0x82: {  	_ =	shalt  }
0x83: {  	_ =	shalt  }
0x84: {  	_ =	shalt  }
0x85: {  	_ =	shalt  }
0x86: {  	_ =	shalt  }
0x87: {  	_ =	shalt  }
.Lfunc_end0:
.L_simem_size_0:
called_computation.1_lowered:
.L_overlay_start_0:
0x88: {  	s2 =	sld [smem:$0x3FD9]  }
0x89: {  	s3 =	sld [smem:$0x3FFE];
	_ =	sdelay $0x1  }
0x8a: {  	s1 =	srdreg.scid  }
0x8b: {  	s0 =	sand.u32 $0x1, s1  }
0x8c: {  	s14 =	sshll.u32 s0, $0xA;
	s2 =	sadd.s32 s3, s2  }
0x8d: {  	s2 =	sadd.s32 s2, s14  }
0x8e: {  	[smem:$0x3FC3] =	sst s2  }
0x8f: {  	_ = 	snop  }
0x90: {  	s2 =	sld [smem:$0x3FD0];
	_ =	sdelay $0x2  }
0x91: {  	s15 =	simm.s32 $0xA;
	s4 =	simm.s32 $0x10  }
0x92: {  	[smem:s4], [sflag:s15] =	dma.local [hbm:s2], $0x1  }
0x93: {  	_ =	swait.eq [sflag:s15], $0x1  }
0x94: {  	[sflag:s15] =	ssyncset.done $0x0  }
0x95: {  	s16 =	sld [smem:$0x10];
	[sflag:s15] =	ssyncadd.s32 $0xFFFFFFFF  }
0x96: {  	s17 =	sld [smem:$0x11];
	(tm) =	ssettm $0x1  }
0x97: {  	s18 =	sld [smem:$0x3FFB];
	_ =	sdelay $0x3  }
0x98: {  	_ =	strace s18  }
0x99: {  	s4 =	sld [smem:$0x3FFC];
	_ =	sdelay $0x3  }
0x9a: {  	_ =	strace s4  }
0x9b: {  	s4 =	sld [smem:$0x3FFD];
	_ =	sdelay $0x3  }
0x9c: {  	_ =	strace s4  }
0x9d: {  	_ =	strace $0x8FFFFFFF  }
0x9e: {  	s19 =	sld [smem:$0x3FDB];
	_ =	sdelay $0x1  }
0x9f: {  	s5 =	simm.s32 $_scs_section_size  }
0xa0: {  	s6 =	simm.s32 $_size__tile_overlayer_lowered;
	s7 =	simm.s32 $_tile_overlayer_lowered  }
0xa1: {  	s22 =	simm.s32 $0x1BFF;
	s21 =	sshll.u32 s7, $0x1;
	s4 =	sadd.s32 s5, s19  }
0xa2: {  	s8 =	simm.s32 $0x0;
	s20 =	sshll.u32 s6, $0x1;
	s6 =	sadd.s32 s21, s4  }
0xa3: {  	[timem:s8], [sflag:s22] =	dma.local [hbm:s6], s20  }
0xa4: {  	_ =	swait.ge [sflag:s22], s20  }
0xa5: {  	s5 =	ssub.s32 $0x0, s20;
	[sflag:s22] =	ssyncset.done $0x0  }
0xa6: {  	[sflag:s22] =	ssyncadd.s32 s5;
	_ =	sdelay $0x1  }
0xa7: {  	s23 =	simm.s32 $0x1B8B  }
0xa8: {  	_ =	swait.ge [sflag:s23], $0x1  }
0xa9: {  	[sflag:s23] =	ssyncset.done $0x0  }
0xaa: {  	s25 =	simm.s32 $0x1B8E;
	s24 =	sld [smem:$0x3FFE];
	[sflag:s23] =	ssyncadd.s32 $0xFFFFFFFF  }
0xab: {  	s26 =	simm.s32 $execute0_lowered;
	[smem:$0x3FD2] =	sst s25  }
0xac: {  	s6 =	sshll.u32 s26, $0x1;
	_ =	strace $0x80000049;
	[dreg:$0x1] =	wrdreg $0xFFFFFFFF  }
0xad: {  	s28 =	simm.s32 $_size_execute0_lowered;
	s4 =	sadd.s32 s4, s6;
	[dreg:$0x0] =	wrdreg $0x0  }
0xae: {  	s6 =	sshll.u32 s28, $0x1;
	[dreg:$0x2] =	wrdreg s4  }
0xaf: {  	[dreg:$0x3] =	wrdreg s6  }
0xb0: {  	[dreg:$0x4] =	wrdreg $0xC0  }
0xb1: {  	_ =	task [dreg:s8], $0x5FFFF  }
0xb2: {  	[dreg:$0x1] =	wrdreg $0xFFFFFFFF  }
0xb3: {  	[dreg:$0x0] =	wrdreg $0x60  }
0xb4: {  	[dreg:$0x2] =	wrdreg s17  }
0xb5: {  	[dreg:$0x3] =	wrdreg s24  }
0xb6: {  	[dreg:$0x4] =	wrdreg s16  }
0xb7: {  	[dreg:$0x5] =	wrdreg $0xA8000  }
0xb8: {  	[dreg:$0x6] =	wrdreg $0x9  }
0xb9: {  	_ =	task.clear_ibuf [dreg:s8], $0x7FFFF;
	_ =	strace $0x90000049  }
0xba: {  	s29 =	simm.s32 $0x9;
	_ =	strace $0x8000004B  }
0xbb: {  	_ =	swait.ge [sflag:s29], $0x1  }
0xbc: {  	[sflag:s29] =	ssyncadd.s32 $0xFFFFFFFF  }
0xbd: {  	_ =	strace $0x9000004B  }
0xbe: {  	_ =	sfence  }
0xbf: {  	s30 =	sld [smem:$0x0];
	_ =	sdelay $0x2  }
0xc0: {  	s31 =	sshll.u32 s1, $0xD;
	s1 =	sshrl.u32 s1, $0x2  }
0xc1: {  	s3 =	sand.u32 $0x4000, s31;
	s1 =	sadd.s32 s1, s30  }
0xc2: {  	s0 =	sor.u32 s3, s0;
	s1 =	sshll.u32 s1, $0x11  }
0xc3: {  	s0 =	sor.u32 s1, s0  }
0xc4: {  	s0 =	sadd.s32 $0x8F2B, s0  }
0xc5: {  	[sflag:s0] =	ssyncadd.remote.s32 $0x1  }
0xc6: {  	_ =	sfence.sel $0xFFFF  }
0xc7: {  	[dreg:$0x0] =	wrdreg $0xFFFFFFFF;
	(pc) =	sbr.abs _section_cstart, $3  }
0xc8: {  	[dreg:$0x1] =	wrdreg $0xFFFFFFFF  }
0xc9: {  	_ =	task.clear_ibuf [dreg:s8], $0x2FFFF;
	_ =	strace $0x9FFFFFFF  }
0xca: {  	(tm) =	ssettm $0x7FFFFFFF  }
0xcb: {  	_ =	shalt  }
tec
execute0_lowered:
.L_overlay_start_1:
0x0: {  	(tag) =	ssettag $0x1  }
0x1: {  	s1 =	rddreg [dreg:$0x0]  }
0x2: {  	s0 =	rddreg [dreg:$0x1];
	s2 =	srdreg.scid  }
0x3: {  	s9 =	stileid.u32;
	s4 =	rddreg [dreg:$0x3];
	s28 =	simm.s32 $0x50  }
0x4: {  	s29 =	simm.s32 $0x3000;
	s30 =	simm.s32 $0x5800;
	s3 =	smul.u32 $0x1E, s9  }
0x5: {  	s31 =	simm.s32 $0x8000;
	s2 =	sand.u32 $0x1, s2;
	s15 =	smul.u32 $0x50000, s9  }
0x6: {  	s5 =	sshll.u32 s9, $0x1;
	s9 =	smul.u32 $0x14000, s9;
	p0 =	seq.s32 s2, $0x0  }
0x7: {  	s6 =	sor.u32 $0x1E0, s5;
	s5 =	simm.s32 $0x0;
	s7 =	ssub.s32 $0x2, s2  }
0x8: {  	s2 =	smul.u32 $0x140000, s2;
	s6 =	smov.u32 @p0 s3;
	[smem:$0x7FF] =	sst s5  }
0x9: {  	s8 =	sshrl.u32 s7, $0x1;
	s16 =	sor.u32 $0x2800, s9;
	s17 =	sadd.s32 $0x5000, s9  }
0xa: {  	s10 =	sadd.s32 $0x7800, s9;
	s19 =	sadd.s32 $0xA000, s9;
	s12 =	sadd.s32 $0xC800, s9  }
0xb: {  	s21 =	sadd.s32 $0xF000, s9;
	s23 =	sadd.s32 $0x11800, s9;
	s3 =	sshll.u32 s6, $0x8  }
0xc: {  	_ =	strace $0x8000004A;
	s6 =	sshrl.u32 s15, $0x2;
	s7 =	ssub.s32 s7, s8  }
0xd: {  	s11 =	sadd.s32 s16, s4;
	s15 =	sadd.s32 s17, s4;
	s18 =	sadd.s32 s10, s4  }
0xe: {  	s13 =	sadd.s32 s19, s4;
	s20 =	sadd.s32 s12, s4;
	[dreg:$0xb] =	wrdreg s11  }
0xf: {  	s14 =	sadd.s32 s21, s4;
	s9 =	sadd.s32 s9, s2;
	[dreg:$0xd] =	wrdreg s18  }
0x10: {  	s22 =	sadd.s32 s23, s4;
	s8 =	sadd.s32 s2, s17;
	[dreg:$0xe] =	wrdreg s13  }
0x11: {  	s26 =	sadd.s32 s2, s10;
	s3 =	sadd.s32 s3, s0;
	[dreg:$0xf] =	wrdreg s20  }
0x12: {  	s0 =	sadd.s32 $0x71A00, s0;
	s24 =	sadd.s32 s6, s4;
	[dreg:$0x10] =	wrdreg s14  }
0x13: {  	s9 =	sshrl.u32 s9, $0x3;
	s6 =	sadd.s32 s2, s16;
	s25 =	sshrl.u32 s8, $0x3  }
0x14: {  	s8 =	sshrl.u32 s26, $0x3;
	s11 =	sadd.s32 s2, s12;
	s16 =	sadd.s32 s2, s21  }
0x15: {  	s13 =	smov.u32 s15;
	s18 =	simm.s32 $0x80;
	s20 =	simm.s32 $0x180  }
0x16: {  	s21 =	simm.s32 $0x400;
	s14 =	simm.s32 $0x480;
	[dreg:$0x11] =	wrdreg s22  }
0x17: {  	s15 =	simm.s32 $0x6;
	s9 =	sadd.s32 s0, s9;
	[dreg:$0x5] =	wrdreg s18  }
0x18: {  	s6 =	sshrl.u32 s6, $0x3;
	s12 =	sshrl.u32 s11, $0x3;
	[dreg:$0x7] =	wrdreg s20  }
0x19: {  	s17 =	sshrl.u32 s16, $0x3;
	[dreg:$0x8] =	wrdreg s21;
	s26 =	sadd.s32 $0x51A00, s3  }
0x1a: {  	s3 =	simm.s32 $0x1;
	s16 =	simm.s32 $0x280;
	[dreg:$0xa] =	wrdreg s24  }
0x1b: {  	s18 =	simm.s32 $0x500;
	s20 =	simm.s32 $0x300;
	[dreg:$0xc] =	wrdreg s13  }
0x1c: {  	s21 =	simm.s32 $0x4;
	s11 =	simm.s32 $0x780;
	[dreg:$0x12] =	wrdreg s9  }
0x1d: {  	s6 =	sadd.s32 s0, s6;
	s9 =	sadd.s32 s2, s19;
	s2 =	sadd.s32 s2, s23  }
0x1e: {  	s19 =	simm.s32 $0x100;
	s23 =	smax.u32 s7, $0x1;
	[dreg:$0x1c] =	wrdreg s26  }
0x1f: {  	s26 =	simm.s32 $0x9;
	s7 =	simm.s32 $0x380;
	[dreg:$0x13] =	wrdreg s6  }
0x20: {  	s6 =	sadd.s32 s0, s25;
	s10 =	sshrl.u32 s9, $0x3;
	[dreg:$0x6] =	wrdreg s19  }
0x21: {  	s2 =	sshrl.u32 s2, $0x3;
	[dreg:$0x1b] =	wrdreg s23;
	s25 =	simm.s32 $0x200  }
0x22: {  	s19 =	simm.s32 $0x7;
	s23 =	simm.s32 $0x580;
	[dreg:$0x14] =	wrdreg s6  }
0x23: {  	s9 =	simm.s32 $0x680;
	s6 =	sadd.s32 s0, s8;
	[dreg:$0x9] =	wrdreg s25  }
0x24: {  	s25 =	simm.s32 $0x800;
	[dreg:$0x15] =	wrdreg s6;
	s6 =	sadd.s32 s0, s10  }
0x25: {  	s8 =	simm.s32 $0x600;
	[dreg:$0x16] =	wrdreg s6;
	s6 =	sadd.s32 s0, s12  }
0x26: {  	s10 =	simm.s32 $0x700;
	s12 =	simm.s32 $0x0;
	[dreg:$0x17] =	wrdreg s6  }
0x27: {  	s6 =	sadd.s32 s0, s17;
	s0 =	sadd.s32 s0, s2;
	[dreg:$0x1d] =	wrdreg s12  }
0x28: {  	s2 =	simm.s32 $0x1E;
	s17 =	simm.s32 $0x3;
	[dreg:$0x18] =	wrdreg s6  }
0x29: {  	[dreg:$0x19] =	wrdreg s0;
	s2 =	simm.s32 @!p0 $0x2;
	s0 =	simm.s32 $0x5  }
0x2a: {  	s6 =	simm.s32 $0x8;
	[dreg:$0x1a] =	wrdreg s2;
	s2 =	simm.s32 $0x2  }
.LBB2_1:
0x2b: {  	s12 =	rddreg [dreg:$0x2]  }
0x2c: {  	[tilespmem:s25], [sflag:$0x9] =	stream.linear.gather [hbm4b:s12+s5], $0x2800, $0x38;
	[tilespmem:$0x1E800] =	vst v63  }
0x2d: {  	_ =	swait.ge [sflag:s26], $0x2800  }
0x2e: {  	[sflag:s26] =	ssyncset.done $0x0  }
0x2f: {  	[sflag:s26] =	ssyncadd.s32 $0xFFFFD800  }
0x30: {  	[spmem:s24] =	stream.linear.scatter [tilespmem:s25], [sflag:$0x9], $0x2800, $0x38;
	[tilespmem:$0x1E800] =	vst v63  }
0x31: {  	_ =	swait.ge [sflag:s26], $0x2800  }
0x32: {  	[sflag:s26] =	ssyncset.done $0x0  }
0x33: {  	s24 =	rddreg [dreg:$0xb];
	[sflag:s26] =	ssyncadd.s32 $0xFFFFD800  }
0x34: {  	[spmem:s24] =	stream.linear.scatter [tilespmem:s25], [sflag:$0x9], $0x2800, $0x38;
	[tilespmem:$0x1E800] =	vst v63  }
0x35: {  	_ =	swait.ge [sflag:s26], $0x2800  }
0x36: {  	[sflag:s26] =	ssyncset.done $0x0  }
0x37: {  	[sflag:s26] =	ssyncadd.s32 $0xFFFFD800  }
0x38: {  	[spmem:s13] =	stream.linear.scatter [tilespmem:s25], [sflag:$0x9], $0x2800, $0x38;
	[tilespmem:$0x1E800] =	vst v63  }
0x39: {  	_ =	swait.ge [sflag:s26], $0x2800  }
0x3a: {  	[sflag:s26] =	ssyncset.done $0x0  }
0x3b: {  	s13 =	rddreg [dreg:$0xd];
	[sflag:s26] =	ssyncadd.s32 $0xFFFFD800  }
0x3c: {  	[spmem:s13] =	stream.linear.scatter [tilespmem:s25], [sflag:$0x9], $0x2800, $0x38;
	[tilespmem:$0x1E800] =	vst v63  }
0x3d: {  	_ =	swait.ge [sflag:s26], $0x2800  }
0x3e: {  	[sflag:s26] =	ssyncset.done $0x0  }
0x3f: {  	s24 =	rddreg [dreg:$0xe];
	[sflag:s26] =	ssyncadd.s32 $0xFFFFD800  }
0x40: {  	[spmem:s24] =	stream.linear.scatter [tilespmem:s25], [sflag:$0x9], $0x2800, $0x38;
	[tilespmem:$0x1E800] =	vst v63  }
0x41: {  	_ =	swait.ge [sflag:s26], $0x2800  }
0x42: {  	[sflag:s26] =	ssyncset.done $0x0  }
0x43: {  	s13 =	rddreg [dreg:$0xf];
	[sflag:s26] =	ssyncadd.s32 $0xFFFFD800  }
0x44: {  	[spmem:s13] =	stream.linear.scatter [tilespmem:s25], [sflag:$0x9], $0x2800, $0x38;
	[tilespmem:$0x1E800] =	vst v63  }
0x45: {  	_ =	swait.ge [sflag:s26], $0x2800  }
0x46: {  	[sflag:s26] =	ssyncset.done $0x0  }
0x47: {  	s24 =	rddreg [dreg:$0x10];
	[sflag:s26] =	ssyncadd.s32 $0xFFFFD800  }
0x48: {  	[spmem:s24] =	stream.linear.scatter [tilespmem:s25], [sflag:$0x9], $0x2800, $0x38;
	[tilespmem:$0x1E800] =	vst v63  }
0x49: {  	_ =	swait.ge [sflag:s26], $0x2800  }
0x4a: {  	[sflag:s26] =	ssyncset.done $0x0  }
0x4b: {  	[sflag:s26] =	ssyncadd.s32 $0xFFFFD800  }
0x4c: {  	[spmem:s22] =	stream.linear.scatter [tilespmem:s25], [sflag:$0x9], $0x2800, $0x38;
	[tilespmem:$0x1E800] =	vst v63  }
0x4d: {  	_ =	swait.ge [sflag:s26], $0x2800  }
0x4e: {  	[sflag:s26] =	ssyncset.done $0x0  }
0x4f: {  	[sflag:s26] =	ssyncadd.s32 $0xFFFFD800  }
0x50: {  	[bflag:$0x0] =	sbarrier.arrive $0xFFFF  }
0x51: {  	s22 =	rddreg [dreg:$0x1c]  }
0x52: {  	[tilespmem:s5], [sflag:$0x9] =	stream.linear.gather [hbm4b:s22+s5], $0x800, $0x38;
	[tilespmem:$0x1E800] =	vst v63  }
0x53: {  	_ =	swait.ge [sflag:s26], $0x800  }
0x54: {  	[sflag:s26] =	ssyncset.done $0x0  }
0x55: {  	[sflag:s26] =	ssyncadd.s32 $0xFFFFF800  }
0x56: {  	[tilespmem:s25], [sflag:$0x1] =	stream.indirect.gather [hbm4b:s1+s28], $0x80, s5, s28, $0xb8;
	[tilespmem:$0x1E800] =	vst v63  }
0x57: {  	s12 =	rddreg [dreg:$0x5]  }
0x58: {  	[tilespmem:s29], [sflag:$0x2] =	stream.indirect.gather [hbm4b:s1+s28], $0x80, s12, s28, $0xb8;
	[tilespmem:$0x1E800] =	vst v63  }
0x59: {  	s24 =	rddreg [dreg:$0x6]  }
0x5a: {  	[tilespmem:s30], [sflag:$0x3] =	stream.indirect.gather [hbm4b:s1+s28], $0x80, s24, s28, $0xb8;
	[tilespmem:$0x1E800] =	vst v63  }
0x5b: {  	s12 =	rddreg [dreg:$0x7]  }
0x5c: {  	[tilespmem:s31], [sflag:$0x4] =	stream.indirect.gather [hbm4b:s1+s28], $0x80, s12, s28, $0xb8;
	[tilespmem:$0x1E800] =	vst v63  }
0x5d: {  	_ =	swait.ge [sflag:s3], $0x2800  }
0x5e: {  	[sflag:s3] =	ssyncset.done $0x0  }
0x5f: {  	s24 =	rddreg [dreg:$0x8];
	[sflag:s3] =	ssyncadd.s32 $0xFFFFD800  }
0x60: {  	[spmem:s4] =	stream.indirect.scatter.add.f32 [tilespmem:s25], [sflag:$0x5], $0x80, s24, s28, $0xb8;
	[tilespmem:$0x1E800] =	vst v63  }
0x61: {  	_ =	swait.ge [sflag:s0], $0x2800  }
0x62: {  	[sflag:s0] =	ssyncset.done $0x0  }
0x63: {  	s12 =	rddreg [dreg:$0x9];
	[sflag:s0] =	ssyncadd.s32 $0xFFFFD800  }
0x64: {  	[tilespmem:s25], [sflag:$0x1] =	stream.indirect.gather [hbm4b:s1+s28], $0x80, s12, s28, $0xb8;
	[tilespmem:$0x1E800] =	vst v63  }
0x65: {  	_ =	swait.ge [sflag:s2], $0x2800  }
0x66: {  	[sflag:s2] =	ssyncset.done $0x0  }
0x67: {  	[sflag:s2] =	ssyncadd.s32 $0xFFFFD800  }
0x68: {  	[spmem:s4] =	stream.indirect.scatter.add.f32 [tilespmem:s29], [sflag:$0x6], $0x80, s14, s28, $0xb8;
	[tilespmem:$0x1E800] =	vst v63  }
0x69: {  	_ =	swait.ge [sflag:s15], $0x2800  }
0x6a: {  	[sflag:s15] =	ssyncset.done $0x0  }
0x6b: {  	[sflag:s15] =	ssyncadd.s32 $0xFFFFD800  }
0x6c: {  	[tilespmem:s29], [sflag:$0x2] =	stream.indirect.gather [hbm4b:s1+s28], $0x80, s16, s28, $0xb8;
	[tilespmem:$0x1E800] =	vst v63  }
0x6d: {  	_ =	swait.ge [sflag:s17], $0x2800  }
0x6e: {  	[sflag:s17] =	ssyncset.done $0x0  }
0x6f: {  	[sflag:s17] =	ssyncadd.s32 $0xFFFFD800  }
0x70: {  	[spmem:s4] =	stream.indirect.scatter.add.f32 [tilespmem:s30], [sflag:$0x7], $0x80, s18, s28, $0xb8;
	[tilespmem:$0x1E800] =	vst v63  }
0x71: {  	_ =	swait.ge [sflag:s19], $0x2800  }
0x72: {  	[sflag:s19] =	ssyncset.done $0x0  }
0x73: {  	[sflag:s19] =	ssyncadd.s32 $0xFFFFD800  }
0x74: {  	[tilespmem:s30], [sflag:$0x3] =	stream.indirect.gather [hbm4b:s1+s28], $0x80, s20, s28, $0xb8;
	[tilespmem:$0x1E800] =	vst v63  }
0x75: {  	_ =	swait.ge [sflag:s21], $0x2800  }
0x76: {  	[sflag:s21] =	ssyncset.done $0x0  }
0x77: {  	[sflag:s21] =	ssyncadd.s32 $0xFFFFD800  }
0x78: {  	[spmem:s4] =	stream.indirect.scatter.add.f32 [tilespmem:s31], [sflag:$0x8], $0x80, s23, s28, $0xb8;
	[tilespmem:$0x1E800] =	vst v63  }
0x79: {  	_ =	swait.ge [sflag:s6], $0x2800  }
0x7a: {  	[sflag:s6] =	ssyncset.done $0x0  }
0x7b: {  	[sflag:s6] =	ssyncadd.s32 $0xFFFFD800  }
0x7c: {  	[tilespmem:s31], [sflag:$0x4] =	stream.indirect.gather [hbm4b:s1+s28], $0x80, s7, s28, $0xb8;
	[tilespmem:$0x1E800] =	vst v63  }
0x7d: {  	_ =	swait.ge [sflag:s3], $0x2800  }
0x7e: {  	[sflag:s3] =	ssyncset.done $0x0  }
0x7f: {  	[sflag:s3] =	ssyncadd.s32 $0xFFFFD800  }
0x80: {  	[spmem:s4] =	stream.indirect.scatter.add.f32 [tilespmem:s25], [sflag:$0x5], $0x80, s8, s28, $0xb8;
	[tilespmem:$0x1E800] =	vst v63  }
0x81: {  	_ =	swait.ge [sflag:s2], $0x2800  }
0x82: {  	[sflag:s2] =	ssyncset.done $0x0  }
0x83: {  	[sflag:s2] =	ssyncadd.s32 $0xFFFFD800  }
0x84: {  	[spmem:s4] =	stream.indirect.scatter.add.f32 [tilespmem:s29], [sflag:$0x6], $0x80, s9, s28, $0xb8;
	[tilespmem:$0x1E800] =	vst v63  }
0x85: {  	_ =	swait.ge [sflag:s17], $0x2800  }
0x86: {  	[sflag:s17] =	ssyncset.done $0x0  }
0x87: {  	[sflag:s17] =	ssyncadd.s32 $0xFFFFD800  }
0x88: {  	[spmem:s4] =	stream.indirect.scatter.add.f32 [tilespmem:s30], [sflag:$0x7], $0x80, s10, s28, $0xb8;
	[tilespmem:$0x1E800] =	vst v63  }
0x89: {  	_ =	swait.ge [sflag:s21], $0x2800  }
0x8a: {  	[sflag:s21] =	ssyncset.done $0x0  }
0x8b: {  	[sflag:s21] =	ssyncadd.s32 $0xFFFFD800  }
0x8c: {  	[spmem:s4] =	stream.indirect.scatter.add.f32 [tilespmem:s31], [sflag:$0x8], $0x80, s11, s28, $0xb8;
	[tilespmem:$0x1E800] =	vst v63  }
0x8d: {  	_ =	swait.ge [sflag:s0], $0x2800  }
0x8e: {  	[sflag:s0] =	ssyncset.done $0x0  }
0x8f: {  	[sflag:s0] =	ssyncadd.s32 $0xFFFFD800  }
0x90: {  	_ =	swait.ge [sflag:s15], $0x2800  }
0x91: {  	[sflag:s15] =	ssyncset.done $0x0  }
0x92: {  	[sflag:s15] =	ssyncadd.s32 $0xFFFFD800  }
0x93: {  	_ =	swait.ge [sflag:s19], $0x2800  }
0x94: {  	s24 =	rddreg [dreg:$0x1a]  }
0x95: {  	p0 =	sne.s32 s24, $0x1  }
.Ltmp0:
0x96: {  	_ = 	snop;
	(pc) =	sbr.rel @!p0 .LBB2_3-.Ltmp0, $4  }
0x97: {  	[sflag:s19] =	ssyncset.done $0x0  }
0x98: {  	[sflag:s19] =	ssyncadd.s32 $0xFFFFD800  }
0x99: {  	_ =	swait.ge [sflag:s6], $0x2800  }
0x9a: {  	s13 =	sadd.s32 $0xFFFFFFFF, s24;
	s24 =	smov.u32 s22;
	[sflag:s6] =	ssyncset.done $0x0  }
.LBB2_2:
0x9b: {  	[sflag:s6] =	ssyncadd.s32 $0xFFFFD800;
	s24 =	sadd.s32 $0x100, s24  }
0x9c: {  	[tilespmem:s5], [sflag:$0x9] =	stream.linear.gather [hbm4b:s24+s5], $0x800, $0x38;
	[tilespmem:$0x1E800] =	vst v63  }
0x9d: {  	_ =	swait.ge [sflag:s26], $0x800  }
0x9e: {  	[sflag:s26] =	ssyncset.done $0x0  }
0x9f: {  	[sflag:s26] =	ssyncadd.s32 $0xFFFFF800  }
0xa0: {  	[tilespmem:s25], [sflag:$0x1] =	stream.indirect.gather [hbm4b:s1+s28], $0x80, s5, s28, $0xb8;
	[tilespmem:$0x1E800] =	vst v63  }
0xa1: {  	s22 =	rddreg [dreg:$0x5]  }
0xa2: {  	[tilespmem:s29], [sflag:$0x2] =	stream.indirect.gather [hbm4b:s1+s28], $0x80, s22, s28, $0xb8;
	[tilespmem:$0x1E800] =	vst v63  }
0xa3: {  	s12 =	rddreg [dreg:$0x6]  }
0xa4: {  	[tilespmem:s30], [sflag:$0x3] =	stream.indirect.gather [hbm4b:s1+s28], $0x80, s12, s28, $0xb8;
	[tilespmem:$0x1E800] =	vst v63  }
0xa5: {  	s22 =	rddreg [dreg:$0x7]  }
0xa6: {  	[tilespmem:s31], [sflag:$0x4] =	stream.indirect.gather [hbm4b:s1+s28], $0x80, s22, s28, $0xb8;
	[tilespmem:$0x1E800] =	vst v63  }
0xa7: {  	_ =	swait.ge [sflag:s3], $0x2800  }
0xa8: {  	[sflag:s3] =	ssyncset.done $0x0  }
0xa9: {  	s22 =	rddreg [dreg:$0x8];
	[sflag:s3] =	ssyncadd.s32 $0xFFFFD800  }
0xaa: {  	[spmem:s4] =	stream.indirect.scatter.add.f32 [tilespmem:s25], [sflag:$0x5], $0x80, s22, s28, $0xb8;
	[tilespmem:$0x1E800] =	vst v63  }
0xab: {  	_ =	swait.ge [sflag:s0], $0x2800  }
0xac: {  	[sflag:s0] =	ssyncset.done $0x0  }
0xad: {  	s22 =	rddreg [dreg:$0x9];
	[sflag:s0] =	ssyncadd.s32 $0xFFFFD800  }
0xae: {  	[tilespmem:s25], [sflag:$0x1] =	stream.indirect.gather [hbm4b:s1+s28], $0x80, s22, s28, $0xb8;
	[tilespmem:$0x1E800] =	vst v63  }
0xaf: {  	_ =	swait.ge [sflag:s2], $0x2800  }
0xb0: {  	[sflag:s2] =	ssyncset.done $0x0  }
0xb1: {  	[sflag:s2] =	ssyncadd.s32 $0xFFFFD800  }
0xb2: {  	[spmem:s4] =	stream.indirect.scatter.add.f32 [tilespmem:s29], [sflag:$0x6], $0x80, s14, s28, $0xb8;
	[tilespmem:$0x1E800] =	vst v63  }
0xb3: {  	_ =	swait.ge [sflag:s15], $0x2800  }
0xb4: {  	[sflag:s15] =	ssyncset.done $0x0  }
0xb5: {  	[sflag:s15] =	ssyncadd.s32 $0xFFFFD800  }
0xb6: {  	[tilespmem:s29], [sflag:$0x2] =	stream.indirect.gather [hbm4b:s1+s28], $0x80, s16, s28, $0xb8;
	[tilespmem:$0x1E800] =	vst v63  }
0xb7: {  	_ =	swait.ge [sflag:s17], $0x2800  }
0xb8: {  	[sflag:s17] =	ssyncset.done $0x0  }
0xb9: {  	[sflag:s17] =	ssyncadd.s32 $0xFFFFD800  }
0xba: {  	[spmem:s4] =	stream.indirect.scatter.add.f32 [tilespmem:s30], [sflag:$0x7], $0x80, s18, s28, $0xb8;
	[tilespmem:$0x1E800] =	vst v63  }
0xbb: {  	_ =	swait.ge [sflag:s19], $0x2800  }
0xbc: {  	[sflag:s19] =	ssyncset.done $0x0  }
0xbd: {  	[sflag:s19] =	ssyncadd.s32 $0xFFFFD800  }
0xbe: {  	[tilespmem:s30], [sflag:$0x3] =	stream.indirect.gather [hbm4b:s1+s28], $0x80, s20, s28, $0xb8;
	[tilespmem:$0x1E800] =	vst v63  }
0xbf: {  	_ =	swait.ge [sflag:s21], $0x2800  }
0xc0: {  	[sflag:s21] =	ssyncset.done $0x0  }
0xc1: {  	[sflag:s21] =	ssyncadd.s32 $0xFFFFD800  }
0xc2: {  	[spmem:s4] =	stream.indirect.scatter.add.f32 [tilespmem:s31], [sflag:$0x8], $0x80, s23, s28, $0xb8;
	[tilespmem:$0x1E800] =	vst v63  }
0xc3: {  	_ =	swait.ge [sflag:s6], $0x2800  }
0xc4: {  	[sflag:s6] =	ssyncset.done $0x0  }
0xc5: {  	[sflag:s6] =	ssyncadd.s32 $0xFFFFD800  }
0xc6: {  	[tilespmem:s31], [sflag:$0x4] =	stream.indirect.gather [hbm4b:s1+s28], $0x80, s7, s28, $0xb8;
	[tilespmem:$0x1E800] =	vst v63  }
0xc7: {  	_ =	swait.ge [sflag:s3], $0x2800  }
0xc8: {  	[sflag:s3] =	ssyncset.done $0x0  }
0xc9: {  	[sflag:s3] =	ssyncadd.s32 $0xFFFFD800  }
0xca: {  	[spmem:s4] =	stream.indirect.scatter.add.f32 [tilespmem:s25], [sflag:$0x5], $0x80, s8, s28, $0xb8;
	[tilespmem:$0x1E800] =	vst v63  }
0xcb: {  	_ =	swait.ge [sflag:s2], $0x2800  }
0xcc: {  	[sflag:s2] =	ssyncset.done $0x0  }
0xcd: {  	[sflag:s2] =	ssyncadd.s32 $0xFFFFD800  }
0xce: {  	[spmem:s4] =	stream.indirect.scatter.add.f32 [tilespmem:s29], [sflag:$0x6], $0x80, s9, s28, $0xb8;
	[tilespmem:$0x1E800] =	vst v63  }
0xcf: {  	_ =	swait.ge [sflag:s17], $0x2800  }
0xd0: {  	[sflag:s17] =	ssyncset.done $0x0  }
0xd1: {  	[sflag:s17] =	ssyncadd.s32 $0xFFFFD800  }
0xd2: {  	[spmem:s4] =	stream.indirect.scatter.add.f32 [tilespmem:s30], [sflag:$0x7], $0x80, s10, s28, $0xb8;
	[tilespmem:$0x1E800] =	vst v63  }
0xd3: {  	_ =	swait.ge [sflag:s21], $0x2800  }
0xd4: {  	[sflag:s21] =	ssyncset.done $0x0  }
0xd5: {  	[sflag:s21] =	ssyncadd.s32 $0xFFFFD800  }
0xd6: {  	[spmem:s4] =	stream.indirect.scatter.add.f32 [tilespmem:s31], [sflag:$0x8], $0x80, s11, s28, $0xb8;
	[tilespmem:$0x1E800] =	vst v63  }
0xd7: {  	_ =	swait.ge [sflag:s0], $0x2800  }
0xd8: {  	[sflag:s0] =	ssyncset.done $0x0  }
0xd9: {  	[sflag:s0] =	ssyncadd.s32 $0xFFFFD800  }
0xda: {  	_ =	swait.ge [sflag:s15], $0x2800  }
0xdb: {  	[sflag:s15] =	ssyncset.done $0x0  }
0xdc: {  	p0 =	sne.s32 s13, $0x1;
	[sflag:s15] =	ssyncadd.s32 $0xFFFFD800  }
.Ltmp1:
0xdd: {  	_ =	swait.ge [sflag:s19], $0x2800;
	(pc) =	sbr.rel @p0 .LBB2_2-.Ltmp1, $4  }
0xde: {  	[sflag:s19] =	ssyncset.done $0x0  }
0xdf: {  	[sflag:s19] =	ssyncadd.s32 $0xFFFFD800  }
0xe0: {  	_ =	swait.ge [sflag:s6], $0x2800  }
0xe1: {  	s13 =	sadd.s32 $0xFFFFFFFF, s13;
	[sflag:s6] =	ssyncset.done $0x0  }
.LBB2_3:
0xe2: {  	[sflag:s6] =	ssyncadd.s32 $0xFFFFD800  }
0xe3: {  	[bflag:$0x0] =	sbarrier.arrive $0xFFFF  }
0xe4: {  	s12 =	rddreg [dreg:$0xa]  }
0xe5: {  	[tilespmem:s25], [sflag:$0x9] =	stream.linear.gather [spmem:s12], $0x2800, $0x38;
	[tilespmem:$0x1E800] =	vst v63  }
0xe6: {  	_ =	swait.ge [sflag:s26], $0x2800  }
0xe7: {  	[sflag:s26] =	ssyncset.done $0x0  }
0xe8: {  	s22 =	rddreg [dreg:$0x12];
	[sflag:s26] =	ssyncadd.s32 $0xFFFFD800  }
0xe9: {  	[hbm4b:s22+s5] =	stream.linear.scatter [tilespmem:s25], [sflag:$0x9], $0x2800, $0x38;
	[tilespmem:$0x1E800] =	vst v63  }
0xea: {  	_ =	swait.ge [sflag:s26], $0x2800  }
0xeb: {  	[sflag:s26] =	ssyncset.done $0x0  }
0xec: {  	s24 =	rddreg [dreg:$0xb];
	[sflag:s26] =	ssyncadd.s32 $0xFFFFD800  }
0xed: {  	[tilespmem:s25], [sflag:$0x9] =	stream.linear.gather [spmem:s24], $0x2800, $0x38;
	[tilespmem:$0x1E800] =	vst v63  }
0xee: {  	_ =	swait.ge [sflag:s26], $0x2800  }
0xef: {  	[sflag:s26] =	ssyncset.done $0x0  }
0xf0: {  	s13 =	rddreg [dreg:$0x13];
	[sflag:s26] =	ssyncadd.s32 $0xFFFFD800  }
0xf1: {  	[hbm4b:s13+s5] =	stream.linear.scatter [tilespmem:s25], [sflag:$0x9], $0x2800, $0x38;
	[tilespmem:$0x1E800] =	vst v63  }
0xf2: {  	_ =	swait.ge [sflag:s26], $0x2800  }
0xf3: {  	[sflag:s26] =	ssyncset.done $0x0  }
0xf4: {  	s13 =	rddreg [dreg:$0xc];
	[sflag:s26] =	ssyncadd.s32 $0xFFFFD800  }
0xf5: {  	[tilespmem:s25], [sflag:$0x9] =	stream.linear.gather [spmem:s13], $0x2800, $0x38;
	[tilespmem:$0x1E800] =	vst v63  }
0xf6: {  	_ =	swait.ge [sflag:s26], $0x2800  }
0xf7: {  	[sflag:s26] =	ssyncset.done $0x0  }
0xf8: {  	s22 =	rddreg [dreg:$0x14];
	[sflag:s26] =	ssyncadd.s32 $0xFFFFD800  }
0xf9: {  	[hbm4b:s22+s5] =	stream.linear.scatter [tilespmem:s25], [sflag:$0x9], $0x2800, $0x38;
	[tilespmem:$0x1E800] =	vst v63  }
0xfa: {  	_ =	swait.ge [sflag:s26], $0x2800  }
0xfb: {  	[sflag:s26] =	ssyncset.done $0x0  }
0xfc: {  	s24 =	rddreg [dreg:$0xd];
	[sflag:s26] =	ssyncadd.s32 $0xFFFFD800  }
0xfd: {  	[tilespmem:s25], [sflag:$0x9] =	stream.linear.gather [spmem:s24], $0x2800, $0x38;
	[tilespmem:$0x1E800] =	vst v63  }
0xfe: {  	_ =	swait.ge [sflag:s26], $0x2800  }
0xff: {  	[sflag:s26] =	ssyncset.done $0x0  }
0x100: {  	s22 =	rddreg [dreg:$0x15];
	[sflag:s26] =	ssyncadd.s32 $0xFFFFD800  }
0x101: {  	[hbm4b:s22+s5] =	stream.linear.scatter [tilespmem:s25], [sflag:$0x9], $0x2800, $0x38;
	[tilespmem:$0x1E800] =	vst v63  }
0x102: {  	_ =	swait.ge [sflag:s26], $0x2800  }
0x103: {  	[sflag:s26] =	ssyncset.done $0x0  }
0x104: {  	s24 =	rddreg [dreg:$0xe];
	[sflag:s26] =	ssyncadd.s32 $0xFFFFD800  }
0x105: {  	[tilespmem:s25], [sflag:$0x9] =	stream.linear.gather [spmem:s24], $0x2800, $0x38;
	[tilespmem:$0x1E800] =	vst v63  }
0x106: {  	_ =	swait.ge [sflag:s26], $0x2800  }
0x107: {  	[sflag:s26] =	ssyncset.done $0x0  }
0x108: {  	s22 =	rddreg [dreg:$0x16];
	[sflag:s26] =	ssyncadd.s32 $0xFFFFD800  }
0x109: {  	[hbm4b:s22+s5] =	stream.linear.scatter [tilespmem:s25], [sflag:$0x9], $0x2800, $0x38;
	[tilespmem:$0x1E800] =	vst v63  }
0x10a: {  	_ =	swait.ge [sflag:s26], $0x2800  }
0x10b: {  	[sflag:s26] =	ssyncset.done $0x0  }
0x10c: {  	s24 =	rddreg [dreg:$0xf];
	[sflag:s26] =	ssyncadd.s32 $0xFFFFD800  }
0x10d: {  	[tilespmem:s25], [sflag:$0x9] =	stream.linear.gather [spmem:s24], $0x2800, $0x38;
	[tilespmem:$0x1E800] =	vst v63  }
0x10e: {  	_ =	swait.ge [sflag:s26], $0x2800  }
0x10f: {  	[sflag:s26] =	ssyncset.done $0x0  }
0x110: {  	s22 =	rddreg [dreg:$0x17];
	[sflag:s26] =	ssyncadd.s32 $0xFFFFD800  }
0x111: {  	[hbm4b:s22+s5] =	stream.linear.scatter [tilespmem:s25], [sflag:$0x9], $0x2800, $0x38;
	[tilespmem:$0x1E800] =	vst v63  }
0x112: {  	_ =	swait.ge [sflag:s26], $0x2800  }
0x113: {  	[sflag:s26] =	ssyncset.done $0x0  }
0x114: {  	s24 =	rddreg [dreg:$0x10];
	[sflag:s26] =	ssyncadd.s32 $0xFFFFD800  }
0x115: {  	[tilespmem:s25], [sflag:$0x9] =	stream.linear.gather [spmem:s24], $0x2800, $0x38;
	[tilespmem:$0x1E800] =	vst v63  }
0x116: {  	_ =	swait.ge [sflag:s26], $0x2800  }
0x117: {  	[sflag:s26] =	ssyncset.done $0x0  }
0x118: {  	s22 =	rddreg [dreg:$0x18];
	[sflag:s26] =	ssyncadd.s32 $0xFFFFD800  }
0x119: {  	[hbm4b:s22+s5] =	stream.linear.scatter [tilespmem:s25], [sflag:$0x9], $0x2800, $0x38;
	[tilespmem:$0x1E800] =	vst v63  }
0x11a: {  	_ =	swait.ge [sflag:s26], $0x2800  }
0x11b: {  	[sflag:s26] =	ssyncset.done $0x0  }
0x11c: {  	s22 =	rddreg [dreg:$0x11];
	[sflag:s26] =	ssyncadd.s32 $0xFFFFD800  }
0x11d: {  	[tilespmem:s25], [sflag:$0x9] =	stream.linear.gather [spmem:s22], $0x2800, $0x38;
	[tilespmem:$0x1E800] =	vst v63  }
0x11e: {  	_ =	swait.ge [sflag:s26], $0x2800  }
0x11f: {  	[sflag:s26] =	ssyncset.done $0x0  }
0x120: {  	s24 =	rddreg [dreg:$0x19];
	[sflag:s26] =	ssyncadd.s32 $0xFFFFD800  }
0x121: {  	[hbm4b:s24+s5] =	stream.linear.scatter [tilespmem:s25], [sflag:$0x9], $0x2800, $0x38;
	[tilespmem:$0x1E800] =	vst v63  }
0x122: {  	_ =	swait.ge [sflag:s26], $0x2800  }
0x123: {  	s24 =	rddreg [dreg:$0x1d]  }
0x124: {  	s12 =	rddreg [dreg:$0x1b];
	s24 =	sadd.s32 $0x1, s24  }
0x125: {  	p0 =	sne.s32 s24, s12  }
.Ltmp2:
0x126: {  	_ = 	snop;
	(pc) =	sbr.rel @p0 .LBB2_1-.Ltmp2, $3  }
0x127: {  	_ =	sdelay $0x1  }
0x128: {  	[sflag:s26] =	ssyncset.done $0x0;
	[dreg:$0x1d] =	wrdreg s24  }
0x129: {  	[sflag:s26] =	ssyncadd.s32 $0xFFFFD800;
	s24 =	rddreg [dreg:$0xa]  }
0x12a: {  	_ =	sfence.sel $0x180000  }
0x12b: {  	[bflag:$0x0] =	sbarrier.arrive $0xFFFF  }
0x12c: {  	_ =	strace $0x9000004A  }
0x12d: {  	s0 =	stileid.u32;
	[bflag:$0x2] =	sbarrier.arrive $0xFFFF  }
0x12e: {  	p0 =	sne.s32 s0, $0x0;
	s0 =	rddreg [dreg:$0x4]  }
0x12f: {  	s0 =	sadd.s32 @!p0 $0x100000, s0  }
0x130: {  	[sflag:s0] =	ssyncadd.tile.s32 @!p0 $0x1;
	_ =	shalt  }
.Lfunc_end2:
_tile_overlayer_lowered:
.L_overlay_start_2:
0x131: {  	(tag) =	ssettag $0x2  }
0x132: {  	s0 =	rddreg [dreg:$0x0];
	s2 =	stileid.u32  }
0x133: {  	s1 =	rddreg [dreg:$0x1];
	p0 =	sne.s32 s2, $0x0  }
0x134: {  	s3 =	rddreg [dreg:$0x2];
	[bflag:$0x3] =	sbarrier.arrive $0xFFFF;
	s2 =	simm.s32 @!p0 $0x1C09  }
0x135: {  	[timem:s3], [sflag:s2] =	dma.local @!p0 [hbm:s0], s1  }
0x136: {  	s0 =	simm.s32 @!p0 $0x9  }
0x137: {  	_ =	swait.ge @!p0 [sflag:s0], s1  }
0x138: {  	s1 =	ssub.s32 @!p0 $0x0, s1;
	[sflag:s0] =	ssyncset.done @!p0 $0x0  }
0x139: {  	[sflag:s0] =	ssyncadd.s32 @!p0 s1  }
0x13a: {  	[bflag:$0x3] =	sbarrier.arrive $0xFFFF  }
0x13b: {  	_ =	shalt  }

</sc_bundles>
